<compile_context>
chip_gen: v7x
topology: tpu7x:2x2x1
jax: 0.10.2.dev20260603
libtpu: 0.0.44.dev20260713+nightly
codegen_flags: <defaults>
</compile_context>

<pallas_src>
import functools

import jax
import jax.numpy as jnp
from jax import lax
from jax.experimental import pallas as pl
from jax.experimental.pallas import tpu as pltpu
from jax.experimental.pallas import tpu_sc as plsc

_NW = 32
_CH = 32


def _sc_rowsum_body(w2_hbm, out_hbm, buf0, buf1, stage, sem0, sem1, *,
                    d, rpt, row_map):
    t = lax.axis_index("s") * 2 + lax.axis_index("c")
    row0 = row_map(t)
    out0 = t * rpt
    nchunks = rpt // _CH
    bufs = (buf0, buf1)
    sems = (sem0, sem1)

    def start(ci):
        return pltpu.async_copy(
            w2_hbm.at[pl.ds(row0 + ci * _CH, _CH)],
            bufs[ci % 2], sems[ci % 2])

    handles = [None, None]
    handles[0] = start(0)
    for ci in range(nchunks):
        if ci + 1 < nchunks:
            handles[(ci + 1) % 2] = start(ci + 1)
        handles[ci % 2].wait()
        buf = bufs[ci % 2]

        def row_body(r, _):
            def body(j, acc):
                return acc + buf[r, pl.ds(j * 16, 16)]

            acc = lax.fori_loop(0, d // 16, body,
                               jnp.zeros((16,), jnp.float32), unroll=8)
            stage[pl.ds((ci * _CH + r) * 16, 16)] = acc
            return 0

        lax.fori_loop(0, _CH, row_body, 0)
    pltpu.sync_copy(stage, out_hbm.at[pl.ds(out0 * 16, rpt * 16)])


def _sc_w2sum(w2flat, *, n_e, n_h, h0, hs, d):
    tiles_per_e = _NW // n_e
    rpt = hs // tiles_per_e
    mesh = plsc.VectorSubcoreMesh(core_axis_name="c", subcore_axis_name="s")
    body = functools.partial(
        _sc_rowsum_body,
        d=d, rpt=rpt,
        row_map=lambda t: (t // tiles_per_e) * n_h + h0 + (t % tiles_per_e) * rpt)
    run = pl.kernel(
        body,
        out_type=jax.ShapeDtypeStruct((n_e * hs * 16,), jnp.float32),
        mesh=mesh,
        scratch_types=[
            pltpu.VMEM((_CH, d), jnp.float32),
            pltpu.VMEM((_CH, d), jnp.float32),
            pltpu.VMEM((rpt * 16,), jnp.float32),
            pltpu.SemaphoreType.DMA,
            pltpu.SemaphoreType.DMA,
        ],
    )
    return run(w2flat)


def _w2sum_kernel(w2_ref, w2sum_ref):
    w2b = w2_ref[0]
    ones = jnp.ones((1, w2b.shape[1]), jnp.float32)
    w2sum_ref[0] = jax.lax.dot_general(ones, w2b, (((1,), (1,)), ((), ())),
                                       preferred_element_type=jnp.float32)


def _weff_kernel(w1_ref, w2sum_tc_ref, p_ref, weff_ref, w2sum_ref):
    dstep = pl.program_id(1)
    pm = p_ref[0]
    ones = jnp.ones((1, 16), jnp.float32)
    s_sc = jax.lax.dot_general(ones, pm, (((1,), (1,)), ((), ())),
                               preferred_element_type=jnp.float32)
    s = jnp.concatenate([w2sum_tc_ref[0], s_sc], axis=1)

    @pl.when(dstep == 0)
    def _emit_w2sum():
        w2sum_ref[0] = s

    w1b = w1_ref[0]
    weff_ref[0] = jax.lax.dot_general(s, w1b, (((1,), (1,)), ((), ())),
                                      preferred_element_type=jnp.float32)


def _cumsum_lanes(a, n):
    col = jax.lax.broadcasted_iota(jnp.int32, a.shape, 1)
    acc = a
    sh = 1
    while sh < n:
        rolled = pltpu.roll(acc, sh, axis=1)
        acc = acc + jnp.where(col >= sh, rolled, 0.0)
        sh *= 2
    return acc


def _route_kernel(x_ref, w_ref, b1_ref, b2_ref, w2sum_ref, out_ref, *, cap):
    x = x_ref[...]
    t = x.shape[0]
    e = w_ref.shape[0] // 2
    ls = jax.lax.dot_general(w_ref[...], x, (((1,), (1,)), ((), ())),
                             preferred_element_type=jnp.float32)
    beff = (jnp.sum(b1_ref[...] * w2sum_ref[...], axis=1, keepdims=True)
            + jnp.sum(b2_ref[...], axis=1, keepdims=True))
    lg = ls[:e]
    sc = ls[e:] + beff

    eidx = jax.lax.broadcasted_iota(jnp.int32, (e, t), 0)
    mx1 = jnp.max(lg, axis=0, keepdims=True)
    idx1 = jnp.min(jnp.where(lg == mx1, eidx, e), axis=0, keepdims=True)
    m1 = (eidx == idx1).astype(jnp.float32)
    lg2 = jnp.where(m1 > 0, -jnp.inf, lg)
    mx2 = jnp.max(lg2, axis=0, keepdims=True)
    idx2 = jnp.min(jnp.where(lg2 == mx2, eidx, e), axis=0, keepdims=True)
    m2 = (eidx == idx2).astype(jnp.float32)

    eg = jnp.exp(lg - mx1)
    gates = eg / jnp.sum(eg, axis=0, keepdims=True)
    g1 = jnp.sum(gates * m1, axis=0, keepdims=True)
    g2 = jnp.sum(gates * m2, axis=0, keepdims=True)
    den = g1 + g2 + 1e-9
    g1n = g1 / den
    g2n = g2 / den

    loc1 = _cumsum_lanes(m1, t) - m1
    count1 = jnp.sum(m1, axis=1, keepdims=True)
    loc2 = _cumsum_lanes(m2, t) - m2 + count1
    m1k = m1 * (loc1 < cap).astype(jnp.float32)
    m2k = m2 * (loc2 < cap).astype(jnp.float32)

    comb = m1k * g1n + m2k * g2n
    osum = jnp.sum(sc * comb, axis=0, keepdims=True)

    mo = jnp.max(osum, axis=1, keepdims=True)
    z = osum - mo
    lse = jnp.log(jnp.sum(jnp.exp(z), axis=1, keepdims=True))
    out_ref[...] = z - lse


def kernel(input, wg, w1, b1, w2, b2):
    b, s, d = input.shape
    t = b * s
    e = wg.shape[1]
    h = w1.shape[2]
    cap = (2 * t) // e

    xf = input.reshape(t, d)

    hs = 1024
    h0 = h - hs
    w2sum_sc = _sc_w2sum(w2.reshape(e * h, d), n_e=e, n_h=h, h0=h0, hs=hs, d=d)

    hb = 1024
    w2sum_tc = pl.pallas_call(
        _w2sum_kernel,
        grid=(e, h0 // hb),
        in_specs=[pl.BlockSpec((1, hb, d), lambda i, j: (i, j, 0))],
        out_specs=pl.BlockSpec((1, 1, hb), lambda i, j: (i, 0, j)),
        out_shape=jax.ShapeDtypeStruct((e, 1, h0), jnp.float32),
    )(w2)

    db = 512
    weff3, w2sum = pl.pallas_call(
        _weff_kernel,
        grid=(e, d // db),
        in_specs=[
            pl.BlockSpec((1, db, h), lambda i, j: (i, j, 0)),
            pl.BlockSpec((1, 1, h0), lambda i, j: (i, 0, 0)),
            pl.BlockSpec((1, hs, 16), lambda i, j: (i, 0, 0)),
        ],
        out_specs=[
            pl.BlockSpec((1, 1, db), lambda i, j: (i, 0, j)),
            pl.BlockSpec((1, 1, h), lambda i, j: (i, 0, 0)),
        ],
        out_shape=[
            jax.ShapeDtypeStruct((e, 1, d), jnp.float32),
            jax.ShapeDtypeStruct((e, 1, h), jnp.float32),
        ],
    )(w1, w2sum_tc, w2sum_sc.reshape(e, hs, 16))

    wcat = jnp.concatenate([wg.T, weff3.reshape(e, d)], axis=0)

    out = pl.pallas_call(
        functools.partial(_route_kernel, cap=float(cap)),
        out_shape=jax.ShapeDtypeStruct((1, t), jnp.float32),
    )(xf, wcat, b1, b2, w2sum.reshape(e, h))
    return out.reshape(b, s)

# --- scband reference (transcript-rebuilt; emitter-appended) ---
"""Pipeline reference for scband-example-model-58815282152186 (READ-ONLY COPY).

The authoritative reference and input builder live on the scoring server;
editing this copy changes nothing except your own understanding.
"""

import jax, jax.numpy as jnp
import numpy as np

B, S, D, E, H, K = 1, 2048, 1024, 8, 4096, 2
T = B * S
C = (K * T) // E  # capacity per expert (capacity_factor=1.0)


def setup_inputs(seed: int = 0) -> dict:
    key = jax.random.key(seed)
    ks = jax.random.split(key, 6)
    return {
        "input": jax.random.normal(ks[0], (B, S, D), dtype=jnp.float32),
        "wg": jax.random.normal(ks[1], (D, E), dtype=jnp.float32) * 0.02,
        "w1": jax.random.normal(ks[2], (E, D, H), dtype=jnp.float32) * (1.0 / np.sqrt(D)),
        "b1": jnp.zeros((E, H), dtype=jnp.float32),
        "w2": jax.random.normal(ks[3], (E, H, D), dtype=jnp.float32) * (1.0 / np.sqrt(H)),
        "b2": jnp.zeros((E, D), dtype=jnp.float32),
    }


def _moe(x, wg, w1, b1, w2, b2):
    xf = x.reshape(T, D)
    logits = xf @ wg                                   # [T, E] router
    gates = jax.nn.softmax(logits, axis=-1)
    # top-1
    idx1 = jnp.argmax(gates, axis=-1)
    m1 = jax.nn.one_hot(idx1, E, dtype=logits.dtype)
    # top-2 (mask out top-1)
    logits_wo1 = jnp.where(m1 > 0, -jnp.inf, logits)
    idx2 = jnp.argmax(logits_wo1, axis=-1)
    m2 = jax.nn.one_hot(idx2, E, dtype=logits.dtype)
    g1 = jnp.sum(gates * m1, axis=-1)
    g2 = jnp.sum(gates * m2, axis=-1)
    denom = g1 + g2 + 1e-9
    g1 = g1 / denom
    g2 = g2 / denom
    # capacity-based locations (tokens beyond capacity are dropped)
    loc1 = jnp.cumsum(m1, axis=0) - m1
    loc2 = jnp.cumsum(m2, axis=0) - m2 + jnp.sum(m1, axis=0, keepdims=True)
    m1 = m1 * (loc1 < C)
    m2 = m2 * (loc2 < C)
    p1 = jnp.sum(loc1 * m1, axis=-1).astype(jnp.int32)
    p2 = jnp.sum(loc2 * m2, axis=-1).astype(jnp.int32)
    v1 = jnp.sum(m1, axis=-1)  # 0/1 keep flag
    v2 = jnp.sum(m2, axis=-1)
    # dispatch: scatter tokens into per-expert buffers [E, C, D]
    buf = jnp.zeros((E, C, D), dtype=xf.dtype)
    buf = buf.at[idx1, p1].add(xf * v1[:, None])
    buf = buf.at[idx2, p2].add(xf * v2[:, None])
    # expert FFN (activation_fn = identity, as in the original)
    h = jnp.einsum('ecd,edh->ech', buf, w1) + b1[:, None, :]
    y = jnp.einsum('ech,ehd->ecd', h, w2) + b2[:, None, :]
    # combine: gather expert outputs back to tokens, weighted by gates
    out = (g1 * v1)[:, None] * y[idx1, p1] + (g2 * v2)[:, None] * y[idx2, p2]
    return out.reshape(B, S, D)


def reference(input, wg, w1, b1, w2, b2):
    moe_out = _moe(input, wg, w1, b1, w2, b2)
    return jax.nn.log_softmax(jnp.sum(moe_out, axis=2), axis=1)

if __name__ == "__main__":
    import jax
    _d = setup_inputs()
    print(jax.jit(kernel)(*tuple(_d.values())))

</pallas_src>

<mosaic_0001>
#map = affine_map<(d0, d1) -> (0, 0)>
#map1 = affine_map<(d0, d1) -> (0)>
module attributes {stable_mosaic.version = 14 : i64} {
  func.func @_sc_rowsum_body(%arg0: i32, %arg1: i32, %arg2: memref<32768x1024xf32, #tpu.memory_space<hbm>>, %arg3: memref<131072xf32, #tpu.memory_space<hbm>>, %arg4: memref<32x1024xf32, #tpu.memory_space<vmem>>, %arg5: memref<32x1024xf32, #tpu.memory_space<vmem>>, %arg6: memref<4096xf32, #tpu.memory_space<vmem>>, %arg7: memref<!tpu.dma_semaphore, #tpu.memory_space<semaphore_mem>>, %arg8: memref<!tpu.dma_semaphore, #tpu.memory_space<semaphore_mem>>) attributes {dimension_semantics = [#tpu.dimension_semantics<core_parallel>, #tpu.dimension_semantics<subcore_parallel>], iteration_bounds = array<i64: 2, 16>, scalar_prefetch = 0 : i64, scratch_operands = 5 : i64, tpu.core_type = #tpu.core_type<sc_vector_subcore>, window_params = [{transform_indices = #map}, {transform_indices = #map1}]} {
    %mul3A = arith.constant 2 : i32
    %mul3A_0 = arith.muli %arg1, %mul3A : i32
    %add3A = arith.addi %mul3A_0, %arg0 : i32
    %jit3A = arith.constant 4 : i32
    %div3A = arith.divsi %add3A, %jit3A : i32
    %sign3A = arith.constant 0 : i32
    %sign3A_1 = arith.cmpi sgt, %add3A, %sign3A : i32
    %sign3A_2 = arith.extui %sign3A_1 : i1 to i32
    %sign3A_3 = arith.constant 0 : i32
    %sign3A_4 = arith.cmpi slt, %add3A, %sign3A_3 : i32
    %sign3A_5 = arith.extui %sign3A_4 : i1 to i32
    %sign3A_6 = arith.subi %sign3A_2, %sign3A_5 : i32
    %sign3A_7 = arith.constant 0 : i32
    %sign3A_8 = arith.cmpi sgt, %jit3A, %sign3A_7 : i32
    %sign3A_9 = arith.extui %sign3A_8 : i1 to i32
    %sign3A_10 = arith.constant 0 : i32
    %sign3A_11 = arith.cmpi slt, %jit3A, %sign3A_10 : i32
    %sign3A_12 = arith.extui %sign3A_11 : i1 to i32
    %sign3A_13 = arith.subi %sign3A_9, %sign3A_12 : i32
    %ne3A = arith.cmpi ne, %sign3A_6, %sign3A_13 : i32
    %rem3A = arith.remsi %add3A, %jit3A : i32
    %ne3A_14 = arith.constant 0 : i32
    %ne3A_15 = arith.cmpi ne, %rem3A, %ne3A_14 : i32
    %and3A = arith.andi %ne3A, %ne3A_15 : i1
    %sub3A = arith.constant 1 : i32
    %sub3A_16 = arith.subi %div3A, %sub3A : i32
    %select_n3A = arith.select %and3A, %sub3A_16, %div3A : i32
    %mul3A_17 = arith.constant 4096 : i32
    %mul3A_18 = arith.muli %select_n3A, %mul3A_17 : i32
    %add3A_19 = arith.constant 3072 : i32
    %add3A_20 = arith.addi %mul3A_18, %add3A_19 : i32
    %jit3A_21 = arith.constant 4 : i32
    %eq3A = arith.constant 0 : i32
    %eq3A_22 = arith.cmpi eq, %jit3A_21, %eq3A : i32
    %jit3A_23 = arith.constant 1 : i32
    %select_n3A_24 = arith.select %eq3A_22, %jit3A_23, %jit3A_21 : i32
    %rem3A_25 = arith.remsi %add3A, %select_n3A_24 : i32
    %ne3A_26 = arith.constant 0 : i32
    %ne3A_27 = arith.cmpi ne, %rem3A_25, %ne3A_26 : i32
    %lt3A = arith.constant 0 : i32
    %lt3A_28 = arith.cmpi slt, %rem3A_25, %lt3A : i32
    %lt3A_29 = arith.constant 0 : i32
    %lt3A_30 = arith.cmpi slt, %select_n3A_24, %lt3A_29 : i32
    %ne3A_31 = arith.xori %lt3A_28, %lt3A_30 : i1
    %and3A_32 = arith.andi %ne3A_31, %ne3A_27 : i1
    %add3A_33 = arith.addi %rem3A_25, %select_n3A_24 : i32
    %select_n3A_34 = arith.select %and3A_32, %add3A_33, %rem3A_25 : i32
    %mul3A_35 = arith.constant 256 : i32
    %mul3A_36 = arith.muli %select_n3A_34, %mul3A_35 : i32
    %add3A_37 = arith.addi %add3A_20, %mul3A_36 : i32
    %mul3A_38 = arith.constant 256 : i32
    %mul3A_39 = arith.muli %add3A, %mul3A_38 : i32
    %add3A_40 = arith.constant 0 : i32
    %add3A_41 = arith.addi %add3A_37, %add3A_40 : i32
    %dma_start3A = arith.constant 0 : i32
    %dma_start3A_42 = tpu.memref_slice %arg2[%add3A_41, %dma_start3A] : memref<32768x1024xf32, #tpu.memory_space<hbm>> -> memref<32x1024xf32, #tpu.memory_space<hbm>>
    %dma_start3A_43 = arith.constant 0 : i32
    %dma_start3A_44 = tpu.memref_slice %arg2[%add3A_41, %dma_start3A_43] : memref<32768x1024xf32, #tpu.memory_space<hbm>> -> memref<32x1024xf32, #tpu.memory_space<hbm>>
    tpu.enqueue_dma source(%dma_start3A_44 : memref<32x1024xf32, #tpu.memory_space<hbm>>) target(%arg4 : memref<32x1024xf32, #tpu.memory_space<vmem>>) target_semaphore(%arg7 : memref<!tpu.dma_semaphore, #tpu.memory_space<semaphore_mem>>)
    %add3A_45 = arith.constant 32 : i32
    %add3A_46 = arith.addi %add3A_37, %add3A_45 : i32
    %dma_start3A_47 = arith.constant 0 : i32
    %dma_start3A_48 = tpu.memref_slice %arg2[%add3A_46, %dma_start3A_47] : memref<32768x1024xf32, #tpu.memory_space<hbm>> -> memref<32x1024xf32, #tpu.memory_space<hbm>>
    %dma_start3A_49 = arith.constant 0 : i32
    %dma_start3A_50 = tpu.memref_slice %arg2[%add3A_46, %dma_start3A_49] : memref<32768x1024xf32, #tpu.memory_space<hbm>> -> memref<32x1024xf32, #tpu.memory_space<hbm>>
    tpu.enqueue_dma source(%dma_start3A_50 : memref<32x1024xf32, #tpu.memory_space<hbm>>) target(%arg5 : memref<32x1024xf32, #tpu.memory_space<vmem>>) target_semaphore(%arg8 : memref<!tpu.dma_semaphore, #tpu.memory_space<semaphore_mem>>)
    %dma_wait3A = arith.constant 0 : i32
    %dma_wait3A_51 = tpu.memref_slice %arg2[%add3A_41, %dma_wait3A] : memref<32768x1024xf32, #tpu.memory_space<hbm>> -> memref<32x1024xf32, #tpu.memory_space<hbm>>
    %dma_wait3A_52 = arith.constant 0 : i32
    %dma_wait3A_53 = tpu.memref_slice %arg2[%add3A_41, %dma_wait3A_52] : memref<32768x1024xf32, #tpu.memory_space<hbm>> -> memref<32x1024xf32, #tpu.memory_space<hbm>>
    tpu.wait_dma2 semaphore(%arg7 : memref<!tpu.dma_semaphore, #tpu.memory_space<semaphore_mem>>) src(%dma_wait3A_53 : memref<32x1024xf32, #tpu.memory_space<hbm>>) dst(%arg4 : memref<32x1024xf32, #tpu.memory_space<vmem>>)
    %scan3A = arith.constant 0 : i32
    %scan3A_54 = arith.constant 0 : i32
    %scan3A_55 = arith.constant 32 : i32
    %scan3A_56 = arith.addi %scan3A_54, %scan3A_55 : i32
    %scan3A_57 = arith.constant 1 : i32
    %scan3A_58 = scf.for %scan3A_175 = %scan3A_54 to %scan3A_56 step %scan3A_57 iter_args(%scan3A_176 = %scan3A) -> (i32)  : i32 {
      %broadcast_in_dim3A = arith.constant 0.000000e+00 : f32
      %broadcast_in_dim3A_177 = vector.broadcast %broadcast_in_dim3A : f32 to vector<16xf32>
      %scan3A_178 = arith.constant 0 : i32
      %scan3A_179 = arith.constant 64 : i32
      %scan3A_180 = arith.addi %scan3A_178, %scan3A_179 : i32
      %scan3A_181 = arith.constant 8 : i32
      %scan3A_182 = scf.for %scan3A_192 = %scan3A_178 to %scan3A_180 step %scan3A_181 iter_args(%scan3A_193 = %broadcast_in_dim3A_177) -> (vector<16xf32>)  : i32 {
        %mul3A_194 = arith.constant 16 : i32
        %mul3A_195 = arith.muli %scan3A_192, %mul3A_194 : i32
        %get3A = arith.index_cast %scan3A_175 : i32 to index
        %get3A_196 = arith.index_cast %mul3A_195 : i32 to index
        %get3A_197 = tpu.vector_load %arg4[%get3A, %get3A_196] {strides = array<i32>} : memref<32x1024xf32, #tpu.memory_space<vmem>>, vector<1x16xf32>,
        %get3A_198 = vector.shape_cast %get3A_197 : vector<1x16xf32> to vector<16xf32>
        %add3A_199 = arith.addf %scan3A_193, %get3A_198 : vector<16xf32>
        %scan3A_200 = arith.constant 1 : i32
        %scan3A_201 = arith.addi %scan3A_192, %scan3A_200 : i32
        %mul3A_202 = arith.constant 16 : i32
        %mul3A_203 = arith.muli %scan3A_201, %mul3A_202 : i32
        %get3A_204 = arith.index_cast %scan3A_175 : i32 to index
        %get3A_205 = arith.index_cast %mul3A_203 : i32 to index
        %get3A_206 = tpu.vector_load %arg4[%get3A_204, %get3A_205] {strides = array<i32>} : memref<32x1024xf32, #tpu.memory_space<vmem>>, vector<1x16xf32>,
        %get3A_207 = vector.shape_cast %get3A_206 : vector<1x16xf32> to vector<16xf32>
        %add3A_208 = arith.addf %add3A_199, %get3A_207 : vector<16xf32>
        %scan3A_209 = arith.constant 2 : i32
        %scan3A_210 = arith.addi %scan3A_192, %scan3A_209 : i32
        %mul3A_211 = arith.constant 16 : i32
        %mul3A_212 = arith.muli %scan3A_210, %mul3A_211 : i32
        %get3A_213 = arith.index_cast %scan3A_175 : i32 to index
        %get3A_214 = arith.index_cast %mul3A_212 : i32 to index
        %get3A_215 = tpu.vector_load %arg4[%get3A_213, %get3A_214] {strides = array<i32>} : memref<32x1024xf32, #tpu.memory_space<vmem>>, vector<1x16xf32>,
        %get3A_216 = vector.shape_cast %get3A_215 : vector<1x16xf32> to vector<16xf32>
        %add3A_217 = arith.addf %add3A_208, %get3A_216 : vector<16xf32>
        %scan3A_218 = arith.constant 3 : i32
        %scan3A_219 = arith.addi %scan3A_192, %scan3A_218 : i32
        %mul3A_220 = arith.constant 16 : i32
        %mul3A_221 = arith.muli %scan3A_219, %mul3A_220 : i32
        %get3A_222 = arith.index_cast %scan3A_175 : i32 to index
        %get3A_223 = arith.index_cast %mul3A_221 : i32 to index
        %get3A_224 = tpu.vector_load %arg4[%get3A_222, %get3A_223] {strides = array<i32>} : memref<32x1024xf32, #tpu.memory_space<vmem>>, vector<1x16xf32>,
        %get3A_225 = vector.shape_cast %get3A_224 : vector<1x16xf32> to vector<16xf32>
        %add3A_226 = arith.addf %add3A_217, %get3A_225 : vector<16xf32>
        %scan3A_227 = arith.constant 4 : i32
        %scan3A_228 = arith.addi %scan3A_192, %scan3A_227 : i32
        %mul3A_229 = arith.constant 16 : i32
        %mul3A_230 = arith.muli %scan3A_228, %mul3A_229 : i32
        %get3A_231 = arith.index_cast %scan3A_175 : i32 to index
        %get3A_232 = arith.index_cast %mul3A_230 : i32 to index
        %get3A_233 = tpu.vector_load %arg4[%get3A_231, %get3A_232] {strides = array<i32>} : memref<32x1024xf32, #tpu.memory_space<vmem>>, vector<1x16xf32>,
        %get3A_234 = vector.shape_cast %get3A_233 : vector<1x16xf32> to vector<16xf32>
        %add3A_235 = arith.addf %add3A_226, %get3A_234 : vector<16xf32>
        %scan3A_236 = arith.constant 5 : i32
        %scan3A_237 = arith.addi %scan3A_192, %scan3A_236 : i32
        %mul3A_238 = arith.constant 16 : i32
        %mul3A_239 = arith.muli %scan3A_237, %mul3A_238 : i32
        %get3A_240 = arith.index_cast %scan3A_175 : i32 to index
        %get3A_241 = arith.index_cast %mul3A_239 : i32 to index
        %get3A_242 = tpu.vector_load %arg4[%get3A_240, %get3A_241] {strides = array<i32>} : memref<32x1024xf32, #tpu.memory_space<vmem>>, vector<1x16xf32>,
        %get3A_243 = vector.shape_cast %get3A_242 : vector<1x16xf32> to vector<16xf32>
        %add3A_244 = arith.addf %add3A_235, %get3A_243 : vector<16xf32>
        %scan3A_245 = arith.constant 6 : i32
        %scan3A_246 = arith.addi %scan3A_192, %scan3A_245 : i32
        %mul3A_247 = arith.constant 16 : i32
        %mul3A_248 = arith.muli %scan3A_246, %mul3A_247 : i32
        %get3A_249 = arith.index_cast %scan3A_175 : i32 to index
        %get3A_250 = arith.index_cast %mul3A_248 : i32 to index
        %get3A_251 = tpu.vector_load %arg4[%get3A_249, %get3A_250] {strides = array<i32>} : memref<32x1024xf32, #tpu.memory_space<vmem>>, vector<1x16xf32>,
        %get3A_252 = vector.shape_cast %get3A_251 : vector<1x16xf32> to vector<16xf32>
        %add3A_253 = arith.addf %add3A_244, %get3A_252 : vector<16xf32>
        %scan3A_254 = arith.constant 7 : i32
        %scan3A_255 = arith.addi %scan3A_192, %scan3A_254 : i32
        %mul3A_256 = arith.constant 16 : i32
        %mul3A_257 = arith.muli %scan3A_255, %mul3A_256 : i32
        %get3A_258 = arith.index_cast %scan3A_175 : i32 to index
        %get3A_259 = arith.index_cast %mul3A_257 : i32 to index
        %get3A_260 = tpu.vector_load %arg4[%get3A_258, %get3A_259] {strides = array<i32>} : memref<32x1024xf32, #tpu.memory_space<vmem>>, vector<1x16xf32>,
        %get3A_261 = vector.shape_cast %get3A_260 : vector<1x16xf32> to vector<16xf32>
        %add3A_262 = arith.addf %add3A_253, %get3A_261 : vector<16xf32>
        scf.yield %add3A_262 : vector<16xf32>
      }
      %scan3A_183 = arith.constant 64 : i32
      %add3A_184 = arith.constant 0 : i32
      %add3A_185 = arith.addi %add3A_184, %scan3A_175 : i32
      %mul3A_186 = arith.constant 16 : i32
      %mul3A_187 = arith.muli %add3A_185, %mul3A_186 : i32
      %swap3A = arith.index_cast %mul3A_187 : i32 to index
      %swap3A_188 = tpu.vector_load %arg6[%swap3A] {strides = array<i32>} : memref<4096xf32, #tpu.memory_space<vmem>>, vector<16xf32>,
      %swap3A_189 = vector.shape_cast %swap3A_188 : vector<16xf32> to vector<16xf32>
      %swap3A_190 = vector.shape_cast %scan3A_182 : vector<16xf32> to vector<16xf32>
      tpu.vector_store %arg6[%swap3A], %swap3A_190 {strides = array<i32>} : memref<4096xf32, #tpu.memory_space<vmem>>, vector<16xf32>,
      %scan3A_191 = arith.constant 0 : i32
      scf.yield %scan3A_191 : i32
    }
    %scan3A_59 = arith.constant 32 : i32
    %add3A_60 = arith.constant 64 : i32
    %add3A_61 = arith.addi %add3A_37, %add3A_60 : i32
    %dma_start3A_62 = arith.constant 0 : i32
    %dma_start3A_63 = tpu.memref_slice %arg2[%add3A_61, %dma_start3A_62] : memref<32768x1024xf32, #tpu.memory_space<hbm>> -> memref<32x1024xf32, #tpu.memory_space<hbm>>
    %dma_start3A_64 = arith.constant 0 : i32
    %dma_start3A_65 = tpu.memref_slice %arg2[%add3A_61, %dma_start3A_64] : memref<32768x1024xf32, #tpu.memory_space<hbm>> -> memref<32x1024xf32, #tpu.memory_space<hbm>>
    tpu.enqueue_dma source(%dma_start3A_65 : memref<32x1024xf32, #tpu.memory_space<hbm>>) target(%arg4 : memref<32x1024xf32, #tpu.memory_space<vmem>>) target_semaphore(%arg7 : memref<!tpu.dma_semaphore, #tpu.memory_space<semaphore_mem>>)
    %dma_wait3A_66 = arith.constant 0 : i32
    %dma_wait3A_67 = tpu.memref_slice %arg2[%add3A_46, %dma_wait3A_66] : memref<32768x1024xf32, #tpu.memory_space<hbm>> -> memref<32x1024xf32, #tpu.memory_space<hbm>>
    %dma_wait3A_68 = arith.constant 0 : i32
    %dma_wait3A_69 = tpu.memref_slice %arg2[%add3A_46, %dma_wait3A_68] : memref<32768x1024xf32, #tpu.memory_space<hbm>> -> memref<32x1024xf32, #tpu.memory_space<hbm>>
    tpu.wait_dma2 semaphore(%arg8 : memref<!tpu.dma_semaphore, #tpu.memory_space<semaphore_mem>>) src(%dma_wait3A_69 : memref<32x1024xf32, #tpu.memory_space<hbm>>) dst(%arg5 : memref<32x1024xf32, #tpu.memory_space<vmem>>)
    %scan3A_70 = arith.constant 0 : i32
    %scan3A_71 = arith.constant 0 : i32
    %scan3A_72 = arith.constant 32 : i32
    %scan3A_73 = arith.addi %scan3A_71, %scan3A_72 : i32
    %scan3A_74 = arith.constant 1 : i32
    %scan3A_75 = scf.for %scan3A_175 = %scan3A_71 to %scan3A_73 step %scan3A_74 iter_args(%scan3A_176 = %scan3A_70) -> (i32)  : i32 {
      %broadcast_in_dim3A = arith.constant 0.000000e+00 : f32
      %broadcast_in_dim3A_177 = vector.broadcast %broadcast_in_dim3A : f32 to vector<16xf32>
      %scan3A_178 = arith.constant 0 : i32
      %scan3A_179 = arith.constant 64 : i32
      %scan3A_180 = arith.addi %scan3A_178, %scan3A_179 : i32
      %scan3A_181 = arith.constant 8 : i32
      %scan3A_182 = scf.for %scan3A_192 = %scan3A_178 to %scan3A_180 step %scan3A_181 iter_args(%scan3A_193 = %broadcast_in_dim3A_177) -> (vector<16xf32>)  : i32 {
        %mul3A_194 = arith.constant 16 : i32
        %mul3A_195 = arith.muli %scan3A_192, %mul3A_194 : i32
        %get3A = arith.index_cast %scan3A_175 : i32 to index
        %get3A_196 = arith.index_cast %mul3A_195 : i32 to index
        %get3A_197 = tpu.vector_load %arg5[%get3A, %get3A_196] {strides = array<i32>} : memref<32x1024xf32, #tpu.memory_space<vmem>>, vector<1x16xf32>,
        %get3A_198 = vector.shape_cast %get3A_197 : vector<1x16xf32> to vector<16xf32>
        %add3A_199 = arith.addf %scan3A_193, %get3A_198 : vector<16xf32>
        %scan3A_200 = arith.constant 1 : i32
        %scan3A_201 = arith.addi %scan3A_192, %scan3A_200 : i32
        %mul3A_202 = arith.constant 16 : i32
        %mul3A_203 = arith.muli %scan3A_201, %mul3A_202 : i32
        %get3A_204 = arith.index_cast %scan3A_175 : i32 to index
        %get3A_205 = arith.index_cast %mul3A_203 : i32 to index
        %get3A_206 = tpu.vector_load %arg5[%get3A_204, %get3A_205] {strides = array<i32>} : memref<32x1024xf32, #tpu.memory_space<vmem>>, vector<1x16xf32>,
        %get3A_207 = vector.shape_cast %get3A_206 : vector<1x16xf32> to vector<16xf32>
        %add3A_208 = arith.addf %add3A_199, %get3A_207 : vector<16xf32>
        %scan3A_209 = arith.constant 2 : i32
        %scan3A_210 = arith.addi %scan3A_192, %scan3A_209 : i32
        %mul3A_211 = arith.constant 16 : i32
        %mul3A_212 = arith.muli %scan3A_210, %mul3A_211 : i32
        %get3A_213 = arith.index_cast %scan3A_175 : i32 to index
        %get3A_214 = arith.index_cast %mul3A_212 : i32 to index
        %get3A_215 = tpu.vector_load %arg5[%get3A_213, %get3A_214] {strides = array<i32>} : memref<32x1024xf32, #tpu.memory_space<vmem>>, vector<1x16xf32>,
        %get3A_216 = vector.shape_cast %get3A_215 : vector<1x16xf32> to vector<16xf32>
        %add3A_217 = arith.addf %add3A_208, %get3A_216 : vector<16xf32>
        %scan3A_218 = arith.constant 3 : i32
        %scan3A_219 = arith.addi %scan3A_192, %scan3A_218 : i32
        %mul3A_220 = arith.constant 16 : i32
        %mul3A_221 = arith.muli %scan3A_219, %mul3A_220 : i32
        %get3A_222 = arith.index_cast %scan3A_175 : i32 to index
        %get3A_223 = arith.index_cast %mul3A_221 : i32 to index
        %get3A_224 = tpu.vector_load %arg5[%get3A_222, %get3A_223] {strides = array<i32>} : memref<32x1024xf32, #tpu.memory_space<vmem>>, vector<1x16xf32>,
        %get3A_225 = vector.shape_cast %get3A_224 : vector<1x16xf32> to vector<16xf32>
        %add3A_226 = arith.addf %add3A_217, %get3A_225 : vector<16xf32>
        %scan3A_227 = arith.constant 4 : i32
        %scan3A_228 = arith.addi %scan3A_192, %scan3A_227 : i32
        %mul3A_229 = arith.constant 16 : i32
        %mul3A_230 = arith.muli %scan3A_228, %mul3A_229 : i32
        %get3A_231 = arith.index_cast %scan3A_175 : i32 to index
        %get3A_232 = arith.index_cast %mul3A_230 : i32 to index
        %get3A_233 = tpu.vector_load %arg5[%get3A_231, %get3A_232] {strides = array<i32>} : memref<32x1024xf32, #tpu.memory_space<vmem>>, vector<1x16xf32>,
        %get3A_234 = vector.shape_cast %get3A_233 : vector<1x16xf32> to vector<16xf32>
        %add3A_235 = arith.addf %add3A_226, %get3A_234 : vector<16xf32>
        %scan3A_236 = arith.constant 5 : i32
        %scan3A_237 = arith.addi %scan3A_192, %scan3A_236 : i32
        %mul3A_238 = arith.constant 16 : i32
        %mul3A_239 = arith.muli %scan3A_237, %mul3A_238 : i32
        %get3A_240 = arith.index_cast %scan3A_175 : i32 to index
        %get3A_241 = arith.index_cast %mul3A_239 : i32 to index
        %get3A_242 = tpu.vector_load %arg5[%get3A_240, %get3A_241] {strides = array<i32>} : memref<32x1024xf32, #tpu.memory_space<vmem>>, vector<1x16xf32>,
        %get3A_243 = vector.shape_cast %get3A_242 : vector<1x16xf32> to vector<16xf32>
        %add3A_244 = arith.addf %add3A_235, %get3A_243 : vector<16xf32>
        %scan3A_245 = arith.constant 6 : i32
        %scan3A_246 = arith.addi %scan3A_192, %scan3A_245 : i32
        %mul3A_247 = arith.constant 16 : i32
        %mul3A_248 = arith.muli %scan3A_246, %mul3A_247 : i32
        %get3A_249 = arith.index_cast %scan3A_175 : i32 to index
        %get3A_250 = arith.index_cast %mul3A_248 : i32 to index
        %get3A_251 = tpu.vector_load %arg5[%get3A_249, %get3A_250] {strides = array<i32>} : memref<32x1024xf32, #tpu.memory_space<vmem>>, vector<1x16xf32>,
        %get3A_252 = vector.shape_cast %get3A_251 : vector<1x16xf32> to vector<16xf32>
        %add3A_253 = arith.addf %add3A_244, %get3A_252 : vector<16xf32>
        %scan3A_254 = arith.constant 7 : i32
        %scan3A_255 = arith.addi %scan3A_192, %scan3A_254 : i32
        %mul3A_256 = arith.constant 16 : i32
        %mul3A_257 = arith.muli %scan3A_255, %mul3A_256 : i32
        %get3A_258 = arith.index_cast %scan3A_175 : i32 to index
        %get3A_259 = arith.index_cast %mul3A_257 : i32 to index
        %get3A_260 = tpu.vector_load %arg5[%get3A_258, %get3A_259] {strides = array<i32>} : memref<32x1024xf32, #tpu.memory_space<vmem>>, vector<1x16xf32>,
        %get3A_261 = vector.shape_cast %get3A_260 : vector<1x16xf32> to vector<16xf32>
        %add3A_262 = arith.addf %add3A_253, %get3A_261 : vector<16xf32>
        scf.yield %add3A_262 : vector<16xf32>
      }
      %scan3A_183 = arith.constant 64 : i32
      %add3A_184 = arith.constant 32 : i32
      %add3A_185 = arith.addi %add3A_184, %scan3A_175 : i32
      %mul3A_186 = arith.constant 16 : i32
      %mul3A_187 = arith.muli %add3A_185, %mul3A_186 : i32
      %swap3A = arith.index_cast %mul3A_187 : i32 to index
      %swap3A_188 = tpu.vector_load %arg6[%swap3A] {strides = array<i32>} : memref<4096xf32, #tpu.memory_space<vmem>>, vector<16xf32>,
      %swap3A_189 = vector.shape_cast %swap3A_188 : vector<16xf32> to vector<16xf32>
      %swap3A_190 = vector.shape_cast %scan3A_182 : vector<16xf32> to vector<16xf32>
      tpu.vector_store %arg6[%swap3A], %swap3A_190 {strides = array<i32>} : memref<4096xf32, #tpu.memory_space<vmem>>, vector<16xf32>,
      %scan3A_191 = arith.constant 0 : i32
      scf.yield %scan3A_191 : i32
    }
    %scan3A_76 = arith.constant 32 : i32
    %add3A_77 = arith.constant 96 : i32
    %add3A_78 = arith.addi %add3A_37, %add3A_77 : i32
    %dma_start3A_79 = arith.constant 0 : i32
    %dma_start3A_80 = tpu.memref_slice %arg2[%add3A_78, %dma_start3A_79] : memref<32768x1024xf32, #tpu.memory_space<hbm>> -> memref<32x1024xf32, #tpu.memory_space<hbm>>
    %dma_start3A_81 = arith.constant 0 : i32
    %dma_start3A_82 = tpu.memref_slice %arg2[%add3A_78, %dma_start3A_81] : memref<32768x1024xf32, #tpu.memory_space<hbm>> -> memref<32x1024xf32, #tpu.memory_space<hbm>>
    tpu.enqueue_dma source(%dma_start3A_82 : memref<32x1024xf32, #tpu.memory_space<hbm>>) target(%arg5 : memref<32x1024xf32, #tpu.memory_space<vmem>>) target_semaphore(%arg8 : memref<!tpu.dma_semaphore, #tpu.memory_space<semaphore_mem>>)
    %dma_wait3A_83 = arith.constant 0 : i32
    %dma_wait3A_84 = tpu.memref_slice %arg2[%add3A_61, %dma_wait3A_83] : memref<32768x1024xf32, #tpu.memory_space<hbm>> -> memref<32x1024xf32, #tpu.memory_space<hbm>>
    %dma_wait3A_85 = arith.constant 0 : i32
    %dma_wait3A_86 = tpu.memref_slice %arg2[%add3A_61, %dma_wait3A_85] : memref<32768x1024xf32, #tpu.memory_space<hbm>> -> memref<32x1024xf32, #tpu.memory_space<hbm>>
    tpu.wait_dma2 semaphore(%arg7 : memref<!tpu.dma_semaphore, #tpu.memory_space<semaphore_mem>>) src(%dma_wait3A_86 : memref<32x1024xf32, #tpu.memory_space<hbm>>) dst(%arg4 : memref<32x1024xf32, #tpu.memory_space<vmem>>)
    %scan3A_87 = arith.constant 0 : i32
    %scan3A_88 = arith.constant 0 : i32
    %scan3A_89 = arith.constant 32 : i32
    %scan3A_90 = arith.addi %scan3A_88, %scan3A_89 : i32
    %scan3A_91 = arith.constant 1 : i32
    %scan3A_92 = scf.for %scan3A_175 = %scan3A_88 to %scan3A_90 step %scan3A_91 iter_args(%scan3A_176 = %scan3A_87) -> (i32)  : i32 {
      %broadcast_in_dim3A = arith.constant 0.000000e+00 : f32
      %broadcast_in_dim3A_177 = vector.broadcast %broadcast_in_dim3A : f32 to vector<16xf32>
      %scan3A_178 = arith.constant 0 : i32
      %scan3A_179 = arith.constant 64 : i32
      %scan3A_180 = arith.addi %scan3A_178, %scan3A_179 : i32
      %scan3A_181 = arith.constant 8 : i32
      %scan3A_182 = scf.for %scan3A_192 = %scan3A_178 to %scan3A_180 step %scan3A_181 iter_args(%scan3A_193 = %broadcast_in_dim3A_177) -> (vector<16xf32>)  : i32 {
        %mul3A_194 = arith.constant 16 : i32
        %mul3A_195 = arith.muli %scan3A_192, %mul3A_194 : i32
        %get3A = arith.index_cast %scan3A_175 : i32 to index
        %get3A_196 = arith.index_cast %mul3A_195 : i32 to index
        %get3A_197 = tpu.vector_load %arg4[%get3A, %get3A_196] {strides = array<i32>} : memref<32x1024xf32, #tpu.memory_space<vmem>>, vector<1x16xf32>,
        %get3A_198 = vector.shape_cast %get3A_197 : vector<1x16xf32> to vector<16xf32>
        %add3A_199 = arith.addf %scan3A_193, %get3A_198 : vector<16xf32>
        %scan3A_200 = arith.constant 1 : i32
        %scan3A_201 = arith.addi %scan3A_192, %scan3A_200 : i32
        %mul3A_202 = arith.constant 16 : i32
        %mul3A_203 = arith.muli %scan3A_201, %mul3A_202 : i32
        %get3A_204 = arith.index_cast %scan3A_175 : i32 to index
        %get3A_205 = arith.index_cast %mul3A_203 : i32 to index
        %get3A_206 = tpu.vector_load %arg4[%get3A_204, %get3A_205] {strides = array<i32>} : memref<32x1024xf32, #tpu.memory_space<vmem>>, vector<1x16xf32>,
        %get3A_207 = vector.shape_cast %get3A_206 : vector<1x16xf32> to vector<16xf32>
        %add3A_208 = arith.addf %add3A_199, %get3A_207 : vector<16xf32>
        %scan3A_209 = arith.constant 2 : i32
        %scan3A_210 = arith.addi %scan3A_192, %scan3A_209 : i32
        %mul3A_211 = arith.constant 16 : i32
        %mul3A_212 = arith.muli %scan3A_210, %mul3A_211 : i32
        %get3A_213 = arith.index_cast %scan3A_175 : i32 to index
        %get3A_214 = arith.index_cast %mul3A_212 : i32 to index
        %get3A_215 = tpu.vector_load %arg4[%get3A_213, %get3A_214] {strides = array<i32>} : memref<32x1024xf32, #tpu.memory_space<vmem>>, vector<1x16xf32>,
        %get3A_216 = vector.shape_cast %get3A_215 : vector<1x16xf32> to vector<16xf32>
        %add3A_217 = arith.addf %add3A_208, %get3A_216 : vector<16xf32>
        %scan3A_218 = arith.constant 3 : i32
        %scan3A_219 = arith.addi %scan3A_192, %scan3A_218 : i32
        %mul3A_220 = arith.constant 16 : i32
        %mul3A_221 = arith.muli %scan3A_219, %mul3A_220 : i32
        %get3A_222 = arith.index_cast %scan3A_175 : i32 to index
        %get3A_223 = arith.index_cast %mul3A_221 : i32 to index
        %get3A_224 = tpu.vector_load %arg4[%get3A_222, %get3A_223] {strides = array<i32>} : memref<32x1024xf32, #tpu.memory_space<vmem>>, vector<1x16xf32>,
        %get3A_225 = vector.shape_cast %get3A_224 : vector<1x16xf32> to vector<16xf32>
        %add3A_226 = arith.addf %add3A_217, %get3A_225 : vector<16xf32>
        %scan3A_227 = arith.constant 4 : i32
        %scan3A_228 = arith.addi %scan3A_192, %scan3A_227 : i32
        %mul3A_229 = arith.constant 16 : i32
        %mul3A_230 = arith.muli %scan3A_228, %mul3A_229 : i32
        %get3A_231 = arith.index_cast %scan3A_175 : i32 to index
        %get3A_232 = arith.index_cast %mul3A_230 : i32 to index
        %get3A_233 = tpu.vector_load %arg4[%get3A_231, %get3A_232] {strides = array<i32>} : memref<32x1024xf32, #tpu.memory_space<vmem>>, vector<1x16xf32>,
        %get3A_234 = vector.shape_cast %get3A_233 : vector<1x16xf32> to vector<16xf32>
        %add3A_235 = arith.addf %add3A_226, %get3A_234 : vector<16xf32>
        %scan3A_236 = arith.constant 5 : i32
        %scan3A_237 = arith.addi %scan3A_192, %scan3A_236 : i32
        %mul3A_238 = arith.constant 16 : i32
        %mul3A_239 = arith.muli %scan3A_237, %mul3A_238 : i32
        %get3A_240 = arith.index_cast %scan3A_175 : i32 to index
        %get3A_241 = arith.index_cast %mul3A_239 : i32 to index
        %get3A_242 = tpu.vector_load %arg4[%get3A_240, %get3A_241] {strides = array<i32>} : memref<32x1024xf32, #tpu.memory_space<vmem>>, vector<1x16xf32>,
        %get3A_243 = vector.shape_cast %get3A_242 : vector<1x16xf32> to vector<16xf32>
        %add3A_244 = arith.addf %add3A_235, %get3A_243 : vector<16xf32>
        %scan3A_245 = arith.constant 6 : i32
        %scan3A_246 = arith.addi %scan3A_192, %scan3A_245 : i32
        %mul3A_247 = arith.constant 16 : i32
        %mul3A_248 = arith.muli %scan3A_246, %mul3A_247 : i32
        %get3A_249 = arith.index_cast %scan3A_175 : i32 to index
        %get3A_250 = arith.index_cast %mul3A_248 : i32 to index
        %get3A_251 = tpu.vector_load %arg4[%get3A_249, %get3A_250] {strides = array<i32>} : memref<32x1024xf32, #tpu.memory_space<vmem>>, vector<1x16xf32>,
        %get3A_252 = vector.shape_cast %get3A_251 : vector<1x16xf32> to vector<16xf32>
        %add3A_253 = arith.addf %add3A_244, %get3A_252 : vector<16xf32>
        %scan3A_254 = arith.constant 7 : i32
        %scan3A_255 = arith.addi %scan3A_192, %scan3A_254 : i32
        %mul3A_256 = arith.constant 16 : i32
        %mul3A_257 = arith.muli %scan3A_255, %mul3A_256 : i32
        %get3A_258 = arith.index_cast %scan3A_175 : i32 to index
        %get3A_259 = arith.index_cast %mul3A_257 : i32 to index
        %get3A_260 = tpu.vector_load %arg4[%get3A_258, %get3A_259] {strides = array<i32>} : memref<32x1024xf32, #tpu.memory_space<vmem>>, vector<1x16xf32>,
        %get3A_261 = vector.shape_cast %get3A_260 : vector<1x16xf32> to vector<16xf32>
        %add3A_262 = arith.addf %add3A_253, %get3A_261 : vector<16xf32>
        scf.yield %add3A_262 : vector<16xf32>
      }
      %scan3A_183 = arith.constant 64 : i32
      %add3A_184 = arith.constant 64 : i32
      %add3A_185 = arith.addi %add3A_184, %scan3A_175 : i32
      %mul3A_186 = arith.constant 16 : i32
      %mul3A_187 = arith.muli %add3A_185, %mul3A_186 : i32
      %swap3A = arith.index_cast %mul3A_187 : i32 to index
      %swap3A_188 = tpu.vector_load %arg6[%swap3A] {strides = array<i32>} : memref<4096xf32, #tpu.memory_space<vmem>>, vector<16xf32>,
      %swap3A_189 = vector.shape_cast %swap3A_188 : vector<16xf32> to vector<16xf32>
      %swap3A_190 = vector.shape_cast %scan3A_182 : vector<16xf32> to vector<16xf32>
      tpu.vector_store %arg6[%swap3A], %swap3A_190 {strides = array<i32>} : memref<4096xf32, #tpu.memory_space<vmem>>, vector<16xf32>,
      %scan3A_191 = arith.constant 0 : i32
      scf.yield %scan3A_191 : i32
    }
    %scan3A_93 = arith.constant 32 : i32
    %add3A_94 = arith.constant 128 : i32
    %add3A_95 = arith.addi %add3A_37, %add3A_94 : i32
    %dma_start3A_96 = arith.constant 0 : i32
    %dma_start3A_97 = tpu.memref_slice %arg2[%add3A_95, %dma_start3A_96] : memref<32768x1024xf32, #tpu.memory_space<hbm>> -> memref<32x1024xf32, #tpu.memory_space<hbm>>
    %dma_start3A_98 = arith.constant 0 : i32
    %dma_start3A_99 = tpu.memref_slice %arg2[%add3A_95, %dma_start3A_98] : memref<32768x1024xf32, #tpu.memory_space<hbm>> -> memref<32x1024xf32, #tpu.memory_space<hbm>>
    tpu.enqueue_dma source(%dma_start3A_99 : memref<32x1024xf32, #tpu.memory_space<hbm>>) target(%arg4 : memref<32x1024xf32, #tpu.memory_space<vmem>>) target_semaphore(%arg7 : memref<!tpu.dma_semaphore, #tpu.memory_space<semaphore_mem>>)
    %dma_wait3A_100 = arith.constant 0 : i32
    %dma_wait3A_101 = tpu.memref_slice %arg2[%add3A_78, %dma_wait3A_100] : memref<32768x1024xf32, #tpu.memory_space<hbm>> -> memref<32x1024xf32, #tpu.memory_space<hbm>>
    %dma_wait3A_102 = arith.constant 0 : i32
    %dma_wait3A_103 = tpu.memref_slice %arg2[%add3A_78, %dma_wait3A_102] : memref<32768x1024xf32, #tpu.memory_space<hbm>> -> memref<32x1024xf32, #tpu.memory_space<hbm>>
    tpu.wait_dma2 semaphore(%arg8 : memref<!tpu.dma_semaphore, #tpu.memory_space<semaphore_mem>>) src(%dma_wait3A_103 : memref<32x1024xf32, #tpu.memory_space<hbm>>) dst(%arg5 : memref<32x1024xf32, #tpu.memory_space<vmem>>)
    %scan3A_104 = arith.constant 0 : i32
    %scan3A_105 = arith.constant 0 : i32
    %scan3A_106 = arith.constant 32 : i32
    %scan3A_107 = arith.addi %scan3A_105, %scan3A_106 : i32
    %scan3A_108 = arith.constant 1 : i32
    %scan3A_109 = scf.for %scan3A_175 = %scan3A_105 to %scan3A_107 step %scan3A_108 iter_args(%scan3A_176 = %scan3A_104) -> (i32)  : i32 {
      %broadcast_in_dim3A = arith.constant 0.000000e+00 : f32
      %broadcast_in_dim3A_177 = vector.broadcast %broadcast_in_dim3A : f32 to vector<16xf32>
      %scan3A_178 = arith.constant 0 : i32
      %scan3A_179 = arith.constant 64 : i32
      %scan3A_180 = arith.addi %scan3A_178, %scan3A_179 : i32
      %scan3A_181 = arith.constant 8 : i32
      %scan3A_182 = scf.for %scan3A_192 = %scan3A_178 to %scan3A_180 step %scan3A_181 iter_args(%scan3A_193 = %broadcast_in_dim3A_177) -> (vector<16xf32>)  : i32 {
        %mul3A_194 = arith.constant 16 : i32
        %mul3A_195 = arith.muli %scan3A_192, %mul3A_194 : i32
        %get3A = arith.index_cast %scan3A_175 : i32 to index
        %get3A_196 = arith.index_cast %mul3A_195 : i32 to index
        %get3A_197 = tpu.vector_load %arg5[%get3A, %get3A_196] {strides = array<i32>} : memref<32x1024xf32, #tpu.memory_space<vmem>>, vector<1x16xf32>,
        %get3A_198 = vector.shape_cast %get3A_197 : vector<1x16xf32> to vector<16xf32>
        %add3A_199 = arith.addf %scan3A_193, %get3A_198 : vector<16xf32>
        %scan3A_200 = arith.constant 1 : i32
        %scan3A_201 = arith.addi %scan3A_192, %scan3A_200 : i32
        %mul3A_202 = arith.constant 16 : i32
        %mul3A_203 = arith.muli %scan3A_201, %mul3A_202 : i32
        %get3A_204 = arith.index_cast %scan3A_175 : i32 to index
        %get3A_205 = arith.index_cast %mul3A_203 : i32 to index
        %get3A_206 = tpu.vector_load %arg5[%get3A_204, %get3A_205] {strides = array<i32>} : memref<32x1024xf32, #tpu.memory_space<vmem>>, vector<1x16xf32>,
        %get3A_207 = vector.shape_cast %get3A_206 : vector<1x16xf32> to vector<16xf32>
        %add3A_208 = arith.addf %add3A_199, %get3A_207 : vector<16xf32>
        %scan3A_209 = arith.constant 2 : i32
        %scan3A_210 = arith.addi %scan3A_192, %scan3A_209 : i32
        %mul3A_211 = arith.constant 16 : i32
        %mul3A_212 = arith.muli %scan3A_210, %mul3A_211 : i32
        %get3A_213 = arith.index_cast %scan3A_175 : i32 to index
        %get3A_214 = arith.index_cast %mul3A_212 : i32 to index
        %get3A_215 = tpu.vector_load %arg5[%get3A_213, %get3A_214] {strides = array<i32>} : memref<32x1024xf32, #tpu.memory_space<vmem>>, vector<1x16xf32>,
        %get3A_216 = vector.shape_cast %get3A_215 : vector<1x16xf32> to vector<16xf32>
        %add3A_217 = arith.addf %add3A_208, %get3A_216 : vector<16xf32>
        %scan3A_218 = arith.constant 3 : i32
        %scan3A_219 = arith.addi %scan3A_192, %scan3A_218 : i32
        %mul3A_220 = arith.constant 16 : i32
        %mul3A_221 = arith.muli %scan3A_219, %mul3A_220 : i32
        %get3A_222 = arith.index_cast %scan3A_175 : i32 to index
        %get3A_223 = arith.index_cast %mul3A_221 : i32 to index
        %get3A_224 = tpu.vector_load %arg5[%get3A_222, %get3A_223] {strides = array<i32>} : memref<32x1024xf32, #tpu.memory_space<vmem>>, vector<1x16xf32>,
        %get3A_225 = vector.shape_cast %get3A_224 : vector<1x16xf32> to vector<16xf32>
        %add3A_226 = arith.addf %add3A_217, %get3A_225 : vector<16xf32>
        %scan3A_227 = arith.constant 4 : i32
        %scan3A_228 = arith.addi %scan3A_192, %scan3A_227 : i32
        %mul3A_229 = arith.constant 16 : i32
        %mul3A_230 = arith.muli %scan3A_228, %mul3A_229 : i32
        %get3A_231 = arith.index_cast %scan3A_175 : i32 to index
        %get3A_232 = arith.index_cast %mul3A_230 : i32 to index
        %get3A_233 = tpu.vector_load %arg5[%get3A_231, %get3A_232] {strides = array<i32>} : memref<32x1024xf32, #tpu.memory_space<vmem>>, vector<1x16xf32>,
        %get3A_234 = vector.shape_cast %get3A_233 : vector<1x16xf32> to vector<16xf32>
        %add3A_235 = arith.addf %add3A_226, %get3A_234 : vector<16xf32>
        %scan3A_236 = arith.constant 5 : i32
        %scan3A_237 = arith.addi %scan3A_192, %scan3A_236 : i32
        %mul3A_238 = arith.constant 16 : i32
        %mul3A_239 = arith.muli %scan3A_237, %mul3A_238 : i32
        %get3A_240 = arith.index_cast %scan3A_175 : i32 to index
        %get3A_241 = arith.index_cast %mul3A_239 : i32 to index
        %get3A_242 = tpu.vector_load %arg5[%get3A_240, %get3A_241] {strides = array<i32>} : memref<32x1024xf32, #tpu.memory_space<vmem>>, vector<1x16xf32>,
        %get3A_243 = vector.shape_cast %get3A_242 : vector<1x16xf32> to vector<16xf32>
        %add3A_244 = arith.addf %add3A_235, %get3A_243 : vector<16xf32>
        %scan3A_245 = arith.constant 6 : i32
        %scan3A_246 = arith.addi %scan3A_192, %scan3A_245 : i32
        %mul3A_247 = arith.constant 16 : i32
        %mul3A_248 = arith.muli %scan3A_246, %mul3A_247 : i32
        %get3A_249 = arith.index_cast %scan3A_175 : i32 to index
        %get3A_250 = arith.index_cast %mul3A_248 : i32 to index
        %get3A_251 = tpu.vector_load %arg5[%get3A_249, %get3A_250] {strides = array<i32>} : memref<32x1024xf32, #tpu.memory_space<vmem>>, vector<1x16xf32>,
        %get3A_252 = vector.shape_cast %get3A_251 : vector<1x16xf32> to vector<16xf32>
        %add3A_253 = arith.addf %add3A_244, %get3A_252 : vector<16xf32>
        %scan3A_254 = arith.constant 7 : i32
        %scan3A_255 = arith.addi %scan3A_192, %scan3A_254 : i32
        %mul3A_256 = arith.constant 16 : i32
        %mul3A_257 = arith.muli %scan3A_255, %mul3A_256 : i32
        %get3A_258 = arith.index_cast %scan3A_175 : i32 to index
        %get3A_259 = arith.index_cast %mul3A_257 : i32 to index
        %get3A_260 = tpu.vector_load %arg5[%get3A_258, %get3A_259] {strides = array<i32>} : memref<32x1024xf32, #tpu.memory_space<vmem>>, vector<1x16xf32>,
        %get3A_261 = vector.shape_cast %get3A_260 : vector<1x16xf32> to vector<16xf32>
        %add3A_262 = arith.addf %add3A_253, %get3A_261 : vector<16xf32>
        scf.yield %add3A_262 : vector<16xf32>
      }
      %scan3A_183 = arith.constant 64 : i32
      %add3A_184 = arith.constant 96 : i32
      %add3A_185 = arith.addi %add3A_184, %scan3A_175 : i32
      %mul3A_186 = arith.constant 16 : i32
      %mul3A_187 = arith.muli %add3A_185, %mul3A_186 : i32
      %swap3A = arith.index_cast %mul3A_187 : i32 to index
      %swap3A_188 = tpu.vector_load %arg6[%swap3A] {strides = array<i32>} : memref<4096xf32, #tpu.memory_space<vmem>>, vector<16xf32>,
      %swap3A_189 = vector.shape_cast %swap3A_188 : vector<16xf32> to vector<16xf32>
      %swap3A_190 = vector.shape_cast %scan3A_182 : vector<16xf32> to vector<16xf32>
      tpu.vector_store %arg6[%swap3A], %swap3A_190 {strides = array<i32>} : memref<4096xf32, #tpu.memory_space<vmem>>, vector<16xf32>,
      %scan3A_191 = arith.constant 0 : i32
      scf.yield %scan3A_191 : i32
    }
    %scan3A_110 = arith.constant 32 : i32
    %add3A_111 = arith.constant 160 : i32
    %add3A_112 = arith.addi %add3A_37, %add3A_111 : i32
    %dma_start3A_113 = arith.constant 0 : i32
    %dma_start3A_114 = tpu.memref_slice %arg2[%add3A_112, %dma_start3A_113] : memref<32768x1024xf32, #tpu.memory_space<hbm>> -> memref<32x1024xf32, #tpu.memory_space<hbm>>
    %dma_start3A_115 = arith.constant 0 : i32
    %dma_start3A_116 = tpu.memref_slice %arg2[%add3A_112, %dma_start3A_115] : memref<32768x1024xf32, #tpu.memory_space<hbm>> -> memref<32x1024xf32, #tpu.memory_space<hbm>>
    tpu.enqueue_dma source(%dma_start3A_116 : memref<32x1024xf32, #tpu.memory_space<hbm>>) target(%arg5 : memref<32x1024xf32, #tpu.memory_space<vmem>>) target_semaphore(%arg8 : memref<!tpu.dma_semaphore, #tpu.memory_space<semaphore_mem>>)
    %dma_wait3A_117 = arith.constant 0 : i32
    %dma_wait3A_118 = tpu.memref_slice %arg2[%add3A_95, %dma_wait3A_117] : memref<32768x1024xf32, #tpu.memory_space<hbm>> -> memref<32x1024xf32, #tpu.memory_space<hbm>>
    %dma_wait3A_119 = arith.constant 0 : i32
    %dma_wait3A_120 = tpu.memref_slice %arg2[%add3A_95, %dma_wait3A_119] : memref<32768x1024xf32, #tpu.memory_space<hbm>> -> memref<32x1024xf32, #tpu.memory_space<hbm>>
    tpu.wait_dma2 semaphore(%arg7 : memref<!tpu.dma_semaphore, #tpu.memory_space<semaphore_mem>>) src(%dma_wait3A_120 : memref<32x1024xf32, #tpu.memory_space<hbm>>) dst(%arg4 : memref<32x1024xf32, #tpu.memory_space<vmem>>)
    %scan3A_121 = arith.constant 0 : i32
    %scan3A_122 = arith.constant 0 : i32
    %scan3A_123 = arith.constant 32 : i32
    %scan3A_124 = arith.addi %scan3A_122, %scan3A_123 : i32
    %scan3A_125 = arith.constant 1 : i32
    %scan3A_126 = scf.for %scan3A_175 = %scan3A_122 to %scan3A_124 step %scan3A_125 iter_args(%scan3A_176 = %scan3A_121) -> (i32)  : i32 {
      %broadcast_in_dim3A = arith.constant 0.000000e+00 : f32
      %broadcast_in_dim3A_177 = vector.broadcast %broadcast_in_dim3A : f32 to vector<16xf32>
      %scan3A_178 = arith.constant 0 : i32
      %scan3A_179 = arith.constant 64 : i32
      %scan3A_180 = arith.addi %scan3A_178, %scan3A_179 : i32
      %scan3A_181 = arith.constant 8 : i32
      %scan3A_182 = scf.for %scan3A_192 = %scan3A_178 to %scan3A_180 step %scan3A_181 iter_args(%scan3A_193 = %broadcast_in_dim3A_177) -> (vector<16xf32>)  : i32 {
        %mul3A_194 = arith.constant 16 : i32
        %mul3A_195 = arith.muli %scan3A_192, %mul3A_194 : i32
        %get3A = arith.index_cast %scan3A_175 : i32 to index
        %get3A_196 = arith.index_cast %mul3A_195 : i32 to index
        %get3A_197 = tpu.vector_load %arg4[%get3A, %get3A_196] {strides = array<i32>} : memref<32x1024xf32, #tpu.memory_space<vmem>>, vector<1x16xf32>,
        %get3A_198 = vector.shape_cast %get3A_197 : vector<1x16xf32> to vector<16xf32>
        %add3A_199 = arith.addf %scan3A_193, %get3A_198 : vector<16xf32>
        %scan3A_200 = arith.constant 1 : i32
        %scan3A_201 = arith.addi %scan3A_192, %scan3A_200 : i32
        %mul3A_202 = arith.constant 16 : i32
        %mul3A_203 = arith.muli %scan3A_201, %mul3A_202 : i32
        %get3A_204 = arith.index_cast %scan3A_175 : i32 to index
        %get3A_205 = arith.index_cast %mul3A_203 : i32 to index
        %get3A_206 = tpu.vector_load %arg4[%get3A_204, %get3A_205] {strides = array<i32>} : memref<32x1024xf32, #tpu.memory_space<vmem>>, vector<1x16xf32>,
        %get3A_207 = vector.shape_cast %get3A_206 : vector<1x16xf32> to vector<16xf32>
        %add3A_208 = arith.addf %add3A_199, %get3A_207 : vector<16xf32>
        %scan3A_209 = arith.constant 2 : i32
        %scan3A_210 = arith.addi %scan3A_192, %scan3A_209 : i32
        %mul3A_211 = arith.constant 16 : i32
        %mul3A_212 = arith.muli %scan3A_210, %mul3A_211 : i32
        %get3A_213 = arith.index_cast %scan3A_175 : i32 to index
        %get3A_214 = arith.index_cast %mul3A_212 : i32 to index
        %get3A_215 = tpu.vector_load %arg4[%get3A_213, %get3A_214] {strides = array<i32>} : memref<32x1024xf32, #tpu.memory_space<vmem>>, vector<1x16xf32>,
        %get3A_216 = vector.shape_cast %get3A_215 : vector<1x16xf32> to vector<16xf32>
        %add3A_217 = arith.addf %add3A_208, %get3A_216 : vector<16xf32>
        %scan3A_218 = arith.constant 3 : i32
        %scan3A_219 = arith.addi %scan3A_192, %scan3A_218 : i32
        %mul3A_220 = arith.constant 16 : i32
        %mul3A_221 = arith.muli %scan3A_219, %mul3A_220 : i32
        %get3A_222 = arith.index_cast %scan3A_175 : i32 to index
        %get3A_223 = arith.index_cast %mul3A_221 : i32 to index
        %get3A_224 = tpu.vector_load %arg4[%get3A_222, %get3A_223] {strides = array<i32>} : memref<32x1024xf32, #tpu.memory_space<vmem>>, vector<1x16xf32>,
        %get3A_225 = vector.shape_cast %get3A_224 : vector<1x16xf32> to vector<16xf32>
        %add3A_226 = arith.addf %add3A_217, %get3A_225 : vector<16xf32>
        %scan3A_227 = arith.constant 4 : i32
        %scan3A_228 = arith.addi %scan3A_192, %scan3A_227 : i32
        %mul3A_229 = arith.constant 16 : i32
        %mul3A_230 = arith.muli %scan3A_228, %mul3A_229 : i32
        %get3A_231 = arith.index_cast %scan3A_175 : i32 to index
        %get3A_232 = arith.index_cast %mul3A_230 : i32 to index
        %get3A_233 = tpu.vector_load %arg4[%get3A_231, %get3A_232] {strides = array<i32>} : memref<32x1024xf32, #tpu.memory_space<vmem>>, vector<1x16xf32>,
        %get3A_234 = vector.shape_cast %get3A_233 : vector<1x16xf32> to vector<16xf32>
        %add3A_235 = arith.addf %add3A_226, %get3A_234 : vector<16xf32>
        %scan3A_236 = arith.constant 5 : i32
        %scan3A_237 = arith.addi %scan3A_192, %scan3A_236 : i32
        %mul3A_238 = arith.constant 16 : i32
        %mul3A_239 = arith.muli %scan3A_237, %mul3A_238 : i32
        %get3A_240 = arith.index_cast %scan3A_175 : i32 to index
        %get3A_241 = arith.index_cast %mul3A_239 : i32 to index
        %get3A_242 = tpu.vector_load %arg4[%get3A_240, %get3A_241] {strides = array<i32>} : memref<32x1024xf32, #tpu.memory_space<vmem>>, vector<1x16xf32>,
        %get3A_243 = vector.shape_cast %get3A_242 : vector<1x16xf32> to vector<16xf32>
        %add3A_244 = arith.addf %add3A_235, %get3A_243 : vector<16xf32>
        %scan3A_245 = arith.constant 6 : i32
        %scan3A_246 = arith.addi %scan3A_192, %scan3A_245 : i32
        %mul3A_247 = arith.constant 16 : i32
        %mul3A_248 = arith.muli %scan3A_246, %mul3A_247 : i32
        %get3A_249 = arith.index_cast %scan3A_175 : i32 to index
        %get3A_250 = arith.index_cast %mul3A_248 : i32 to index
        %get3A_251 = tpu.vector_load %arg4[%get3A_249, %get3A_250] {strides = array<i32>} : memref<32x1024xf32, #tpu.memory_space<vmem>>, vector<1x16xf32>,
        %get3A_252 = vector.shape_cast %get3A_251 : vector<1x16xf32> to vector<16xf32>
        %add3A_253 = arith.addf %add3A_244, %get3A_252 : vector<16xf32>
        %scan3A_254 = arith.constant 7 : i32
        %scan3A_255 = arith.addi %scan3A_192, %scan3A_254 : i32
        %mul3A_256 = arith.constant 16 : i32
        %mul3A_257 = arith.muli %scan3A_255, %mul3A_256 : i32
        %get3A_258 = arith.index_cast %scan3A_175 : i32 to index
        %get3A_259 = arith.index_cast %mul3A_257 : i32 to index
        %get3A_260 = tpu.vector_load %arg4[%get3A_258, %get3A_259] {strides = array<i32>} : memref<32x1024xf32, #tpu.memory_space<vmem>>, vector<1x16xf32>,
        %get3A_261 = vector.shape_cast %get3A_260 : vector<1x16xf32> to vector<16xf32>
        %add3A_262 = arith.addf %add3A_253, %get3A_261 : vector<16xf32>
        scf.yield %add3A_262 : vector<16xf32>
      }
      %scan3A_183 = arith.constant 64 : i32
      %add3A_184 = arith.constant 128 : i32
      %add3A_185 = arith.addi %add3A_184, %scan3A_175 : i32
      %mul3A_186 = arith.constant 16 : i32
      %mul3A_187 = arith.muli %add3A_185, %mul3A_186 : i32
      %swap3A = arith.index_cast %mul3A_187 : i32 to index
      %swap3A_188 = tpu.vector_load %arg6[%swap3A] {strides = array<i32>} : memref<4096xf32, #tpu.memory_space<vmem>>, vector<16xf32>,
      %swap3A_189 = vector.shape_cast %swap3A_188 : vector<16xf32> to vector<16xf32>
      %swap3A_190 = vector.shape_cast %scan3A_182 : vector<16xf32> to vector<16xf32>
      tpu.vector_store %arg6[%swap3A], %swap3A_190 {strides = array<i32>} : memref<4096xf32, #tpu.memory_space<vmem>>, vector<16xf32>,
      %scan3A_191 = arith.constant 0 : i32
      scf.yield %scan3A_191 : i32
    }
    %scan3A_127 = arith.constant 32 : i32
    %add3A_128 = arith.constant 192 : i32
    %add3A_129 = arith.addi %add3A_37, %add3A_128 : i32
    %dma_start3A_130 = arith.constant 0 : i32
    %dma_start3A_131 = tpu.memref_slice %arg2[%add3A_129, %dma_start3A_130] : memref<32768x1024xf32, #tpu.memory_space<hbm>> -> memref<32x1024xf32, #tpu.memory_space<hbm>>
    %dma_start3A_132 = arith.constant 0 : i32
    %dma_start3A_133 = tpu.memref_slice %arg2[%add3A_129, %dma_start3A_132] : memref<32768x1024xf32, #tpu.memory_space<hbm>> -> memref<32x1024xf32, #tpu.memory_space<hbm>>
    tpu.enqueue_dma source(%dma_start3A_133 : memref<32x1024xf32, #tpu.memory_space<hbm>>) target(%arg4 : memref<32x1024xf32, #tpu.memory_space<vmem>>) target_semaphore(%arg7 : memref<!tpu.dma_semaphore, #tpu.memory_space<semaphore_mem>>)
    %dma_wait3A_134 = arith.constant 0 : i32
    %dma_wait3A_135 = tpu.memref_slice %arg2[%add3A_112, %dma_wait3A_134] : memref<32768x1024xf32, #tpu.memory_space<hbm>> -> memref<32x1024xf32, #tpu.memory_space<hbm>>
    %dma_wait3A_136 = arith.constant 0 : i32
    %dma_wait3A_137 = tpu.memref_slice %arg2[%add3A_112, %dma_wait3A_136] : memref<32768x1024xf32, #tpu.memory_space<hbm>> -> memref<32x1024xf32, #tpu.memory_space<hbm>>
    tpu.wait_dma2 semaphore(%arg8 : memref<!tpu.dma_semaphore, #tpu.memory_space<semaphore_mem>>) src(%dma_wait3A_137 : memref<32x1024xf32, #tpu.memory_space<hbm>>) dst(%arg5 : memref<32x1024xf32, #tpu.memory_space<vmem>>)
    %scan3A_138 = arith.constant 0 : i32
    %scan3A_139 = arith.constant 0 : i32
    %scan3A_140 = arith.constant 32 : i32
    %scan3A_141 = arith.addi %scan3A_139, %scan3A_140 : i32
    %scan3A_142 = arith.constant 1 : i32
    %scan3A_143 = scf.for %scan3A_175 = %scan3A_139 to %scan3A_141 step %scan3A_142 iter_args(%scan3A_176 = %scan3A_138) -> (i32)  : i32 {
      %broadcast_in_dim3A = arith.constant 0.000000e+00 : f32
      %broadcast_in_dim3A_177 = vector.broadcast %broadcast_in_dim3A : f32 to vector<16xf32>
      %scan3A_178 = arith.constant 0 : i32
      %scan3A_179 = arith.constant 64 : i32
      %scan3A_180 = arith.addi %scan3A_178, %scan3A_179 : i32
      %scan3A_181 = arith.constant 8 : i32
      %scan3A_182 = scf.for %scan3A_192 = %scan3A_178 to %scan3A_180 step %scan3A_181 iter_args(%scan3A_193 = %broadcast_in_dim3A_177) -> (vector<16xf32>)  : i32 {
        %mul3A_194 = arith.constant 16 : i32
        %mul3A_195 = arith.muli %scan3A_192, %mul3A_194 : i32
        %get3A = arith.index_cast %scan3A_175 : i32 to index
        %get3A_196 = arith.index_cast %mul3A_195 : i32 to index
        %get3A_197 = tpu.vector_load %arg5[%get3A, %get3A_196] {strides = array<i32>} : memref<32x1024xf32, #tpu.memory_space<vmem>>, vector<1x16xf32>,
        %get3A_198 = vector.shape_cast %get3A_197 : vector<1x16xf32> to vector<16xf32>
        %add3A_199 = arith.addf %scan3A_193, %get3A_198 : vector<16xf32>
        %scan3A_200 = arith.constant 1 : i32
        %scan3A_201 = arith.addi %scan3A_192, %scan3A_200 : i32
        %mul3A_202 = arith.constant 16 : i32
        %mul3A_203 = arith.muli %scan3A_201, %mul3A_202 : i32
        %get3A_204 = arith.index_cast %scan3A_175 : i32 to index
        %get3A_205 = arith.index_cast %mul3A_203 : i32 to index
        %get3A_206 = tpu.vector_load %arg5[%get3A_204, %get3A_205] {strides = array<i32>} : memref<32x1024xf32, #tpu.memory_space<vmem>>, vector<1x16xf32>,
        %get3A_207 = vector.shape_cast %get3A_206 : vector<1x16xf32> to vector<16xf32>
        %add3A_208 = arith.addf %add3A_199, %get3A_207 : vector<16xf32>
        %scan3A_209 = arith.constant 2 : i32
        %scan3A_210 = arith.addi %scan3A_192, %scan3A_209 : i32
        %mul3A_211 = arith.constant 16 : i32
        %mul3A_212 = arith.muli %scan3A_210, %mul3A_211 : i32
        %get3A_213 = arith.index_cast %scan3A_175 : i32 to index
        %get3A_214 = arith.index_cast %mul3A_212 : i32 to index
        %get3A_215 = tpu.vector_load %arg5[%get3A_213, %get3A_214] {strides = array<i32>} : memref<32x1024xf32, #tpu.memory_space<vmem>>, vector<1x16xf32>,
        %get3A_216 = vector.shape_cast %get3A_215 : vector<1x16xf32> to vector<16xf32>
        %add3A_217 = arith.addf %add3A_208, %get3A_216 : vector<16xf32>
        %scan3A_218 = arith.constant 3 : i32
        %scan3A_219 = arith.addi %scan3A_192, %scan3A_218 : i32
        %mul3A_220 = arith.constant 16 : i32
        %mul3A_221 = arith.muli %scan3A_219, %mul3A_220 : i32
        %get3A_222 = arith.index_cast %scan3A_175 : i32 to index
        %get3A_223 = arith.index_cast %mul3A_221 : i32 to index
        %get3A_224 = tpu.vector_load %arg5[%get3A_222, %get3A_223] {strides = array<i32>} : memref<32x1024xf32, #tpu.memory_space<vmem>>, vector<1x16xf32>,
        %get3A_225 = vector.shape_cast %get3A_224 : vector<1x16xf32> to vector<16xf32>
        %add3A_226 = arith.addf %add3A_217, %get3A_225 : vector<16xf32>
        %scan3A_227 = arith.constant 4 : i32
        %scan3A_228 = arith.addi %scan3A_192, %scan3A_227 : i32
        %mul3A_229 = arith.constant 16 : i32
        %mul3A_230 = arith.muli %scan3A_228, %mul3A_229 : i32
        %get3A_231 = arith.index_cast %scan3A_175 : i32 to index
        %get3A_232 = arith.index_cast %mul3A_230 : i32 to index
        %get3A_233 = tpu.vector_load %arg5[%get3A_231, %get3A_232] {strides = array<i32>} : memref<32x1024xf32, #tpu.memory_space<vmem>>, vector<1x16xf32>,
        %get3A_234 = vector.shape_cast %get3A_233 : vector<1x16xf32> to vector<16xf32>
        %add3A_235 = arith.addf %add3A_226, %get3A_234 : vector<16xf32>
        %scan3A_236 = arith.constant 5 : i32
        %scan3A_237 = arith.addi %scan3A_192, %scan3A_236 : i32
        %mul3A_238 = arith.constant 16 : i32
        %mul3A_239 = arith.muli %scan3A_237, %mul3A_238 : i32
        %get3A_240 = arith.index_cast %scan3A_175 : i32 to index
        %get3A_241 = arith.index_cast %mul3A_239 : i32 to index
        %get3A_242 = tpu.vector_load %arg5[%get3A_240, %get3A_241] {strides = array<i32>} : memref<32x1024xf32, #tpu.memory_space<vmem>>, vector<1x16xf32>,
        %get3A_243 = vector.shape_cast %get3A_242 : vector<1x16xf32> to vector<16xf32>
        %add3A_244 = arith.addf %add3A_235, %get3A_243 : vector<16xf32>
        %scan3A_245 = arith.constant 6 : i32
        %scan3A_246 = arith.addi %scan3A_192, %scan3A_245 : i32
        %mul3A_247 = arith.constant 16 : i32
        %mul3A_248 = arith.muli %scan3A_246, %mul3A_247 : i32
        %get3A_249 = arith.index_cast %scan3A_175 : i32 to index
        %get3A_250 = arith.index_cast %mul3A_248 : i32 to index
        %get3A_251 = tpu.vector_load %arg5[%get3A_249, %get3A_250] {strides = array<i32>} : memref<32x1024xf32, #tpu.memory_space<vmem>>, vector<1x16xf32>,
        %get3A_252 = vector.shape_cast %get3A_251 : vector<1x16xf32> to vector<16xf32>
        %add3A_253 = arith.addf %add3A_244, %get3A_252 : vector<16xf32>
        %scan3A_254 = arith.constant 7 : i32
        %scan3A_255 = arith.addi %scan3A_192, %scan3A_254 : i32
        %mul3A_256 = arith.constant 16 : i32
        %mul3A_257 = arith.muli %scan3A_255, %mul3A_256 : i32
        %get3A_258 = arith.index_cast %scan3A_175 : i32 to index
        %get3A_259 = arith.index_cast %mul3A_257 : i32 to index
        %get3A_260 = tpu.vector_load %arg5[%get3A_258, %get3A_259] {strides = array<i32>} : memref<32x1024xf32, #tpu.memory_space<vmem>>, vector<1x16xf32>,
        %get3A_261 = vector.shape_cast %get3A_260 : vector<1x16xf32> to vector<16xf32>
        %add3A_262 = arith.addf %add3A_253, %get3A_261 : vector<16xf32>
        scf.yield %add3A_262 : vector<16xf32>
      }
      %scan3A_183 = arith.constant 64 : i32
      %add3A_184 = arith.constant 160 : i32
      %add3A_185 = arith.addi %add3A_184, %scan3A_175 : i32
      %mul3A_186 = arith.constant 16 : i32
      %mul3A_187 = arith.muli %add3A_185, %mul3A_186 : i32
      %swap3A = arith.index_cast %mul3A_187 : i32 to index
      %swap3A_188 = tpu.vector_load %arg6[%swap3A] {strides = array<i32>} : memref<4096xf32, #tpu.memory_space<vmem>>, vector<16xf32>,
      %swap3A_189 = vector.shape_cast %swap3A_188 : vector<16xf32> to vector<16xf32>
      %swap3A_190 = vector.shape_cast %scan3A_182 : vector<16xf32> to vector<16xf32>
      tpu.vector_store %arg6[%swap3A], %swap3A_190 {strides = array<i32>} : memref<4096xf32, #tpu.memory_space<vmem>>, vector<16xf32>,
      %scan3A_191 = arith.constant 0 : i32
      scf.yield %scan3A_191 : i32
    }
    %scan3A_144 = arith.constant 32 : i32
    %add3A_145 = arith.constant 224 : i32
    %add3A_146 = arith.addi %add3A_37, %add3A_145 : i32
    %dma_start3A_147 = arith.constant 0 : i32
    %dma_start3A_148 = tpu.memref_slice %arg2[%add3A_146, %dma_start3A_147] : memref<32768x1024xf32, #tpu.memory_space<hbm>> -> memref<32x1024xf32, #tpu.memory_space<hbm>>
    %dma_start3A_149 = arith.constant 0 : i32
    %dma_start3A_150 = tpu.memref_slice %arg2[%add3A_146, %dma_start3A_149] : memref<32768x1024xf32, #tpu.memory_space<hbm>> -> memref<32x1024xf32, #tpu.memory_space<hbm>>
    tpu.enqueue_dma source(%dma_start3A_150 : memref<32x1024xf32, #tpu.memory_space<hbm>>) target(%arg5 : memref<32x1024xf32, #tpu.memory_space<vmem>>) target_semaphore(%arg8 : memref<!tpu.dma_semaphore, #tpu.memory_space<semaphore_mem>>)
    %dma_wait3A_151 = arith.constant 0 : i32
    %dma_wait3A_152 = tpu.memref_slice %arg2[%add3A_129, %dma_wait3A_151] : memref<32768x1024xf32, #tpu.memory_space<hbm>> -> memref<32x1024xf32, #tpu.memory_space<hbm>>
    %dma_wait3A_153 = arith.constant 0 : i32
    %dma_wait3A_154 = tpu.memref_slice %arg2[%add3A_129, %dma_wait3A_153] : memref<32768x1024xf32, #tpu.memory_space<hbm>> -> memref<32x1024xf32, #tpu.memory_space<hbm>>
    tpu.wait_dma2 semaphore(%arg7 : memref<!tpu.dma_semaphore, #tpu.memory_space<semaphore_mem>>) src(%dma_wait3A_154 : memref<32x1024xf32, #tpu.memory_space<hbm>>) dst(%arg4 : memref<32x1024xf32, #tpu.memory_space<vmem>>)
    %scan3A_155 = arith.constant 0 : i32
    %scan3A_156 = arith.constant 0 : i32
    %scan3A_157 = arith.constant 32 : i32
    %scan3A_158 = arith.addi %scan3A_156, %scan3A_157 : i32
    %scan3A_159 = arith.constant 1 : i32
    %scan3A_160 = scf.for %scan3A_175 = %scan3A_156 to %scan3A_158 step %scan3A_159 iter_args(%scan3A_176 = %scan3A_155) -> (i32)  : i32 {
      %broadcast_in_dim3A = arith.constant 0.000000e+00 : f32
      %broadcast_in_dim3A_177 = vector.broadcast %broadcast_in_dim3A : f32 to vector<16xf32>
      %scan3A_178 = arith.constant 0 : i32
      %scan3A_179 = arith.constant 64 : i32
      %scan3A_180 = arith.addi %scan3A_178, %scan3A_179 : i32
      %scan3A_181 = arith.constant 8 : i32
      %scan3A_182 = scf.for %scan3A_192 = %scan3A_178 to %scan3A_180 step %scan3A_181 iter_args(%scan3A_193 = %broadcast_in_dim3A_177) -> (vector<16xf32>)  : i32 {
        %mul3A_194 = arith.constant 16 : i32
        %mul3A_195 = arith.muli %scan3A_192, %mul3A_194 : i32
        %get3A = arith.index_cast %scan3A_175 : i32 to index
        %get3A_196 = arith.index_cast %mul3A_195 : i32 to index
        %get3A_197 = tpu.vector_load %arg4[%get3A, %get3A_196] {strides = array<i32>} : memref<32x1024xf32, #tpu.memory_space<vmem>>, vector<1x16xf32>,
        %get3A_198 = vector.shape_cast %get3A_197 : vector<1x16xf32> to vector<16xf32>
        %add3A_199 = arith.addf %scan3A_193, %get3A_198 : vector<16xf32>
        %scan3A_200 = arith.constant 1 : i32
        %scan3A_201 = arith.addi %scan3A_192, %scan3A_200 : i32
        %mul3A_202 = arith.constant 16 : i32
        %mul3A_203 = arith.muli %scan3A_201, %mul3A_202 : i32
        %get3A_204 = arith.index_cast %scan3A_175 : i32 to index
        %get3A_205 = arith.index_cast %mul3A_203 : i32 to index
        %get3A_206 = tpu.vector_load %arg4[%get3A_204, %get3A_205] {strides = array<i32>} : memref<32x1024xf32, #tpu.memory_space<vmem>>, vector<1x16xf32>,
        %get3A_207 = vector.shape_cast %get3A_206 : vector<1x16xf32> to vector<16xf32>
        %add3A_208 = arith.addf %add3A_199, %get3A_207 : vector<16xf32>
        %scan3A_209 = arith.constant 2 : i32
        %scan3A_210 = arith.addi %scan3A_192, %scan3A_209 : i32
        %mul3A_211 = arith.constant 16 : i32
        %mul3A_212 = arith.muli %scan3A_210, %mul3A_211 : i32
        %get3A_213 = arith.index_cast %scan3A_175 : i32 to index
        %get3A_214 = arith.index_cast %mul3A_212 : i32 to index
        %get3A_215 = tpu.vector_load %arg4[%get3A_213, %get3A_214] {strides = array<i32>} : memref<32x1024xf32, #tpu.memory_space<vmem>>, vector<1x16xf32>,
        %get3A_216 = vector.shape_cast %get3A_215 : vector<1x16xf32> to vector<16xf32>
        %add3A_217 = arith.addf %add3A_208, %get3A_216 : vector<16xf32>
        %scan3A_218 = arith.constant 3 : i32
        %scan3A_219 = arith.addi %scan3A_192, %scan3A_218 : i32
        %mul3A_220 = arith.constant 16 : i32
        %mul3A_221 = arith.muli %scan3A_219, %mul3A_220 : i32
        %get3A_222 = arith.index_cast %scan3A_175 : i32 to index
        %get3A_223 = arith.index_cast %mul3A_221 : i32 to index
        %get3A_224 = tpu.vector_load %arg4[%get3A_222, %get3A_223] {strides = array<i32>} : memref<32x1024xf32, #tpu.memory_space<vmem>>, vector<1x16xf32>,
        %get3A_225 = vector.shape_cast %get3A_224 : vector<1x16xf32> to vector<16xf32>
        %add3A_226 = arith.addf %add3A_217, %get3A_225 : vector<16xf32>
        %scan3A_227 = arith.constant 4 : i32
        %scan3A_228 = arith.addi %scan3A_192, %scan3A_227 : i32
        %mul3A_229 = arith.constant 16 : i32
        %mul3A_230 = arith.muli %scan3A_228, %mul3A_229 : i32
        %get3A_231 = arith.index_cast %scan3A_175 : i32 to index
        %get3A_232 = arith.index_cast %mul3A_230 : i32 to index
        %get3A_233 = tpu.vector_load %arg4[%get3A_231, %get3A_232] {strides = array<i32>} : memref<32x1024xf32, #tpu.memory_space<vmem>>, vector<1x16xf32>,
        %get3A_234 = vector.shape_cast %get3A_233 : vector<1x16xf32> to vector<16xf32>
        %add3A_235 = arith.addf %add3A_226, %get3A_234 : vector<16xf32>
        %scan3A_236 = arith.constant 5 : i32
        %scan3A_237 = arith.addi %scan3A_192, %scan3A_236 : i32
        %mul3A_238 = arith.constant 16 : i32
        %mul3A_239 = arith.muli %scan3A_237, %mul3A_238 : i32
        %get3A_240 = arith.index_cast %scan3A_175 : i32 to index
        %get3A_241 = arith.index_cast %mul3A_239 : i32 to index
        %get3A_242 = tpu.vector_load %arg4[%get3A_240, %get3A_241] {strides = array<i32>} : memref<32x1024xf32, #tpu.memory_space<vmem>>, vector<1x16xf32>,
        %get3A_243 = vector.shape_cast %get3A_242 : vector<1x16xf32> to vector<16xf32>
        %add3A_244 = arith.addf %add3A_235, %get3A_243 : vector<16xf32>
        %scan3A_245 = arith.constant 6 : i32
        %scan3A_246 = arith.addi %scan3A_192, %scan3A_245 : i32
        %mul3A_247 = arith.constant 16 : i32
        %mul3A_248 = arith.muli %scan3A_246, %mul3A_247 : i32
        %get3A_249 = arith.index_cast %scan3A_175 : i32 to index
        %get3A_250 = arith.index_cast %mul3A_248 : i32 to index
        %get3A_251 = tpu.vector_load %arg4[%get3A_249, %get3A_250] {strides = array<i32>} : memref<32x1024xf32, #tpu.memory_space<vmem>>, vector<1x16xf32>,
        %get3A_252 = vector.shape_cast %get3A_251 : vector<1x16xf32> to vector<16xf32>
        %add3A_253 = arith.addf %add3A_244, %get3A_252 : vector<16xf32>
        %scan3A_254 = arith.constant 7 : i32
        %scan3A_255 = arith.addi %scan3A_192, %scan3A_254 : i32
        %mul3A_256 = arith.constant 16 : i32
        %mul3A_257 = arith.muli %scan3A_255, %mul3A_256 : i32
        %get3A_258 = arith.index_cast %scan3A_175 : i32 to index
        %get3A_259 = arith.index_cast %mul3A_257 : i32 to index
        %get3A_260 = tpu.vector_load %arg4[%get3A_258, %get3A_259] {strides = array<i32>} : memref<32x1024xf32, #tpu.memory_space<vmem>>, vector<1x16xf32>,
        %get3A_261 = vector.shape_cast %get3A_260 : vector<1x16xf32> to vector<16xf32>
        %add3A_262 = arith.addf %add3A_253, %get3A_261 : vector<16xf32>
        scf.yield %add3A_262 : vector<16xf32>
      }
      %scan3A_183 = arith.constant 64 : i32
      %add3A_184 = arith.constant 192 : i32
      %add3A_185 = arith.addi %add3A_184, %scan3A_175 : i32
      %mul3A_186 = arith.constant 16 : i32
      %mul3A_187 = arith.muli %add3A_185, %mul3A_186 : i32
      %swap3A = arith.index_cast %mul3A_187 : i32 to index
      %swap3A_188 = tpu.vector_load %arg6[%swap3A] {strides = array<i32>} : memref<4096xf32, #tpu.memory_space<vmem>>, vector<16xf32>,
      %swap3A_189 = vector.shape_cast %swap3A_188 : vector<16xf32> to vector<16xf32>
      %swap3A_190 = vector.shape_cast %scan3A_182 : vector<16xf32> to vector<16xf32>
      tpu.vector_store %arg6[%swap3A], %swap3A_190 {strides = array<i32>} : memref<4096xf32, #tpu.memory_space<vmem>>, vector<16xf32>,
      %scan3A_191 = arith.constant 0 : i32
      scf.yield %scan3A_191 : i32
    }
    %scan3A_161 = arith.constant 32 : i32
    %dma_wait3A_162 = arith.constant 0 : i32
    %dma_wait3A_163 = tpu.memref_slice %arg2[%add3A_146, %dma_wait3A_162] : memref<32768x1024xf32, #tpu.memory_space<hbm>> -> memref<32x1024xf32, #tpu.memory_space<hbm>>
    %dma_wait3A_164 = arith.constant 0 : i32
    %dma_wait3A_165 = tpu.memref_slice %arg2[%add3A_146, %dma_wait3A_164] : memref<32768x1024xf32, #tpu.memory_space<hbm>> -> memref<32x1024xf32, #tpu.memory_space<hbm>>
    tpu.wait_dma2 semaphore(%arg8 : memref<!tpu.dma_semaphore, #tpu.memory_space<semaphore_mem>>) src(%dma_wait3A_165 : memref<32x1024xf32, #tpu.memory_space<hbm>>) dst(%arg5 : memref<32x1024xf32, #tpu.memory_space<vmem>>)
    %scan3A_166 = arith.constant 0 : i32
    %scan3A_167 = arith.constant 0 : i32
    %scan3A_168 = arith.constant 32 : i32
    %scan3A_169 = arith.addi %scan3A_167, %scan3A_168 : i32
    %scan3A_170 = arith.constant 1 : i32
    %scan3A_171 = scf.for %scan3A_175 = %scan3A_167 to %scan3A_169 step %scan3A_170 iter_args(%scan3A_176 = %scan3A_166) -> (i32)  : i32 {
      %broadcast_in_dim3A = arith.constant 0.000000e+00 : f32
      %broadcast_in_dim3A_177 = vector.broadcast %broadcast_in_dim3A : f32 to vector<16xf32>
      %scan3A_178 = arith.constant 0 : i32
      %scan3A_179 = arith.constant 64 : i32
      %scan3A_180 = arith.addi %scan3A_178, %scan3A_179 : i32
      %scan3A_181 = arith.constant 8 : i32
      %scan3A_182 = scf.for %scan3A_192 = %scan3A_178 to %scan3A_180 step %scan3A_181 iter_args(%scan3A_193 = %broadcast_in_dim3A_177) -> (vector<16xf32>)  : i32 {
        %mul3A_194 = arith.constant 16 : i32
        %mul3A_195 = arith.muli %scan3A_192, %mul3A_194 : i32
        %get3A = arith.index_cast %scan3A_175 : i32 to index
        %get3A_196 = arith.index_cast %mul3A_195 : i32 to index
        %get3A_197 = tpu.vector_load %arg5[%get3A, %get3A_196] {strides = array<i32>} : memref<32x1024xf32, #tpu.memory_space<vmem>>, vector<1x16xf32>,
        %get3A_198 = vector.shape_cast %get3A_197 : vector<1x16xf32> to vector<16xf32>
        %add3A_199 = arith.addf %scan3A_193, %get3A_198 : vector<16xf32>
        %scan3A_200 = arith.constant 1 : i32
        %scan3A_201 = arith.addi %scan3A_192, %scan3A_200 : i32
        %mul3A_202 = arith.constant 16 : i32
        %mul3A_203 = arith.muli %scan3A_201, %mul3A_202 : i32
        %get3A_204 = arith.index_cast %scan3A_175 : i32 to index
        %get3A_205 = arith.index_cast %mul3A_203 : i32 to index
        %get3A_206 = tpu.vector_load %arg5[%get3A_204, %get3A_205] {strides = array<i32>} : memref<32x1024xf32, #tpu.memory_space<vmem>>, vector<1x16xf32>,
        %get3A_207 = vector.shape_cast %get3A_206 : vector<1x16xf32> to vector<16xf32>
        %add3A_208 = arith.addf %add3A_199, %get3A_207 : vector<16xf32>
        %scan3A_209 = arith.constant 2 : i32
        %scan3A_210 = arith.addi %scan3A_192, %scan3A_209 : i32
        %mul3A_211 = arith.constant 16 : i32
        %mul3A_212 = arith.muli %scan3A_210, %mul3A_211 : i32
        %get3A_213 = arith.index_cast %scan3A_175 : i32 to index
        %get3A_214 = arith.index_cast %mul3A_212 : i32 to index
        %get3A_215 = tpu.vector_load %arg5[%get3A_213, %get3A_214] {strides = array<i32>} : memref<32x1024xf32, #tpu.memory_space<vmem>>, vector<1x16xf32>,
        %get3A_216 = vector.shape_cast %get3A_215 : vector<1x16xf32> to vector<16xf32>
        %add3A_217 = arith.addf %add3A_208, %get3A_216 : vector<16xf32>
        %scan3A_218 = arith.constant 3 : i32
        %scan3A_219 = arith.addi %scan3A_192, %scan3A_218 : i32
        %mul3A_220 = arith.constant 16 : i32
        %mul3A_221 = arith.muli %scan3A_219, %mul3A_220 : i32
        %get3A_222 = arith.index_cast %scan3A_175 : i32 to index
        %get3A_223 = arith.index_cast %mul3A_221 : i32 to index
        %get3A_224 = tpu.vector_load %arg5[%get3A_222, %get3A_223] {strides = array<i32>} : memref<32x1024xf32, #tpu.memory_space<vmem>>, vector<1x16xf32>,
        %get3A_225 = vector.shape_cast %get3A_224 : vector<1x16xf32> to vector<16xf32>
        %add3A_226 = arith.addf %add3A_217, %get3A_225 : vector<16xf32>
        %scan3A_227 = arith.constant 4 : i32
        %scan3A_228 = arith.addi %scan3A_192, %scan3A_227 : i32
        %mul3A_229 = arith.constant 16 : i32
        %mul3A_230 = arith.muli %scan3A_228, %mul3A_229 : i32
        %get3A_231 = arith.index_cast %scan3A_175 : i32 to index
        %get3A_232 = arith.index_cast %mul3A_230 : i32 to index
        %get3A_233 = tpu.vector_load %arg5[%get3A_231, %get3A_232] {strides = array<i32>} : memref<32x1024xf32, #tpu.memory_space<vmem>>, vector<1x16xf32>,
        %get3A_234 = vector.shape_cast %get3A_233 : vector<1x16xf32> to vector<16xf32>
        %add3A_235 = arith.addf %add3A_226, %get3A_234 : vector<16xf32>
        %scan3A_236 = arith.constant 5 : i32
        %scan3A_237 = arith.addi %scan3A_192, %scan3A_236 : i32
        %mul3A_238 = arith.constant 16 : i32
        %mul3A_239 = arith.muli %scan3A_237, %mul3A_238 : i32
        %get3A_240 = arith.index_cast %scan3A_175 : i32 to index
        %get3A_241 = arith.index_cast %mul3A_239 : i32 to index
        %get3A_242 = tpu.vector_load %arg5[%get3A_240, %get3A_241] {strides = array<i32>} : memref<32x1024xf32, #tpu.memory_space<vmem>>, vector<1x16xf32>,
        %get3A_243 = vector.shape_cast %get3A_242 : vector<1x16xf32> to vector<16xf32>
        %add3A_244 = arith.addf %add3A_235, %get3A_243 : vector<16xf32>
        %scan3A_245 = arith.constant 6 : i32
        %scan3A_246 = arith.addi %scan3A_192, %scan3A_245 : i32
        %mul3A_247 = arith.constant 16 : i32
        %mul3A_248 = arith.muli %scan3A_246, %mul3A_247 : i32
        %get3A_249 = arith.index_cast %scan3A_175 : i32 to index
        %get3A_250 = arith.index_cast %mul3A_248 : i32 to index
        %get3A_251 = tpu.vector_load %arg5[%get3A_249, %get3A_250] {strides = array<i32>} : memref<32x1024xf32, #tpu.memory_space<vmem>>, vector<1x16xf32>,
        %get3A_252 = vector.shape_cast %get3A_251 : vector<1x16xf32> to vector<16xf32>
        %add3A_253 = arith.addf %add3A_244, %get3A_252 : vector<16xf32>
        %scan3A_254 = arith.constant 7 : i32
        %scan3A_255 = arith.addi %scan3A_192, %scan3A_254 : i32
        %mul3A_256 = arith.constant 16 : i32
        %mul3A_257 = arith.muli %scan3A_255, %mul3A_256 : i32
        %get3A_258 = arith.index_cast %scan3A_175 : i32 to index
        %get3A_259 = arith.index_cast %mul3A_257 : i32 to index
        %get3A_260 = tpu.vector_load %arg5[%get3A_258, %get3A_259] {strides = array<i32>} : memref<32x1024xf32, #tpu.memory_space<vmem>>, vector<1x16xf32>,
        %get3A_261 = vector.shape_cast %get3A_260 : vector<1x16xf32> to vector<16xf32>
        %add3A_262 = arith.addf %add3A_253, %get3A_261 : vector<16xf32>
        scf.yield %add3A_262 : vector<16xf32>
      }
      %scan3A_183 = arith.constant 64 : i32
      %add3A_184 = arith.constant 224 : i32
      %add3A_185 = arith.addi %add3A_184, %scan3A_175 : i32
      %mul3A_186 = arith.constant 16 : i32
      %mul3A_187 = arith.muli %add3A_185, %mul3A_186 : i32
      %swap3A = arith.index_cast %mul3A_187 : i32 to index
      %swap3A_188 = tpu.vector_load %arg6[%swap3A] {strides = array<i32>} : memref<4096xf32, #tpu.memory_space<vmem>>, vector<16xf32>,
      %swap3A_189 = vector.shape_cast %swap3A_188 : vector<16xf32> to vector<16xf32>
      %swap3A_190 = vector.shape_cast %scan3A_182 : vector<16xf32> to vector<16xf32>
      tpu.vector_store %arg6[%swap3A], %swap3A_190 {strides = array<i32>} : memref<4096xf32, #tpu.memory_space<vmem>>, vector<16xf32>,
      %scan3A_191 = arith.constant 0 : i32
      scf.yield %scan3A_191 : i32
    }
    %scan3A_172 = arith.constant 32 : i32
    %mul3A_173 = arith.constant 16 : i32
    %mul3A_174 = arith.muli %mul3A_39, %mul3A_173 : i32
    "tpu.region"() ({
      %run_scoped3A = tpu.sem_alloc : memref<!tpu.dma_semaphore, #tpu.memory_space<semaphore_mem>>
      %dma_start3A_175 = tpu.memref_slice %arg3[%mul3A_174] : memref<131072xf32, #tpu.memory_space<hbm>> -> memref<4096xf32, #tpu.memory_space<hbm>>
      %dma_start3A_176 = tpu.memref_slice %arg3[%mul3A_174] : memref<131072xf32, #tpu.memory_space<hbm>> -> memref<4096xf32, #tpu.memory_space<hbm>>
      tpu.enqueue_dma source(%arg6 : memref<4096xf32, #tpu.memory_space<vmem>>) target(%dma_start3A_176 : memref<4096xf32, #tpu.memory_space<hbm>>) target_semaphore(%run_scoped3A : memref<!tpu.dma_semaphore, #tpu.memory_space<semaphore_mem>>)
      %dma_wait3A_177 = tpu.memref_slice %arg3[%mul3A_174] : memref<131072xf32, #tpu.memory_space<hbm>> -> memref<4096xf32, #tpu.memory_space<hbm>>
      %dma_wait3A_178 = tpu.memref_slice %arg3[%mul3A_174] : memref<131072xf32, #tpu.memory_space<hbm>> -> memref<4096xf32, #tpu.memory_space<hbm>>
      tpu.wait_dma2 semaphore(%run_scoped3A : memref<!tpu.dma_semaphore, #tpu.memory_space<semaphore_mem>>) src(%arg6 : memref<4096xf32, #tpu.memory_space<vmem>>) dst(%dma_wait3A_178 : memref<4096xf32, #tpu.memory_space<hbm>>)
      tpu.yield
    }) : () -> ()
    return
  }
}

module attributes {stable_mosaic.version = 14 : i64} {
  func.func @_w2sum_kernel(%arg0: i32, %arg1: i32, %arg2: memref<1x1024x1024xf32, #tpu.memory_space<vmem>>, %arg3: memref<1x1x1024xf32, #tpu.memory_space<vmem>>) attributes {dimension_semantics = [#tpu.dimension_semantics<arbitrary>, #tpu.dimension_semantics<arbitrary>], iteration_bounds = array<i64: 8, 3>, scalar_prefetch = 0 : i64, scratch_operands = 0 : i64, tpu.core_type = #tpu.core_type<tc>, window_params = [{transform_indices = @transform_0, window_bounds = array<i64: 1, 1024, 1024>}, {transform_indices = @transform_1, window_bounds = array<i64: 1, 1, 1024>}]} {
    %get3A = arith.constant 0 : index
    %get3A_0 = arith.constant 0 : index
    %get3A_1 = arith.constant 0 : index
    %get3A_2 = vector.load %arg2[%get3A, %get3A_0, %get3A_1] : memref<1x1024x1024xf32, #tpu.memory_space<vmem>>, vector<1x1024x1024xf32>
    %get3A_3 = vector.shape_cast %get3A_2 : vector<1x1024x1024xf32> to vector<1024x1024xf32>
    %broadcast_in_dim3A = arith.constant 1.000000e+00 : f32
    %broadcast_in_dim3A_4 = vector.broadcast %broadcast_in_dim3A : f32 to vector<1x1024xf32>
    %dot_general3A = arith.constant dense<0.000000e+00> : vector<1x1024xf32>
    %dot_general3A_5 = tpu.matmul %broadcast_in_dim3A_4, %get3A_3, %dot_general3A {dimension_numbers = #tpu.dot_dimension_numbers<[1], [1], [0], [0], [0, 0, 1, 0], [], []>, transpose_lhs_hint = false} : vector<1x1024xf32>, vector<1024x1024xf32>, vector<1x1024xf32> -> vector<1x1024xf32>
    %swap3A = arith.constant 0 : index
    %swap3A_6 = arith.constant 0 : index
    %swap3A_7 = arith.constant 0 : index
    %swap3A_8 = vector.load %arg3[%swap3A, %swap3A_6, %swap3A_7] : memref<1x1x1024xf32, #tpu.memory_space<vmem>>, vector<1x1x1024xf32>
    %swap3A_9 = vector.shape_cast %swap3A_8 : vector<1x1x1024xf32> to vector<1x1024xf32>
    %swap3A_10 = vector.shape_cast %dot_general3A_5 : vector<1x1024xf32> to vector<1x1x1024xf32>
    tpu.vector_store %arg3[%swap3A, %swap3A_6, %swap3A_7], %swap3A_10 {strides = array<i32>} : memref<1x1x1024xf32, #tpu.memory_space<vmem>>, vector<1x1x1024xf32>,
    return
  }
  func.func @transform_0(%arg0: i32, %arg1: i32) -> (i32, i32, i32) {
    %c0_i32 = arith.constant 0 : i32
    %c0_i32_0 = arith.constant 0 : i32
    return %arg0, %arg1, %c0_i32 : i32, i32, i32
  }
  func.func @transform_1(%arg0: i32, %arg1: i32) -> (i32, i32, i32) {
    %c0_i32 = arith.constant 0 : i32
    %c0_i32_0 = arith.constant 0 : i32
    return %arg0, %c0_i32, %arg1 : i32, i32, i32
  }
}

module attributes {stable_mosaic.version = 14 : i64} {
  func.func @_weff_kernel(%arg0: i32, %arg1: i32, %arg2: memref<1x512x4096xf32, #tpu.memory_space<vmem>>, %arg3: memref<1x1x3072xf32, #tpu.memory_space<vmem>>, %arg4: memref<1x1024x16xf32, #tpu.memory_space<vmem>>, %arg5: memref<1x1x512xf32, #tpu.memory_space<vmem>>, %arg6: memref<1x1x4096xf32, #tpu.memory_space<vmem>>) attributes {dimension_semantics = [#tpu.dimension_semantics<arbitrary>, #tpu.dimension_semantics<arbitrary>], iteration_bounds = array<i64: 8, 2>, scalar_prefetch = 0 : i64, scratch_operands = 0 : i64, tpu.core_type = #tpu.core_type<tc>, window_params = [{transform_indices = @transform_0, window_bounds = array<i64: 1, 512, 4096>}, {transform_indices = @transform_1, window_bounds = array<i64: 1, 1, 3072>}, {transform_indices = @transform_2, window_bounds = array<i64: 1, 1024, 16>}, {transform_indices = @transform_3, window_bounds = array<i64: 1, 1, 512>}, {transform_indices = @transform_4, window_bounds = array<i64: 1, 1, 4096>}]} {
    %get3A = arith.constant 0 : index
    %get3A_0 = arith.constant 0 : index
    %get3A_1 = arith.constant 0 : index
    %get3A_2 = vector.load %arg4[%get3A, %get3A_0, %get3A_1] : memref<1x1024x16xf32, #tpu.memory_space<vmem>>, vector<1x1024x16xf32>
    %get3A_3 = vector.shape_cast %get3A_2 : vector<1x1024x16xf32> to vector<1024x16xf32>
    %broadcast_in_dim3A = arith.constant 1.000000e+00 : f32
    %broadcast_in_dim3A_4 = vector.broadcast %broadcast_in_dim3A : f32 to vector<1x16xf32>
    %dot_general3A = arith.constant dense<0.000000e+00> : vector<1x1024xf32>
    %dot_general3A_5 = tpu.matmul %broadcast_in_dim3A_4, %get3A_3, %dot_general3A {dimension_numbers = #tpu.dot_dimension_numbers<[1], [1], [0], [0], [0, 0, 1, 0], [], []>, transpose_lhs_hint = false} : vector<1x16xf32>, vector<1024x16xf32>, vector<1x1024xf32> -> vector<1x1024xf32>
    %get3A_6 = arith.constant 0 : index
    %get3A_7 = arith.constant 0 : index
    %get3A_8 = arith.constant 0 : index
    %get3A_9 = vector.load %arg3[%get3A_6, %get3A_7, %get3A_8] : memref<1x1x3072xf32, #tpu.memory_space<vmem>>, vector<1x1x3072xf32>
    %get3A_10 = vector.shape_cast %get3A_9 : vector<1x1x3072xf32> to vector<1x3072xf32>
    %concatenate3A = tpu.concatenate %get3A_10, %dot_general3A_5 in 1 : vector<1x3072xf32>, vector<1x1024xf32> -> vector<1x4096xf32>
    %eq3A = arith.constant 0 : i32
    %eq3A_11 = arith.cmpi eq, %arg1, %eq3A : i32
    %convert_element_type3A = arith.extui %eq3A_11 : i1 to i32
    %cond3A = arith.constant 0 : i32
    %cond3A_12 = arith.cmpi ne, %convert_element_type3A, %cond3A : i32
    scf.if %cond3A_12 {
      %swap3A_25 = arith.constant 0 : index
      %swap3A_26 = arith.constant 0 : index
      %swap3A_27 = arith.constant 0 : index
      %swap3A_28 = vector.load %arg6[%swap3A_25, %swap3A_26, %swap3A_27] : memref<1x1x4096xf32, #tpu.memory_space<vmem>>, vector<1x1x4096xf32>
      %swap3A_29 = vector.shape_cast %swap3A_28 : vector<1x1x4096xf32> to vector<1x4096xf32>
      %swap3A_30 = vector.shape_cast %concatenate3A : vector<1x4096xf32> to vector<1x1x4096xf32>
      tpu.vector_store %arg6[%swap3A_25, %swap3A_26, %swap3A_27], %swap3A_30 {strides = array<i32>} : memref<1x1x4096xf32, #tpu.memory_space<vmem>>, vector<1x1x4096xf32>,
    } else {
    }
    %get3A_13 = arith.constant 0 : index
    %get3A_14 = arith.constant 0 : index
    %get3A_15 = arith.constant 0 : index
    %get3A_16 = vector.load %arg2[%get3A_13, %get3A_14, %get3A_15] : memref<1x512x4096xf32, #tpu.memory_space<vmem>>, vector<1x512x4096xf32>
    %get3A_17 = vector.shape_cast %get3A_16 : vector<1x512x4096xf32> to vector<512x4096xf32>
    %dot_general3A_18 = arith.constant dense<0.000000e+00> : vector<1x512xf32>
    %dot_general3A_19 = tpu.matmul %concatenate3A, %get3A_17, %dot_general3A_18 {dimension_numbers = #tpu.dot_dimension_numbers<[1], [1], [0], [0], [0, 0, 1, 0], [], []>, transpose_lhs_hint = false} : vector<1x4096xf32>, vector<512x4096xf32>, vector<1x512xf32> -> vector<1x512xf32>
    %swap3A = arith.constant 0 : index
    %swap3A_20 = arith.constant 0 : index
    %swap3A_21 = arith.constant 0 : index
    %swap3A_22 = vector.load %arg5[%swap3A, %swap3A_20, %swap3A_21] : memref<1x1x512xf32, #tpu.memory_space<vmem>>, vector<1x1x512xf32>
    %swap3A_23 = vector.shape_cast %swap3A_22 : vector<1x1x512xf32> to vector<1x512xf32>
    %swap3A_24 = vector.shape_cast %dot_general3A_19 : vector<1x512xf32> to vector<1x1x512xf32>
    tpu.vector_store %arg5[%swap3A, %swap3A_20, %swap3A_21], %swap3A_24 {strides = array<i32>} : memref<1x1x512xf32, #tpu.memory_space<vmem>>, vector<1x1x512xf32>,
    return
  }
  func.func @transform_0(%arg0: i32, %arg1: i32) -> (i32, i32, i32) {
    %c0_i32 = arith.constant 0 : i32
    %c0_i32_0 = arith.constant 0 : i32
    return %arg0, %arg1, %c0_i32 : i32, i32, i32
  }
  func.func @transform_1(%arg0: i32, %arg1: i32) -> (i32, i32, i32) {
    %c0_i32 = arith.constant 0 : i32
    %c0_i32_0 = arith.constant 0 : i32
    %c0_i32_1 = arith.constant 0 : i32
    return %arg0, %c0_i32, %c0_i32_0 : i32, i32, i32
  }
  func.func @transform_2(%arg0: i32, %arg1: i32) -> (i32, i32, i32) {
    %c0_i32 = arith.constant 0 : i32
    %c0_i32_0 = arith.constant 0 : i32
    %c0_i32_1 = arith.constant 0 : i32
    return %arg0, %c0_i32, %c0_i32_0 : i32, i32, i32
  }
  func.func @transform_3(%arg0: i32, %arg1: i32) -> (i32, i32, i32) {
    %c0_i32 = arith.constant 0 : i32
    %c0_i32_0 = arith.constant 0 : i32
    return %arg0, %c0_i32, %arg1 : i32, i32, i32
  }
  func.func @transform_4(%arg0: i32, %arg1: i32) -> (i32, i32, i32) {
    %c0_i32 = arith.constant 0 : i32
    %c0_i32_0 = arith.constant 0 : i32
    %c0_i32_1 = arith.constant 0 : i32
    return %arg0, %c0_i32, %c0_i32_0 : i32, i32, i32
  }
}

module attributes {stable_mosaic.version = 14 : i64} {
  func.func @_route_kernel(%arg0: memref<2048x1024xf32, #tpu.memory_space<vmem>>, %arg1: memref<16x1024xf32, #tpu.memory_space<vmem>>, %arg2: memref<8x4096xf32, #tpu.memory_space<vmem>>, %arg3: memref<8x1024xf32, #tpu.memory_space<vmem>>, %arg4: memref<8x4096xf32, #tpu.memory_space<vmem>>, %arg5: memref<1x2048xf32, #tpu.memory_space<vmem>>) attributes {dimension_semantics = [], scalar_prefetch = 0 : i64, scratch_operands = 0 : i64, tpu.core_type = #tpu.core_type<tc>} {
    %get3A = arith.constant 0 : index
    %get3A_0 = arith.constant 0 : index
    %get3A_1 = vector.load %arg0[%get3A, %get3A_0] : memref<2048x1024xf32, #tpu.memory_space<vmem>>, vector<2048x1024xf32>
    %get3A_2 = arith.constant 0 : index
    %get3A_3 = arith.constant 0 : index
    %get3A_4 = vector.load %arg1[%get3A_2, %get3A_3] : memref<16x1024xf32, #tpu.memory_space<vmem>>, vector<16x1024xf32>
    %dot_general3A = arith.constant dense<0.000000e+00> : vector<16x2048xf32>
    %dot_general3A_5 = tpu.matmul %get3A_4, %get3A_1, %dot_general3A {dimension_numbers = #tpu.dot_dimension_numbers<[1], [1], [0], [0], [0, 0, 1, 0], [], []>, transpose_lhs_hint = false} : vector<16x1024xf32>, vector<2048x1024xf32>, vector<16x2048xf32> -> vector<16x2048xf32>
    %get3A_6 = arith.constant 0 : index
    %get3A_7 = arith.constant 0 : index
    %get3A_8 = vector.load %arg2[%get3A_6, %get3A_7] : memref<8x4096xf32, #tpu.memory_space<vmem>>, vector<8x4096xf32>
    %get3A_9 = arith.constant 0 : index
    %get3A_10 = arith.constant 0 : index
    %get3A_11 = vector.load %arg4[%get3A_9, %get3A_10] : memref<8x4096xf32, #tpu.memory_space<vmem>>, vector<8x4096xf32>
    %mul3A = arith.mulf %get3A_8, %get3A_11 : vector<8x4096xf32>
    %reduce_sum3A = arith.constant dense<0.000000e+00> : vector<8xf32>
    %reduce_sum3A_12 = vector.multi_reduction <add>, %mul3A, %reduce_sum3A [1] : vector<8x4096xf32> to vector<8xf32>
    %broadcast_in_dim3A = vector.shape_cast %reduce_sum3A_12 : vector<8xf32> to vector<8x1xf32>
    %get3A_13 = arith.constant 0 : index
    %get3A_14 = arith.constant 0 : index
    %get3A_15 = vector.load %arg3[%get3A_13, %get3A_14] : memref<8x1024xf32, #tpu.memory_space<vmem>>, vector<8x1024xf32>
    %reduce_sum3A_16 = arith.constant dense<0.000000e+00> : vector<8xf32>
    %reduce_sum3A_17 = vector.multi_reduction <add>, %get3A_15, %reduce_sum3A_16 [1] : vector<8x1024xf32> to vector<8xf32>
    %broadcast_in_dim3A_18 = vector.shape_cast %reduce_sum3A_17 : vector<8xf32> to vector<8x1xf32>
    %add3A = arith.addf %broadcast_in_dim3A, %broadcast_in_dim3A_18 : vector<8x1xf32>
    %slice3A = vector.extract_strided_slice %dot_general3A_5 {offsets = [0, 0], sizes = [8, 2048], strides = [1, 1]} : vector<16x2048xf32> to vector<8x2048xf32>
    %slice3A_19 = vector.extract_strided_slice %dot_general3A_5 {offsets = [8, 0], sizes = [8, 2048], strides = [1, 1]} : vector<16x2048xf32> to vector<8x2048xf32>
    %add3A_20 = vector.broadcast %add3A : vector<8x1xf32> to vector<8x2048xf32>
    %add3A_21 = arith.addf %slice3A_19, %add3A_20 : vector<8x2048xf32>
    %iota3A = tpu.iota {dimensions = array<i32: 0>} : vector<8x2048xi32>
    %reduce_max3A = arith.constant dense<0xFF800000> : vector<2048xf32>
    %reduce_max3A_22 = vector.multi_reduction <maximumf>, %slice3A, %reduce_max3A [0] : vector<8x2048xf32> to vector<2048xf32>
    %broadcast_in_dim3A_23 = vector.shape_cast %reduce_max3A_22 : vector<2048xf32> to vector<1x2048xf32>
    %eq3A = vector.broadcast %broadcast_in_dim3A_23 : vector<1x2048xf32> to vector<8x2048xf32>
    %eq3A_24 = arith.cmpf oeq, %slice3A, %eq3A : vector<8x2048xf32>
    %jit3A = arith.constant 8 : i32
    %broadcast_in_dim3A_25 = vector.broadcast %jit3A : i32 to vector<8x2048xi32>
    %select_n3A = arith.select %eq3A_24, %iota3A, %broadcast_in_dim3A_25 : vector<8x2048xi1>, vector<8x2048xi32>
    %reduce_min3A = arith.constant dense<2147483647> : vector<2048xi32>
    %reduce_min3A_26 = vector.multi_reduction <minsi>, %select_n3A, %reduce_min3A [0] : vector<8x2048xi32> to vector<2048xi32>
    %broadcast_in_dim3A_27 = vector.shape_cast %reduce_min3A_26 : vector<2048xi32> to vector<1x2048xi32>
    %eq3A_28 = vector.broadcast %broadcast_in_dim3A_27 : vector<1x2048xi32> to vector<8x2048xi32>
    %eq3A_29 = arith.cmpi eq, %iota3A, %eq3A_28 : vector<8x2048xi32>
    %convert_element_type3A = arith.extui %eq3A_29 : vector<8x2048xi1> to vector<8x2048xi32>
    %convert_element_type3A_30 = arith.sitofp %convert_element_type3A : vector<8x2048xi32> to vector<8x2048xf32>
    %gt3A = arith.constant 0.000000e+00 : f32
    %gt3A_31 = vector.broadcast %gt3A : f32 to vector<8x2048xf32>
    %gt3A_32 = arith.cmpf ogt, %convert_element_type3A_30, %gt3A_31 : vector<8x2048xf32>
    %jit3A_33 = arith.constant 0xFF800000 : f32
    %broadcast_in_dim3A_34 = vector.broadcast %jit3A_33 : f32 to vector<8x2048xf32>
    %select_n3A_35 = arith.select %gt3A_32, %broadcast_in_dim3A_34, %slice3A : vector<8x2048xi1>, vector<8x2048xf32>
    %reduce_max3A_36 = arith.constant dense<0xFF800000> : vector<2048xf32>
    %reduce_max3A_37 = vector.multi_reduction <maximumf>, %select_n3A_35, %reduce_max3A_36 [0] : vector<8x2048xf32> to vector<2048xf32>
    %broadcast_in_dim3A_38 = vector.shape_cast %reduce_max3A_37 : vector<2048xf32> to vector<1x2048xf32>
    %eq3A_39 = vector.broadcast %broadcast_in_dim3A_38 : vector<1x2048xf32> to vector<8x2048xf32>
    %eq3A_40 = arith.cmpf oeq, %select_n3A_35, %eq3A_39 : vector<8x2048xf32>
    %jit3A_41 = arith.constant 8 : i32
    %broadcast_in_dim3A_42 = vector.broadcast %jit3A_41 : i32 to vector<8x2048xi32>
    %select_n3A_43 = arith.select %eq3A_40, %iota3A, %broadcast_in_dim3A_42 : vector<8x2048xi1>, vector<8x2048xi32>
    %reduce_min3A_44 = arith.constant dense<2147483647> : vector<2048xi32>
    %reduce_min3A_45 = vector.multi_reduction <minsi>, %select_n3A_43, %reduce_min3A_44 [0] : vector<8x2048xi32> to vector<2048xi32>
    %broadcast_in_dim3A_46 = vector.shape_cast %reduce_min3A_45 : vector<2048xi32> to vector<1x2048xi32>
    %eq3A_47 = vector.broadcast %broadcast_in_dim3A_46 : vector<1x2048xi32> to vector<8x2048xi32>
    %eq3A_48 = arith.cmpi eq, %iota3A, %eq3A_47 : vector<8x2048xi32>
    %convert_element_type3A_49 = arith.extui %eq3A_48 : vector<8x2048xi1> to vector<8x2048xi32>
    %convert_element_type3A_50 = arith.sitofp %convert_element_type3A_49 : vector<8x2048xi32> to vector<8x2048xf32>
    %sub3A = vector.broadcast %broadcast_in_dim3A_23 : vector<1x2048xf32> to vector<8x2048xf32>
    %sub3A_51 = arith.subf %slice3A, %sub3A : vector<8x2048xf32>
    %exp3A = math.exp %sub3A_51 : vector<8x2048xf32>
    %reduce_sum3A_52 = arith.constant dense<0.000000e+00> : vector<2048xf32>
    %reduce_sum3A_53 = vector.multi_reduction <add>, %exp3A, %reduce_sum3A_52 [0] : vector<8x2048xf32> to vector<2048xf32>
    %broadcast_in_dim3A_54 = vector.shape_cast %reduce_sum3A_53 : vector<2048xf32> to vector<1x2048xf32>
    %div3A = vector.broadcast %broadcast_in_dim3A_54 : vector<1x2048xf32> to vector<8x2048xf32>
    %div3A_55 = arith.divf %exp3A, %div3A : vector<8x2048xf32>
    %mul3A_56 = arith.mulf %div3A_55, %convert_element_type3A_30 : vector<8x2048xf32>
    %reduce_sum3A_57 = arith.constant dense<0.000000e+00> : vector<2048xf32>
    %reduce_sum3A_58 = vector.multi_reduction <add>, %mul3A_56, %reduce_sum3A_57 [0] : vector<8x2048xf32> to vector<2048xf32>
    %broadcast_in_dim3A_59 = vector.shape_cast %reduce_sum3A_58 : vector<2048xf32> to vector<1x2048xf32>
    %mul3A_60 = arith.mulf %div3A_55, %convert_element_type3A_50 : vector<8x2048xf32>
    %reduce_sum3A_61 = arith.constant dense<0.000000e+00> : vector<2048xf32>
    %reduce_sum3A_62 = vector.multi_reduction <add>, %mul3A_60, %reduce_sum3A_61 [0] : vector<8x2048xf32> to vector<2048xf32>
    %broadcast_in_dim3A_63 = vector.shape_cast %reduce_sum3A_62 : vector<2048xf32> to vector<1x2048xf32>
    %add3A_64 = arith.addf %broadcast_in_dim3A_59, %broadcast_in_dim3A_63 : vector<1x2048xf32>
    %add3A_65 = arith.constant 9.99999971E-10 : f32
    %add3A_66 = vector.broadcast %add3A_65 : f32 to vector<1x2048xf32>
    %add3A_67 = arith.addf %add3A_64, %add3A_66 : vector<1x2048xf32>
    %div3A_68 = arith.divf %broadcast_in_dim3A_59, %add3A_67 : vector<1x2048xf32>
    %div3A_69 = arith.divf %broadcast_in_dim3A_63, %add3A_67 : vector<1x2048xf32>
    %iota3A_70 = tpu.iota {dimensions = array<i32: 1>} : vector<8x2048xi32>
    %roll3A = arith.constant 1 : i32
    %roll3A_71 = tpu.dynamic_rotate %convert_element_type3A_30 by %roll3A dim 1 : vector<8x2048xf32>, i32 -> vector<8x2048xf32>
    %ge3A = arith.constant 1 : i32
    %ge3A_72 = vector.broadcast %ge3A : i32 to vector<8x2048xi32>
    %ge3A_73 = arith.cmpi sge, %iota3A_70, %ge3A_72 : vector<8x2048xi32>
    %jit3A_74 = arith.constant 0.000000e+00 : f32
    %broadcast_in_dim3A_75 = vector.broadcast %jit3A_74 : f32 to vector<8x2048xf32>
    %select_n3A_76 = arith.select %ge3A_73, %roll3A_71, %broadcast_in_dim3A_75 : vector<8x2048xi1>, vector<8x2048xf32>
    %add3A_77 = arith.addf %convert_element_type3A_30, %select_n3A_76 : vector<8x2048xf32>
    %roll3A_78 = arith.constant 2 : i32
    %roll3A_79 = tpu.dynamic_rotate %add3A_77 by %roll3A_78 dim 1 : vector<8x2048xf32>, i32 -> vector<8x2048xf32>
    %ge3A_80 = arith.constant 2 : i32
    %ge3A_81 = vector.broadcast %ge3A_80 : i32 to vector<8x2048xi32>
    %ge3A_82 = arith.cmpi sge, %iota3A_70, %ge3A_81 : vector<8x2048xi32>
    %jit3A_83 = arith.constant 0.000000e+00 : f32
    %broadcast_in_dim3A_84 = vector.broadcast %jit3A_83 : f32 to vector<8x2048xf32>
    %select_n3A_85 = arith.select %ge3A_82, %roll3A_79, %broadcast_in_dim3A_84 : vector<8x2048xi1>, vector<8x2048xf32>
    %add3A_86 = arith.addf %add3A_77, %select_n3A_85 : vector<8x2048xf32>
    %roll3A_87 = arith.constant 4 : i32
    %roll3A_88 = tpu.dynamic_rotate %add3A_86 by %roll3A_87 dim 1 : vector<8x2048xf32>, i32 -> vector<8x2048xf32>
    %ge3A_89 = arith.constant 4 : i32
    %ge3A_90 = vector.broadcast %ge3A_89 : i32 to vector<8x2048xi32>
    %ge3A_91 = arith.cmpi sge, %iota3A_70, %ge3A_90 : vector<8x2048xi32>
    %jit3A_92 = arith.constant 0.000000e+00 : f32
    %broadcast_in_dim3A_93 = vector.broadcast %jit3A_92 : f32 to vector<8x2048xf32>
    %select_n3A_94 = arith.select %ge3A_91, %roll3A_88, %broadcast_in_dim3A_93 : vector<8x2048xi1>, vector<8x2048xf32>
    %add3A_95 = arith.addf %add3A_86, %select_n3A_94 : vector<8x2048xf32>
    %roll3A_96 = arith.constant 8 : i32
    %roll3A_97 = tpu.dynamic_rotate %add3A_95 by %roll3A_96 dim 1 : vector<8x2048xf32>, i32 -> vector<8x2048xf32>
    %ge3A_98 = arith.constant 8 : i32
    %ge3A_99 = vector.broadcast %ge3A_98 : i32 to vector<8x2048xi32>
    %ge3A_100 = arith.cmpi sge, %iota3A_70, %ge3A_99 : vector<8x2048xi32>
    %jit3A_101 = arith.constant 0.000000e+00 : f32
    %broadcast_in_dim3A_102 = vector.broadcast %jit3A_101 : f32 to vector<8x2048xf32>
    %select_n3A_103 = arith.select %ge3A_100, %roll3A_97, %broadcast_in_dim3A_102 : vector<8x2048xi1>, vector<8x2048xf32>
    %add3A_104 = arith.addf %add3A_95, %select_n3A_103 : vector<8x2048xf32>
    %roll3A_105 = arith.constant 16 : i32
    %roll3A_106 = tpu.dynamic_rotate %add3A_104 by %roll3A_105 dim 1 : vector<8x2048xf32>, i32 -> vector<8x2048xf32>
    %ge3A_107 = arith.constant 16 : i32
    %ge3A_108 = vector.broadcast %ge3A_107 : i32 to vector<8x2048xi32>
    %ge3A_109 = arith.cmpi sge, %iota3A_70, %ge3A_108 : vector<8x2048xi32>
    %jit3A_110 = arith.constant 0.000000e+00 : f32
    %broadcast_in_dim3A_111 = vector.broadcast %jit3A_110 : f32 to vector<8x2048xf32>
    %select_n3A_112 = arith.select %ge3A_109, %roll3A_106, %broadcast_in_dim3A_111 : vector<8x2048xi1>, vector<8x2048xf32>
    %add3A_113 = arith.addf %add3A_104, %select_n3A_112 : vector<8x2048xf32>
    %roll3A_114 = arith.constant 32 : i32
    %roll3A_115 = tpu.dynamic_rotate %add3A_113 by %roll3A_114 dim 1 : vector<8x2048xf32>, i32 -> vector<8x2048xf32>
    %ge3A_116 = arith.constant 32 : i32
    %ge3A_117 = vector.broadcast %ge3A_116 : i32 to vector<8x2048xi32>
    %ge3A_118 = arith.cmpi sge, %iota3A_70, %ge3A_117 : vector<8x2048xi32>
    %jit3A_119 = arith.constant 0.000000e+00 : f32
    %broadcast_in_dim3A_120 = vector.broadcast %jit3A_119 : f32 to vector<8x2048xf32>
    %select_n3A_121 = arith.select %ge3A_118, %roll3A_115, %broadcast_in_dim3A_120 : vector<8x2048xi1>, vector<8x2048xf32>
    %add3A_122 = arith.addf %add3A_113, %select_n3A_121 : vector<8x2048xf32>
    %roll3A_123 = arith.constant 64 : i32
    %roll3A_124 = tpu.dynamic_rotate %add3A_122 by %roll3A_123 dim 1 : vector<8x2048xf32>, i32 -> vector<8x2048xf32>
    %ge3A_125 = arith.constant 64 : i32
    %ge3A_126 = vector.broadcast %ge3A_125 : i32 to vector<8x2048xi32>
    %ge3A_127 = arith.cmpi sge, %iota3A_70, %ge3A_126 : vector<8x2048xi32>
    %jit3A_128 = arith.constant 0.000000e+00 : f32
    %broadcast_in_dim3A_129 = vector.broadcast %jit3A_128 : f32 to vector<8x2048xf32>
    %select_n3A_130 = arith.select %ge3A_127, %roll3A_124, %broadcast_in_dim3A_129 : vector<8x2048xi1>, vector<8x2048xf32>
    %add3A_131 = arith.addf %add3A_122, %select_n3A_130 : vector<8x2048xf32>
    %roll3A_132 = arith.constant 128 : i32
    %roll3A_133 = tpu.dynamic_rotate %add3A_131 by %roll3A_132 dim 1 : vector<8x2048xf32>, i32 -> vector<8x2048xf32>
    %ge3A_134 = arith.constant 128 : i32
    %ge3A_135 = vector.broadcast %ge3A_134 : i32 to vector<8x2048xi32>
    %ge3A_136 = arith.cmpi sge, %iota3A_70, %ge3A_135 : vector<8x2048xi32>
    %jit3A_137 = arith.constant 0.000000e+00 : f32
    %broadcast_in_dim3A_138 = vector.broadcast %jit3A_137 : f32 to vector<8x2048xf32>
    %select_n3A_139 = arith.select %ge3A_136, %roll3A_133, %broadcast_in_dim3A_138 : vector<8x2048xi1>, vector<8x2048xf32>
    %add3A_140 = arith.addf %add3A_131, %select_n3A_139 : vector<8x2048xf32>
    %roll3A_141 = arith.constant 256 : i32
    %roll3A_142 = tpu.dynamic_rotate %add3A_140 by %roll3A_141 dim 1 : vector<8x2048xf32>, i32 -> vector<8x2048xf32>
    %ge3A_143 = arith.constant 256 : i32
    %ge3A_144 = vector.broadcast %ge3A_143 : i32 to vector<8x2048xi32>
    %ge3A_145 = arith.cmpi sge, %iota3A_70, %ge3A_144 : vector<8x2048xi32>
    %jit3A_146 = arith.constant 0.000000e+00 : f32
    %broadcast_in_dim3A_147 = vector.broadcast %jit3A_146 : f32 to vector<8x2048xf32>
    %select_n3A_148 = arith.select %ge3A_145, %roll3A_142, %broadcast_in_dim3A_147 : vector<8x2048xi1>, vector<8x2048xf32>
    %add3A_149 = arith.addf %add3A_140, %select_n3A_148 : vector<8x2048xf32>
    %roll3A_150 = arith.constant 512 : i32
    %roll3A_151 = tpu.dynamic_rotate %add3A_149 by %roll3A_150 dim 1 : vector<8x2048xf32>, i32 -> vector<8x2048xf32>
    %ge3A_152 = arith.constant 512 : i32
    %ge3A_153 = vector.broadcast %ge3A_152 : i32 to vector<8x2048xi32>
    %ge3A_154 = arith.cmpi sge, %iota3A_70, %ge3A_153 : vector<8x2048xi32>
    %jit3A_155 = arith.constant 0.000000e+00 : f32
    %broadcast_in_dim3A_156 = vector.broadcast %jit3A_155 : f32 to vector<8x2048xf32>
    %select_n3A_157 = arith.select %ge3A_154, %roll3A_151, %broadcast_in_dim3A_156 : vector<8x2048xi1>, vector<8x2048xf32>
    %add3A_158 = arith.addf %add3A_149, %select_n3A_157 : vector<8x2048xf32>
    %roll3A_159 = arith.constant 1024 : i32
    %roll3A_160 = tpu.dynamic_rotate %add3A_158 by %roll3A_159 dim 1 : vector<8x2048xf32>, i32 -> vector<8x2048xf32>
    %ge3A_161 = arith.constant 1024 : i32
    %ge3A_162 = vector.broadcast %ge3A_161 : i32 to vector<8x2048xi32>
    %ge3A_163 = arith.cmpi sge, %iota3A_70, %ge3A_162 : vector<8x2048xi32>
    %jit3A_164 = arith.constant 0.000000e+00 : f32
    %broadcast_in_dim3A_165 = vector.broadcast %jit3A_164 : f32 to vector<8x2048xf32>
    %select_n3A_166 = arith.select %ge3A_163, %roll3A_160, %broadcast_in_dim3A_165 : vector<8x2048xi1>, vector<8x2048xf32>
    %add3A_167 = arith.addf %add3A_158, %select_n3A_166 : vector<8x2048xf32>
    %sub3A_168 = arith.subf %add3A_167, %convert_element_type3A_30 : vector<8x2048xf32>
    %reduce_sum3A_169 = arith.constant dense<0.000000e+00> : vector<8xf32>
    %reduce_sum3A_170 = vector.multi_reduction <add>, %convert_element_type3A_30, %reduce_sum3A_169 [1] : vector<8x2048xf32> to vector<8xf32>
    %broadcast_in_dim3A_171 = vector.shape_cast %reduce_sum3A_170 : vector<8xf32> to vector<8x1xf32>
    %iota3A_172 = tpu.iota {dimensions = array<i32: 1>} : vector<8x2048xi32>
    %roll3A_173 = arith.constant 1 : i32
    %roll3A_174 = tpu.dynamic_rotate %convert_element_type3A_50 by %roll3A_173 dim 1 : vector<8x2048xf32>, i32 -> vector<8x2048xf32>
    %ge3A_175 = arith.constant 1 : i32
    %ge3A_176 = vector.broadcast %ge3A_175 : i32 to vector<8x2048xi32>
    %ge3A_177 = arith.cmpi sge, %iota3A_172, %ge3A_176 : vector<8x2048xi32>
    %jit3A_178 = arith.constant 0.000000e+00 : f32
    %broadcast_in_dim3A_179 = vector.broadcast %jit3A_178 : f32 to vector<8x2048xf32>
    %select_n3A_180 = arith.select %ge3A_177, %roll3A_174, %broadcast_in_dim3A_179 : vector<8x2048xi1>, vector<8x2048xf32>
    %add3A_181 = arith.addf %convert_element_type3A_50, %select_n3A_180 : vector<8x2048xf32>
    %roll3A_182 = arith.constant 2 : i32
    %roll3A_183 = tpu.dynamic_rotate %add3A_181 by %roll3A_182 dim 1 : vector<8x2048xf32>, i32 -> vector<8x2048xf32>
    %ge3A_184 = arith.constant 2 : i32
    %ge3A_185 = vector.broadcast %ge3A_184 : i32 to vector<8x2048xi32>
    %ge3A_186 = arith.cmpi sge, %iota3A_172, %ge3A_185 : vector<8x2048xi32>
    %jit3A_187 = arith.constant 0.000000e+00 : f32
    %broadcast_in_dim3A_188 = vector.broadcast %jit3A_187 : f32 to vector<8x2048xf32>
    %select_n3A_189 = arith.select %ge3A_186, %roll3A_183, %broadcast_in_dim3A_188 : vector<8x2048xi1>, vector<8x2048xf32>
    %add3A_190 = arith.addf %add3A_181, %select_n3A_189 : vector<8x2048xf32>
    %roll3A_191 = arith.constant 4 : i32
    %roll3A_192 = tpu.dynamic_rotate %add3A_190 by %roll3A_191 dim 1 : vector<8x2048xf32>, i32 -> vector<8x2048xf32>
    %ge3A_193 = arith.constant 4 : i32
    %ge3A_194 = vector.broadcast %ge3A_193 : i32 to vector<8x2048xi32>
    %ge3A_195 = arith.cmpi sge, %iota3A_172, %ge3A_194 : vector<8x2048xi32>
    %jit3A_196 = arith.constant 0.000000e+00 : f32
    %broadcast_in_dim3A_197 = vector.broadcast %jit3A_196 : f32 to vector<8x2048xf32>
    %select_n3A_198 = arith.select %ge3A_195, %roll3A_192, %broadcast_in_dim3A_197 : vector<8x2048xi1>, vector<8x2048xf32>
    %add3A_199 = arith.addf %add3A_190, %select_n3A_198 : vector<8x2048xf32>
    %roll3A_200 = arith.constant 8 : i32
    %roll3A_201 = tpu.dynamic_rotate %add3A_199 by %roll3A_200 dim 1 : vector<8x2048xf32>, i32 -> vector<8x2048xf32>
    %ge3A_202 = arith.constant 8 : i32
    %ge3A_203 = vector.broadcast %ge3A_202 : i32 to vector<8x2048xi32>
    %ge3A_204 = arith.cmpi sge, %iota3A_172, %ge3A_203 : vector<8x2048xi32>
    %jit3A_205 = arith.constant 0.000000e+00 : f32
    %broadcast_in_dim3A_206 = vector.broadcast %jit3A_205 : f32 to vector<8x2048xf32>
    %select_n3A_207 = arith.select %ge3A_204, %roll3A_201, %broadcast_in_dim3A_206 : vector<8x2048xi1>, vector<8x2048xf32>
    %add3A_208 = arith.addf %add3A_199, %select_n3A_207 : vector<8x2048xf32>
    %roll3A_209 = arith.constant 16 : i32
    %roll3A_210 = tpu.dynamic_rotate %add3A_208 by %roll3A_209 dim 1 : vector<8x2048xf32>, i32 -> vector<8x2048xf32>
    %ge3A_211 = arith.constant 16 : i32
    %ge3A_212 = vector.broadcast %ge3A_211 : i32 to vector<8x2048xi32>
    %ge3A_213 = arith.cmpi sge, %iota3A_172, %ge3A_212 : vector<8x2048xi32>
    %jit3A_214 = arith.constant 0.000000e+00 : f32
    %broadcast_in_dim3A_215 = vector.broadcast %jit3A_214 : f32 to vector<8x2048xf32>
    %select_n3A_216 = arith.select %ge3A_213, %roll3A_210, %broadcast_in_dim3A_215 : vector<8x2048xi1>, vector<8x2048xf32>
    %add3A_217 = arith.addf %add3A_208, %select_n3A_216 : vector<8x2048xf32>
    %roll3A_218 = arith.constant 32 : i32
    %roll3A_219 = tpu.dynamic_rotate %add3A_217 by %roll3A_218 dim 1 : vector<8x2048xf32>, i32 -> vector<8x2048xf32>
    %ge3A_220 = arith.constant 32 : i32
    %ge3A_221 = vector.broadcast %ge3A_220 : i32 to vector<8x2048xi32>
    %ge3A_222 = arith.cmpi sge, %iota3A_172, %ge3A_221 : vector<8x2048xi32>
    %jit3A_223 = arith.constant 0.000000e+00 : f32
    %broadcast_in_dim3A_224 = vector.broadcast %jit3A_223 : f32 to vector<8x2048xf32>
    %select_n3A_225 = arith.select %ge3A_222, %roll3A_219, %broadcast_in_dim3A_224 : vector<8x2048xi1>, vector<8x2048xf32>
    %add3A_226 = arith.addf %add3A_217, %select_n3A_225 : vector<8x2048xf32>
    %roll3A_227 = arith.constant 64 : i32
    %roll3A_228 = tpu.dynamic_rotate %add3A_226 by %roll3A_227 dim 1 : vector<8x2048xf32>, i32 -> vector<8x2048xf32>
    %ge3A_229 = arith.constant 64 : i32
    %ge3A_230 = vector.broadcast %ge3A_229 : i32 to vector<8x2048xi32>
    %ge3A_231 = arith.cmpi sge, %iota3A_172, %ge3A_230 : vector<8x2048xi32>
    %jit3A_232 = arith.constant 0.000000e+00 : f32
    %broadcast_in_dim3A_233 = vector.broadcast %jit3A_232 : f32 to vector<8x2048xf32>
    %select_n3A_234 = arith.select %ge3A_231, %roll3A_228, %broadcast_in_dim3A_233 : vector<8x2048xi1>, vector<8x2048xf32>
    %add3A_235 = arith.addf %add3A_226, %select_n3A_234 : vector<8x2048xf32>
    %roll3A_236 = arith.constant 128 : i32
    %roll3A_237 = tpu.dynamic_rotate %add3A_235 by %roll3A_236 dim 1 : vector<8x2048xf32>, i32 -> vector<8x2048xf32>
    %ge3A_238 = arith.constant 128 : i32
    %ge3A_239 = vector.broadcast %ge3A_238 : i32 to vector<8x2048xi32>
    %ge3A_240 = arith.cmpi sge, %iota3A_172, %ge3A_239 : vector<8x2048xi32>
    %jit3A_241 = arith.constant 0.000000e+00 : f32
    %broadcast_in_dim3A_242 = vector.broadcast %jit3A_241 : f32 to vector<8x2048xf32>
    %select_n3A_243 = arith.select %ge3A_240, %roll3A_237, %broadcast_in_dim3A_242 : vector<8x2048xi1>, vector<8x2048xf32>
    %add3A_244 = arith.addf %add3A_235, %select_n3A_243 : vector<8x2048xf32>
    %roll3A_245 = arith.constant 256 : i32
    %roll3A_246 = tpu.dynamic_rotate %add3A_244 by %roll3A_245 dim 1 : vector<8x2048xf32>, i32 -> vector<8x2048xf32>
    %ge3A_247 = arith.constant 256 : i32
    %ge3A_248 = vector.broadcast %ge3A_247 : i32 to vector<8x2048xi32>
    %ge3A_249 = arith.cmpi sge, %iota3A_172, %ge3A_248 : vector<8x2048xi32>
    %jit3A_250 = arith.constant 0.000000e+00 : f32
    %broadcast_in_dim3A_251 = vector.broadcast %jit3A_250 : f32 to vector<8x2048xf32>
    %select_n3A_252 = arith.select %ge3A_249, %roll3A_246, %broadcast_in_dim3A_251 : vector<8x2048xi1>, vector<8x2048xf32>
    %add3A_253 = arith.addf %add3A_244, %select_n3A_252 : vector<8x2048xf32>
    %roll3A_254 = arith.constant 512 : i32
    %roll3A_255 = tpu.dynamic_rotate %add3A_253 by %roll3A_254 dim 1 : vector<8x2048xf32>, i32 -> vector<8x2048xf32>
    %ge3A_256 = arith.constant 512 : i32
    %ge3A_257 = vector.broadcast %ge3A_256 : i32 to vector<8x2048xi32>
    %ge3A_258 = arith.cmpi sge, %iota3A_172, %ge3A_257 : vector<8x2048xi32>
    %jit3A_259 = arith.constant 0.000000e+00 : f32
    %broadcast_in_dim3A_260 = vector.broadcast %jit3A_259 : f32 to vector<8x2048xf32>
    %select_n3A_261 = arith.select %ge3A_258, %roll3A_255, %broadcast_in_dim3A_260 : vector<8x2048xi1>, vector<8x2048xf32>
    %add3A_262 = arith.addf %add3A_253, %select_n3A_261 : vector<8x2048xf32>
    %roll3A_263 = arith.constant 1024 : i32
    %roll3A_264 = tpu.dynamic_rotate %add3A_262 by %roll3A_263 dim 1 : vector<8x2048xf32>, i32 -> vector<8x2048xf32>
    %ge3A_265 = arith.constant 1024 : i32
    %ge3A_266 = vector.broadcast %ge3A_265 : i32 to vector<8x2048xi32>
    %ge3A_267 = arith.cmpi sge, %iota3A_172, %ge3A_266 : vector<8x2048xi32>
    %jit3A_268 = arith.constant 0.000000e+00 : f32
    %broadcast_in_dim3A_269 = vector.broadcast %jit3A_268 : f32 to vector<8x2048xf32>
    %select_n3A_270 = arith.select %ge3A_267, %roll3A_264, %broadcast_in_dim3A_269 : vector<8x2048xi1>, vector<8x2048xf32>
    %add3A_271 = arith.addf %add3A_262, %select_n3A_270 : vector<8x2048xf32>
    %sub3A_272 = arith.subf %add3A_271, %convert_element_type3A_50 : vector<8x2048xf32>
    %add3A_273 = vector.broadcast %broadcast_in_dim3A_171 : vector<8x1xf32> to vector<8x2048xf32>
    %add3A_274 = arith.addf %sub3A_272, %add3A_273 : vector<8x2048xf32>
    %lt3A = arith.constant 5.120000e+02 : f32
    %lt3A_275 = vector.broadcast %lt3A : f32 to vector<8x2048xf32>
    %lt3A_276 = arith.cmpf olt, %sub3A_168, %lt3A_275 : vector<8x2048xf32>
    %convert_element_type3A_277 = arith.extui %lt3A_276 : vector<8x2048xi1> to vector<8x2048xi32>
    %convert_element_type3A_278 = arith.sitofp %convert_element_type3A_277 : vector<8x2048xi32> to vector<8x2048xf32>
    %mul3A_279 = arith.mulf %convert_element_type3A_30, %convert_element_type3A_278 : vector<8x2048xf32>
    %lt3A_280 = arith.constant 5.120000e+02 : f32
    %lt3A_281 = vector.broadcast %lt3A_280 : f32 to vector<8x2048xf32>
    %lt3A_282 = arith.cmpf olt, %add3A_274, %lt3A_281 : vector<8x2048xf32>
    %convert_element_type3A_283 = arith.extui %lt3A_282 : vector<8x2048xi1> to vector<8x2048xi32>
    %convert_element_type3A_284 = arith.sitofp %convert_element_type3A_283 : vector<8x2048xi32> to vector<8x2048xf32>
    %mul3A_285 = arith.mulf %convert_element_type3A_50, %convert_element_type3A_284 : vector<8x2048xf32>
    %mul3A_286 = vector.broadcast %div3A_68 : vector<1x2048xf32> to vector<8x2048xf32>
    %mul3A_287 = arith.mulf %mul3A_279, %mul3A_286 : vector<8x2048xf32>
    %mul3A_288 = vector.broadcast %div3A_69 : vector<1x2048xf32> to vector<8x2048xf32>
    %mul3A_289 = arith.mulf %mul3A_285, %mul3A_288 : vector<8x2048xf32>
    %add3A_290 = arith.addf %mul3A_287, %mul3A_289 : vector<8x2048xf32>
    %mul3A_291 = arith.mulf %add3A_21, %add3A_290 : vector<8x2048xf32>
    %reduce_sum3A_292 = arith.constant dense<0.000000e+00> : vector<2048xf32>
    %reduce_sum3A_293 = vector.multi_reduction <add>, %mul3A_291, %reduce_sum3A_292 [0] : vector<8x2048xf32> to vector<2048xf32>
    %broadcast_in_dim3A_294 = vector.shape_cast %reduce_sum3A_293 : vector<2048xf32> to vector<1x2048xf32>
    %reduce_max3A_295 = arith.constant dense<0xFF800000> : vector<1xf32>
    %reduce_max3A_296 = vector.multi_reduction <maximumf>, %broadcast_in_dim3A_294, %reduce_max3A_295 [1] : vector<1x2048xf32> to vector<1xf32>
    %broadcast_in_dim3A_297 = vector.shape_cast %reduce_max3A_296 : vector<1xf32> to vector<1x1xf32>
    %sub3A_298 = vector.broadcast %broadcast_in_dim3A_297 : vector<1x1xf32> to vector<1x2048xf32>
    %sub3A_299 = arith.subf %broadcast_in_dim3A_294, %sub3A_298 : vector<1x2048xf32>
    %exp3A_300 = math.exp %sub3A_299 : vector<1x2048xf32>
    %reduce_sum3A_301 = arith.constant dense<0.000000e+00> : vector<1xf32>
    %reduce_sum3A_302 = vector.multi_reduction <add>, %exp3A_300, %reduce_sum3A_301 [1] : vector<1x2048xf32> to vector<1xf32>
    %broadcast_in_dim3A_303 = vector.shape_cast %reduce_sum3A_302 : vector<1xf32> to vector<1x1xf32>
    %log3A = math.log %broadcast_in_dim3A_303 : vector<1x1xf32>
    %sub3A_304 = vector.broadcast %log3A : vector<1x1xf32> to vector<1x2048xf32>
    %sub3A_305 = arith.subf %sub3A_299, %sub3A_304 : vector<1x2048xf32>
    %swap3A = arith.constant 0 : index
    %swap3A_306 = arith.constant 0 : index
    %swap3A_307 = vector.load %arg5[%swap3A, %swap3A_306] : memref<1x2048xf32, #tpu.memory_space<vmem>>, vector<1x2048xf32>
    tpu.vector_store %arg5[%swap3A, %swap3A_306], %sub3A_305 {strides = array<i32>} : memref<1x2048xf32, #tpu.memory_space<vmem>>, vector<1x2048xf32>,
    return
  }
}

</mosaic_0001>

<sc_bundles>
// kernel: kernel.6.cloned.1.call-start
scs
__scs_entry_jumppad:
0x0: {  	(pc) =	sbr.rel $0x88, $3  }
0x1: {  	(tag) =	ssettag $0x0;
	lr =	simm.s32 $0x1  }
0x2: {  	[smem:$0x3F9B] =	sst lr;
	_ =	strace $0xD0000000  }
0x3: {  	_ = 	snop  }
0x4: {  	_ = 	snop  }
0x5: {  	_ = 	snop  }
0x6: {  	_ = 	snop  }
0x7: {  	_ = 	snop  }
__scs_overlays_trampoline_lowered:
0x8: {  	[smem:$0x3FAA] =	sst s0  }
0x9: {  	[smem:$0x3FAB] =	sst s1  }
0xa: {  	[smem:$0x3FAC] =	sst s2  }
0xb: {  	[smem:$0x3FAD] =	sst s3  }
0xc: {  	[smem:$0x3FAE] =	sst s4  }
0xd: {  	[smem:$0x3FAF] =	sst s5  }
0xe: {  	[smem:$0x3FB0] =	sst s6  }
0xf: {  	[smem:$0x3FB1] =	sst s7  }
0x10: {  	[smem:$0x3FB2] =	sst s8  }
0x11: {  	[smem:$0x3FB3] =	sst s9;
	s0 =	simm.s32 @!p0 $0x0  }
0x12: {  	s1 =	sld [smem:$0x3F99];
	s0 =	simm.s32 @p0 $0x1  }
0x13: {  	[smem:$0x3FB4] =	sst s0;
	s0 =	simm.s32 @!p1 $0x0  }
0x14: {  	s2 =	sld [smem:$0x3F98];
	s0 =	simm.s32 @p1 $0x1  }
0x15: {  	[smem:$0x3FB5] =	sst s0;
	s0 =	simm.s32 @!p2 $0x0  }
0x16: {  	s3 =	sld [smem:$0x3FDB];
	s0 =	simm.s32 @p2 $0x1  }
0x17: {  	s4 =	simm.s32 $0x1BF5;
	[smem:$0x3FB7] =	sst s0  }
0x18: {  	s0 =	sld [smem:$0x3F9A];
	_ =	swait.ge [sflag:s4], $0x0  }
0x19: {  	s7 =	sld [smem:$0x3F9B]  }
0x1a: {  	s8 =	sadd.s32 $0xFFFFE003, lr  }
0x1b: {  	s9 =	sadd.s32 $0xFFFFFEF7, lr;
	s5 =	simm.s32 $0xFFFFFFFF;
	p2 =	slt.u32 s8, $0xFFFFF086  }
0x1c: {  	p1 =	slt.u32 s9, $0xF7A;
	s5 =	simm.s32 @!p2 $0x0  }
0x1d: {  	s5 =	simm.s32 @p1 $0x1;
	p0 =	seq.s32 s7, s2  }
0x1e: {  	s7 =	smul.u32 @!p0 $0xF7A, s2;
	p2 =	seq.s32 @!p0 s5, $0x0  }
0x1f: {  	s9 =	smul.u32 $0xF7A, s1;
	s8 =	simm.s32 @!p0 $0x1BF5;
	p2 =	por !p2, p0  }
0x20: {  	[sflag:s8] =	ssyncset.s32 @!p0 $0xFFFFF086;
	s6 =	sadd.s32 @!p0 s3, s7;
	s7 =	simm.s32 @!p0 $0x108  }
0x21: {  	s3 =	sadd.s32 s3, s9;
	s6 =	sadd.s32 @!p0 $0x88, s6;
	s7 =	simm.s32 @p2 $0x1082  }
0x22: {  	[simem:s7], [sflag:s8] =	dma.local @!p0 [hbm:s6], $0xF7A  }
0x23: {  	s9 =	sor.u32 $0xD0000000, s2;
	s6 =	simm.s32 $0x108;
	_ =	swait.ge @!p0 [sflag:s8], $0x0  }
0x24: {  	s3 =	sadd.s32 $0x88, s3;
	s6 =	simm.s32 @!p1 $0x1082;
	[sflag:s4] =	ssyncset.s32 $0xFFFFF086  }
0x25: {  	[simem:s6], [sflag:s4] =	dma.local [hbm:s3], $0xF7A  }
0x26: {  	[smem:$0x3F9B] =	sst s1;
	(tag) =	ssettag s2;
	_ =	strace s9  }
0x27: {  	s1 =	sld [smem:$0x3FAB]  }
0x28: {  	s2 =	sld [smem:$0x3FAC]  }
0x29: {  	s4 =	sld [smem:$0x3FAE]  }
0x2a: {  	p0 =	seq.s32 s5, $0x0;
	s5 =	sld [smem:$0x3FAF]  }
0x2b: {  	s6 =	sld [smem:$0x3FB0]  }
0x2c: {  	s7 =	sld [smem:$0x3FB1]  }
0x2d: {  	s3 =	simm.s32 $0x108;
	s8 =	sld [smem:$0x3FB2]  }
0x2e: {  	s3 =	simm.s32 @!p0 $0x1082;
	s9 =	sld [smem:$0x3FB3]  }
0x2f: {  	lr =	sadd.s32 s0, s3;
	s0 =	sld [smem:$0x3FAA]  }
0x30: {  	s3 =	sld [smem:$0x3FAD]  }
0x31: {  	[smem:$0x3FB6] =	sst s10  }
0x32: {  	s10 =	sld [smem:$0x3FB4];
	_ =	sdelay $0x3  }
0x33: {  	p0 =	seq.s32 s10, $0x1;
	s10 =	sld [smem:$0x3FB6];
	_ =	sdelay $0x3  }
0x34: {  	[smem:$0x3FB6] =	sst s10  }
0x35: {  	s10 =	sld [smem:$0x3FB5];
	_ =	sdelay $0x3  }
0x36: {  	p1 =	seq.s32 s10, $0x1;
	s10 =	sld [smem:$0x3FB6];
	_ =	sdelay $0x3  }
0x37: {  	[smem:$0x3FB6] =	sst s10  }
0x38: {  	s10 =	sld [smem:$0x3FB7]  }
0x39: {  	_ = 	snop;
	(pc) =	sbr.ind lr, $3  }
0x3a: {  	_ = 	snop  }
0x3b: {  	_ = 	snop  }
0x3c: {  	p2 =	seq.s32 s10, $0x1;
	s10 =	sld [smem:$0x3FB6]  }
0x3d: {  	_ =	shalt  }
0x3e: {  	_ =	shalt  }
0x3f: {  	_ =	shalt  }
0x40: {  	_ =	shalt  }
0x41: {  	_ =	shalt  }
0x42: {  	_ =	shalt  }
0x43: {  	_ =	shalt  }
0x44: {  	_ =	shalt  }
0x45: {  	_ =	shalt  }
0x46: {  	_ =	shalt  }
0x47: {  	_ =	shalt  }
0x48: {  	_ =	shalt  }
0x49: {  	_ =	shalt  }
0x4a: {  	_ =	shalt  }
0x4b: {  	_ =	shalt  }
0x4c: {  	_ =	shalt  }
0x4d: {  	_ =	shalt  }
0x4e: {  	_ =	shalt  }
0x4f: {  	_ =	shalt  }
0x50: {  	_ =	shalt  }
0x51: {  	_ =	shalt  }
0x52: {  	_ =	shalt  }
0x53: {  	_ =	shalt  }
0x54: {  	_ =	shalt  }
0x55: {  	_ =	shalt  }
0x56: {  	_ =	shalt  }
0x57: {  	_ =	shalt  }
0x58: {  	_ =	shalt  }
0x59: {  	_ =	shalt  }
0x5a: {  	_ =	shalt  }
0x5b: {  	_ =	shalt  }
0x5c: {  	_ =	shalt  }
0x5d: {  	_ =	shalt  }
0x5e: {  	_ =	shalt  }
0x5f: {  	_ =	shalt  }
0x60: {  	_ =	shalt  }
0x61: {  	_ =	shalt  }
0x62: {  	_ =	shalt  }
0x63: {  	_ =	shalt  }
0x64: {  	_ =	shalt  }
0x65: {  	_ =	shalt  }
0x66: {  	_ =	shalt  }
0x67: {  	_ =	shalt  }
0x68: {  	_ =	shalt  }
0x69: {  	_ =	shalt  }
0x6a: {  	_ =	shalt  }
0x6b: {  	_ =	shalt  }
0x6c: {  	_ =	shalt  }
0x6d: {  	_ =	shalt  }
0x6e: {  	_ =	shalt  }
0x6f: {  	_ =	shalt  }
0x70: {  	_ =	shalt  }
0x71: {  	_ =	shalt  }
0x72: {  	_ =	shalt  }
0x73: {  	_ =	shalt  }
0x74: {  	_ =	shalt  }
0x75: {  	_ =	shalt  }
0x76: {  	_ =	shalt  }
0x77: {  	_ =	shalt  }
0x78: {  	_ =	shalt  }
0x79: {  	_ =	shalt  }
0x7a: {  	_ =	shalt  }
0x7b: {  	_ =	shalt  }
0x7c: {  	_ =	shalt  }
0x7d: {  	_ =	shalt  }
0x7e: {  	_ =	shalt  }
0x7f: {  	_ =	shalt  }
0x80: {  	_ =	shalt  }
0x81: {  	_ =	shalt  }
0x82: {  	_ =	shalt  }
0x83: {  	_ =	shalt  }
0x84: {  	_ =	shalt  }
0x85: {  	_ =	shalt  }
0x86: {  	_ =	shalt  }
0x87: {  	_ =	shalt  }
.Lfunc_end0:
.L_simem_size_0:
called_computation_lowered:
.L_overlay_start_0:
0x88: {  	s2 =	sld [smem:$0x3FD9]  }
0x89: {  	s3 =	sld [smem:$0x3FFE];
	_ =	sdelay $0x1  }
0x8a: {  	s1 =	srdreg.scid  }
0x8b: {  	s0 =	sand.u32 $0x1, s1  }
0x8c: {  	s17 =	sshll.u32 s0, $0xA;
	s2 =	sadd.s32 s3, s2  }
0x8d: {  	s2 =	sadd.s32 s2, s17  }
0x8e: {  	[smem:$0x3FC2] =	sst s2  }
0x8f: {  	_ = 	snop  }
0x90: {  	s2 =	sld [smem:$0x3FC5];
	(tm) =	ssettm $0x1  }
0x91: {  	s18 =	sld [smem:$0x3FFB];
	_ =	sdelay $0x3  }
0x92: {  	_ =	strace s18  }
0x93: {  	s3 =	sld [smem:$0x3FFC];
	_ =	sdelay $0x3  }
0x94: {  	_ =	strace s3  }
0x95: {  	s3 =	sld [smem:$0x3FFD];
	_ =	sdelay $0x3  }
0x96: {  	_ =	strace s3  }
0x97: {  	_ =	strace $0x8FFFFFFF  }
0x98: {  	s19 =	sld [smem:$0x3FDB];
	_ =	sdelay $0x1  }
0x99: {  	s4 =	simm.s32 $_scs_section_size  }
0x9a: {  	s5 =	simm.s32 $_size__tile_overlayer_lowered;
	s6 =	simm.s32 $_tile_overlayer_lowered  }
0x9b: {  	s22 =	simm.s32 $0x1BFF;
	s21 =	sshll.u32 s6, $0x1;
	s3 =	sadd.s32 s4, s19  }
0x9c: {  	s7 =	simm.s32 $0x0;
	s20 =	sshll.u32 s5, $0x1;
	s5 =	sadd.s32 s21, s3  }
0x9d: {  	[timem:s7], [sflag:s22] =	dma.local [hbm:s5], s20  }
0x9e: {  	_ =	swait.ge [sflag:s22], s20  }
0x9f: {  	s4 =	ssub.s32 $0x0, s20;
	[sflag:s22] =	ssyncset.done $0x0  }
0xa0: {  	[sflag:s22] =	ssyncadd.s32 s4;
	_ =	sdelay $0x1  }
0xa1: {  	s23 =	simm.s32 $0x1B8B  }
0xa2: {  	_ =	swait.ge [sflag:s23], $0x1  }
0xa3: {  	[sflag:s23] =	ssyncset.done $0x0  }
0xa4: {  	s25 =	simm.s32 $0x1B8E;
	s24 =	sld [smem:$0x3FFE];
	[sflag:s23] =	ssyncadd.s32 $0xFFFFFFFF  }
0xa5: {  	s26 =	simm.s32 $execute0_lowered;
	[smem:$0x3FD2] =	sst s25  }
0xa6: {  	s5 =	sshll.u32 s26, $0x1;
	_ =	strace $0x80000046;
	[dreg:$0x1] =	wrdreg $0xFFFFFFFF  }
0xa7: {  	s28 =	simm.s32 $_size_execute0_lowered;
	s3 =	sadd.s32 s3, s5;
	[dreg:$0x0] =	wrdreg $0x0  }
0xa8: {  	s5 =	sshll.u32 s28, $0x1;
	[dreg:$0x2] =	wrdreg s3  }
0xa9: {  	[dreg:$0x3] =	wrdreg s5  }
0xaa: {  	[dreg:$0x4] =	wrdreg $0xC0  }
0xab: {  	_ =	task [dreg:s7], $0x5FFFF  }
0xac: {  	[dreg:$0x1] =	wrdreg $0xFFFFFFFF  }
0xad: {  	[dreg:$0x0] =	wrdreg $0x60  }
0xae: {  	[dreg:$0x2] =	wrdreg s2  }
0xaf: {  	[dreg:$0x3] =	wrdreg s24  }
0xb0: {  	[dreg:$0x4] =	wrdreg $0x9  }
0xb1: {  	_ =	task.clear_ibuf [dreg:s7], $0x5FFFF;
	_ =	strace $0x90000046  }
0xb2: {  	s29 =	simm.s32 $0x9;
	_ =	strace $0x80000048  }
0xb3: {  	_ =	swait.ge [sflag:s29], $0x1  }
0xb4: {  	[sflag:s29] =	ssyncadd.s32 $0xFFFFFFFF  }
0xb5: {  	_ =	strace $0x90000048  }
0xb6: {  	_ =	sfence  }
0xb7: {  	s30 =	sld [smem:$0x0];
	_ =	sdelay $0x2  }
0xb8: {  	s31 =	sshll.u32 s1, $0xD;
	s1 =	sshrl.u32 s1, $0x2  }
0xb9: {  	s3 =	sand.u32 $0x4000, s31;
	s1 =	sadd.s32 s1, s30  }
0xba: {  	s0 =	sor.u32 s3, s0;
	s1 =	sshll.u32 s1, $0x11  }
0xbb: {  	s0 =	sor.u32 s1, s0  }
0xbc: {  	s0 =	sadd.s32 $0x8F2B, s0  }
0xbd: {  	[sflag:s0] =	ssyncadd.remote.s32 $0x1  }
0xbe: {  	_ =	sfence.sel $0xFFFF  }
0xbf: {  	[dreg:$0x0] =	wrdreg $0xFFFFFFFF;
	(pc) =	sbr.abs _section_cstart, $3  }
0xc0: {  	[dreg:$0x1] =	wrdreg $0xFFFFFFFF  }
0xc1: {  	_ =	task.clear_ibuf [dreg:s7], $0x2FFFF;
	_ =	strace $0x9FFFFFFF  }
0xc2: {  	(tm) =	ssettm $0x7FFFFFFF  }
0xc3: {  	_ =	shalt  }
tec
execute0_lowered:
.L_overlay_start_1:
0x0: {  	(tag) =	ssettag $0x1  }
0x1: {  	s3 =	rddreg [dreg:$0x0];
	s1 =	srdreg.scid  }
0x2: {  	s0 =	stileid.u32;
	s4 =	rddreg [dreg:$0x1];
	s13 =	simm.s32 $0x8000  }
0x3: {  	s14 =	simm.s32 $0x1;
	s15 =	simm.s32 $0x2;
	s16 =	simm.s32 $0x10000  }
0x4: {  	s17 =	simm.s32 $0x3;
	s18 =	simm.s32 $0x0;
	s5 =	sand.u32 $0x1, s1  }
0x5: {  	s2 =	sshll.u32 s0, $0x1;
	s1 =	rddreg [dreg:$0x2];
	s7 =	sshll.u32 s0, $0x12  }
0x6: {  	s6 =	sor.u32 s5, s2;
	s2 =	simm.s32 $0x0;
	s7 =	sand.u32 $0x380000, s7  }
0x7: {  	s5 =	ssub.s32 $0x2, s5;
	s8 =	sshll.u32 s6, $0xF;
	[smem:$0x7FF] =	sst s2  }
0x8: {  	s6 =	sshll.u32 s6, $0x9;
	s31 =	sshrl.u32 s5, $0x1;
	s8 =	sand.u32 $0x18000, s8  }
0x9: {  	_ =	strace $0x80000047;
	s11 =	sadd.s32 s6, s4;
	s7 =	sor.u32 s7, s8  }
0xa: {  	s12 =	ssub.s32 s5, s31;
	s11 =	sadd.s32 $0x1400, s11;
	s10 =	sadd.s32 s7, s3  }
0xb: {  	s12 =	smax.u32 s12, $0x1;
	s3 =	sadd.s32 $0x60000, s10;
	s4 =	sadd.s32 $0x61000, s10  }
0xc: {  	s5 =	sadd.s32 $0x62000, s10;
	s6 =	sadd.s32 $0x63000, s10;
	s7 =	sadd.s32 $0x64000, s10  }
0xd: {  	s8 =	sadd.s32 $0x65000, s10;
	s9 =	sadd.s32 $0x66000, s10;
	s10 =	sadd.s32 $0x67000, s10  }
.LBB2_1:
0xe: {  	[tilespmem:s2], [sflag:$0x1] =	stream.linear.gather [hbm4b:s3+s2], $0x8000, $0x38;
	[tilespmem:$0x11000] =	vst v63  }
0xf: {  	_ = 	snop  }
0x10: {  	[tilespmem:s13], [sflag:$0x2] =	stream.linear.gather [hbm4b:s4+s2], $0x8000, $0x38;
	[tilespmem:$0x11000] =	vst v63  }
0x11: {  	_ =	swait.ge [sflag:s14], $0x8000  }
0x12: {  	s19 =	sand.u32 $0x6000, s2;
	s20 =	sand.u32 $0x380, s2;
	[sflag:s14] =	ssyncset.done $0x0  }
0x13: {  	s19 =	sor.u32 s20, s19;
	[sflag:s14] =	ssyncadd.s32 $0xFFFF8000  }
0x14: {  	v0 =	vld [tilespmem:s19+$0x0];
	_ =	sdelay $0x1  }
0x15: {  	v1 =	vld [tilespmem:s19+$0x10];
	_ =	sdelay $0x1  }
0x16: {  	v2 =	vld [tilespmem:s19+$0x20]  }
0x17: {  	v0 =	vadd.f32 $0.0e+00, v0  }
0x18: {  	v3 =	vld [tilespmem:s19+$0x30]  }
0x19: {  	v0 =	vadd.f32 v1, v0  }
0x1a: {  	v1 =	vld [tilespmem:s19+$0x40]  }
0x1b: {  	v0 =	vadd.f32 v2, v0  }
0x1c: {  	v2 =	vld [tilespmem:s19+$0x50]  }
0x1d: {  	v0 =	vadd.f32 v3, v0  }
0x1e: {  	v3 =	vld [tilespmem:s19+$0x60]  }
0x1f: {  	v0 =	vadd.f32 v1, v0  }
0x20: {  	v1 =	vld [tilespmem:s19+$0x70]  }
0x21: {  	v0 =	vadd.f32 v2, v0  }
0x22: {  	v2 =	vld [tilespmem:s19+$0x400]  }
0x23: {  	v0 =	vadd.f32 v3, v0  }
0x24: {  	v3 =	vld [tilespmem:s19+$0x410]  }
0x25: {  	v0 =	vadd.f32 v1, v0  }
0x26: {  	v1 =	vld [tilespmem:s19+$0x420]  }
0x27: {  	v0 =	vadd.f32 v2, v0  }
0x28: {  	v2 =	vld [tilespmem:s19+$0x430]  }
0x29: {  	v0 =	vadd.f32 v3, v0  }
0x2a: {  	v3 =	vld [tilespmem:s19+$0x440]  }
0x2b: {  	v0 =	vadd.f32 v1, v0  }
0x2c: {  	v1 =	vld [tilespmem:s19+$0x450]  }
0x2d: {  	v0 =	vadd.f32 v2, v0  }
0x2e: {  	v2 =	vld [tilespmem:s19+$0x460]  }
0x2f: {  	v0 =	vadd.f32 v3, v0  }
0x30: {  	v3 =	vld [tilespmem:s19+$0x470]  }
0x31: {  	v0 =	vadd.f32 v1, v0  }
0x32: {  	v1 =	vld [tilespmem:s19+$0x800]  }
0x33: {  	v0 =	vadd.f32 v2, v0  }
0x34: {  	v2 =	vld [tilespmem:s19+$0x810]  }
0x35: {  	v0 =	vadd.f32 v3, v0  }
0x36: {  	v3 =	vld [tilespmem:s19+$0x820]  }
0x37: {  	v0 =	vadd.f32 v1, v0  }
0x38: {  	v1 =	vld [tilespmem:s19+$0x830]  }
0x39: {  	v0 =	vadd.f32 v2, v0  }
0x3a: {  	v2 =	vld [tilespmem:s19+$0x840]  }
0x3b: {  	v0 =	vadd.f32 v3, v0  }
0x3c: {  	v3 =	vld [tilespmem:s19+$0x850]  }
0x3d: {  	v0 =	vadd.f32 v1, v0  }
0x3e: {  	v1 =	vld [tilespmem:s19+$0x860]  }
0x3f: {  	v0 =	vadd.f32 v2, v0  }
0x40: {  	v2 =	vld [tilespmem:s19+$0x870]  }
0x41: {  	v0 =	vadd.f32 v3, v0  }
0x42: {  	v3 =	vld [tilespmem:s19+$0xC00]  }
0x43: {  	v0 =	vadd.f32 v1, v0  }
0x44: {  	v1 =	vld [tilespmem:s19+$0xC10]  }
0x45: {  	v0 =	vadd.f32 v2, v0  }
0x46: {  	v2 =	vld [tilespmem:s19+$0xC20]  }
0x47: {  	v0 =	vadd.f32 v3, v0  }
0x48: {  	v3 =	vld [tilespmem:s19+$0xC30]  }
0x49: {  	v0 =	vadd.f32 v1, v0  }
0x4a: {  	v1 =	vld [tilespmem:s19+$0xC40]  }
0x4b: {  	v0 =	vadd.f32 v2, v0  }
0x4c: {  	v2 =	vld [tilespmem:s19+$0xC50]  }
0x4d: {  	v0 =	vadd.f32 v3, v0  }
0x4e: {  	v3 =	vld [tilespmem:s19+$0xC60]  }
0x4f: {  	v0 =	vadd.f32 v1, v0  }
0x50: {  	v1 =	vld [tilespmem:s19+$0xC70]  }
0x51: {  	v0 =	vadd.f32 v2, v0  }
0x52: {  	v2 =	vld [tilespmem:s19+$0x1000]  }
0x53: {  	v0 =	vadd.f32 v3, v0  }
0x54: {  	v3 =	vld [tilespmem:s19+$0x1010]  }
0x55: {  	v0 =	vadd.f32 v1, v0  }
0x56: {  	v1 =	vld [tilespmem:s19+$0x1020]  }
0x57: {  	v0 =	vadd.f32 v2, v0  }
0x58: {  	v2 =	vld [tilespmem:s19+$0x1030]  }
0x59: {  	v0 =	vadd.f32 v3, v0  }
0x5a: {  	v3 =	vld [tilespmem:s19+$0x1040]  }
0x5b: {  	v0 =	vadd.f32 v1, v0  }
0x5c: {  	v1 =	vld [tilespmem:s19+$0x1050]  }
0x5d: {  	v0 =	vadd.f32 v2, v0  }
0x5e: {  	v2 =	vld [tilespmem:s19+$0x1060]  }
0x5f: {  	v0 =	vadd.f32 v3, v0  }
0x60: {  	v3 =	vld [tilespmem:s19+$0x1070]  }
0x61: {  	v0 =	vadd.f32 v1, v0  }
0x62: {  	v1 =	vld [tilespmem:s19+$0x1400]  }
0x63: {  	v0 =	vadd.f32 v2, v0  }
0x64: {  	v2 =	vld [tilespmem:s19+$0x1410]  }
0x65: {  	v0 =	vadd.f32 v3, v0  }
0x66: {  	v3 =	vld [tilespmem:s19+$0x1420]  }
0x67: {  	v0 =	vadd.f32 v1, v0  }
0x68: {  	v1 =	vld [tilespmem:s19+$0x1430]  }
0x69: {  	v0 =	vadd.f32 v2, v0  }
0x6a: {  	v2 =	vld [tilespmem:s19+$0x1440]  }
0x6b: {  	v0 =	vadd.f32 v3, v0  }
0x6c: {  	v3 =	vld [tilespmem:s19+$0x1450]  }
0x6d: {  	v0 =	vadd.f32 v1, v0  }
0x6e: {  	v1 =	vld [tilespmem:s19+$0x1460]  }
0x6f: {  	v0 =	vadd.f32 v2, v0  }
0x70: {  	v2 =	vld [tilespmem:s19+$0x1470]  }
0x71: {  	v0 =	vadd.f32 v3, v0  }
0x72: {  	v3 =	vld [tilespmem:s19+$0x1800]  }
0x73: {  	v0 =	vadd.f32 v1, v0  }
0x74: {  	v1 =	vld [tilespmem:s19+$0x1810]  }
0x75: {  	v0 =	vadd.f32 v2, v0  }
0x76: {  	v2 =	vld [tilespmem:s19+$0x1820]  }
0x77: {  	v0 =	vadd.f32 v3, v0  }
0x78: {  	v3 =	vld [tilespmem:s19+$0x1830]  }
0x79: {  	v0 =	vadd.f32 v1, v0  }
0x7a: {  	v1 =	vld [tilespmem:s19+$0x1840]  }
0x7b: {  	v0 =	vadd.f32 v2, v0  }
0x7c: {  	v2 =	vld [tilespmem:s19+$0x1850]  }
0x7d: {  	v0 =	vadd.f32 v3, v0  }
0x7e: {  	v3 =	vld [tilespmem:s19+$0x1860]  }
0x7f: {  	v0 =	vadd.f32 v1, v0  }
0x80: {  	v1 =	vld [tilespmem:s19+$0x1870]  }
0x81: {  	v0 =	vadd.f32 v2, v0  }
0x82: {  	v2 =	vld [tilespmem:s19+$0x1C00]  }
0x83: {  	v0 =	vadd.f32 v3, v0  }
0x84: {  	v3 =	vld [tilespmem:s19+$0x1C10]  }
0x85: {  	v0 =	vadd.f32 v1, v0  }
0x86: {  	v1 =	vld [tilespmem:s19+$0x1C20]  }
0x87: {  	v0 =	vadd.f32 v2, v0  }
0x88: {  	v2 =	vld [tilespmem:s19+$0x1C30]  }
0x89: {  	v0 =	vadd.f32 v3, v0  }
0x8a: {  	v3 =	vld [tilespmem:s19+$0x1C40]  }
0x8b: {  	v0 =	vadd.f32 v1, v0  }
0x8c: {  	v1 =	vld [tilespmem:s19+$0x1C50]  }
0x8d: {  	v0 =	vadd.f32 v2, v0  }
0x8e: {  	v2 =	vld [tilespmem:s19+$0x1C60]  }
0x8f: {  	v0 =	vadd.f32 v3, v0  }
0x90: {  	v3 =	vld [tilespmem:s19+$0x1C70]  }
0x91: {  	v0 =	vadd.f32 v1, v0;
	_ =	sdelay $0x1  }
0x92: {  	v0 =	vadd.f32 v2, v0;
	_ =	sdelay $0x1  }
0x93: {  	s31 =	simm.s32 $0x400;
	s21 =	simm.s32 $0x800;
	s20 =	simm.s32 $0x80;
	v0 =	vadd.f32 v3, v0  }
0x94: {  	s22 =	sand.u32 $0x6000, s31;
	s23 =	sand.u32 $0x380, s20;
	s19 =	simm.s32 $0x10000  }
.LBB2_2:
0x95: {  	p0 =	sne.s32 s21, $0x7C00;
	s22 =	sor.u32 s23, s22;
	[tilespmem:s19+$0x0] =	vst v0  }
0x96: {  	v0 =	vld [tilespmem:s22+$0x0];
	_ =	sdelay $0x1  }
0x97: {  	v1 =	vld [tilespmem:s22+$0x10];
	_ =	sdelay $0x1  }
0x98: {  	v2 =	vld [tilespmem:s22+$0x20]  }
0x99: {  	v0 =	vadd.f32 $0.0e+00, v0  }
0x9a: {  	v3 =	vld [tilespmem:s22+$0x30]  }
0x9b: {  	v0 =	vadd.f32 v1, v0  }
0x9c: {  	v1 =	vld [tilespmem:s22+$0x40]  }
0x9d: {  	v0 =	vadd.f32 v2, v0  }
0x9e: {  	v2 =	vld [tilespmem:s22+$0x50]  }
0x9f: {  	v0 =	vadd.f32 v3, v0  }
0xa0: {  	v3 =	vld [tilespmem:s22+$0x60]  }
0xa1: {  	v0 =	vadd.f32 v1, v0  }
0xa2: {  	v1 =	vld [tilespmem:s22+$0x70]  }
0xa3: {  	v0 =	vadd.f32 v2, v0  }
0xa4: {  	v2 =	vld [tilespmem:s22+$0x400]  }
0xa5: {  	v0 =	vadd.f32 v3, v0  }
0xa6: {  	v3 =	vld [tilespmem:s22+$0x410]  }
0xa7: {  	v0 =	vadd.f32 v1, v0  }
0xa8: {  	v1 =	vld [tilespmem:s22+$0x420]  }
0xa9: {  	v0 =	vadd.f32 v2, v0  }
0xaa: {  	v2 =	vld [tilespmem:s22+$0x430]  }
0xab: {  	v0 =	vadd.f32 v3, v0  }
0xac: {  	v3 =	vld [tilespmem:s22+$0x440]  }
0xad: {  	v0 =	vadd.f32 v1, v0  }
0xae: {  	v1 =	vld [tilespmem:s22+$0x450]  }
0xaf: {  	v0 =	vadd.f32 v2, v0  }
0xb0: {  	v2 =	vld [tilespmem:s22+$0x460]  }
0xb1: {  	v0 =	vadd.f32 v3, v0  }
0xb2: {  	v3 =	vld [tilespmem:s22+$0x470]  }
0xb3: {  	v0 =	vadd.f32 v1, v0  }
0xb4: {  	v1 =	vld [tilespmem:s22+$0x800]  }
0xb5: {  	v0 =	vadd.f32 v2, v0  }
0xb6: {  	v2 =	vld [tilespmem:s22+$0x810]  }
0xb7: {  	v0 =	vadd.f32 v3, v0  }
0xb8: {  	v3 =	vld [tilespmem:s22+$0x820]  }
0xb9: {  	v0 =	vadd.f32 v1, v0  }
0xba: {  	v1 =	vld [tilespmem:s22+$0x830]  }
0xbb: {  	v0 =	vadd.f32 v2, v0  }
0xbc: {  	v2 =	vld [tilespmem:s22+$0x840]  }
0xbd: {  	v0 =	vadd.f32 v3, v0  }
0xbe: {  	v3 =	vld [tilespmem:s22+$0x850]  }
0xbf: {  	v0 =	vadd.f32 v1, v0  }
0xc0: {  	v1 =	vld [tilespmem:s22+$0x860]  }
0xc1: {  	v0 =	vadd.f32 v2, v0  }
0xc2: {  	v2 =	vld [tilespmem:s22+$0x870]  }
0xc3: {  	v0 =	vadd.f32 v3, v0  }
0xc4: {  	v3 =	vld [tilespmem:s22+$0xC00]  }
0xc5: {  	v0 =	vadd.f32 v1, v0  }
0xc6: {  	v1 =	vld [tilespmem:s22+$0xC10]  }
0xc7: {  	v0 =	vadd.f32 v2, v0  }
0xc8: {  	v2 =	vld [tilespmem:s22+$0xC20]  }
0xc9: {  	v0 =	vadd.f32 v3, v0  }
0xca: {  	v3 =	vld [tilespmem:s22+$0xC30]  }
0xcb: {  	v0 =	vadd.f32 v1, v0  }
0xcc: {  	v1 =	vld [tilespmem:s22+$0xC40]  }
0xcd: {  	v0 =	vadd.f32 v2, v0  }
0xce: {  	v2 =	vld [tilespmem:s22+$0xC50]  }
0xcf: {  	v0 =	vadd.f32 v3, v0  }
0xd0: {  	v3 =	vld [tilespmem:s22+$0xC60]  }
0xd1: {  	v0 =	vadd.f32 v1, v0  }
0xd2: {  	v1 =	vld [tilespmem:s22+$0xC70]  }
0xd3: {  	v0 =	vadd.f32 v2, v0  }
0xd4: {  	v2 =	vld [tilespmem:s22+$0x1000]  }
0xd5: {  	v0 =	vadd.f32 v3, v0  }
0xd6: {  	v3 =	vld [tilespmem:s22+$0x1010]  }
0xd7: {  	v0 =	vadd.f32 v1, v0  }
0xd8: {  	v1 =	vld [tilespmem:s22+$0x1020]  }
0xd9: {  	v0 =	vadd.f32 v2, v0  }
0xda: {  	v2 =	vld [tilespmem:s22+$0x1030]  }
0xdb: {  	v0 =	vadd.f32 v3, v0  }
0xdc: {  	v3 =	vld [tilespmem:s22+$0x1040]  }
0xdd: {  	v0 =	vadd.f32 v1, v0  }
0xde: {  	v1 =	vld [tilespmem:s22+$0x1050]  }
0xdf: {  	v0 =	vadd.f32 v2, v0  }
0xe0: {  	v2 =	vld [tilespmem:s22+$0x1060]  }
0xe1: {  	v0 =	vadd.f32 v3, v0  }
0xe2: {  	v3 =	vld [tilespmem:s22+$0x1070]  }
0xe3: {  	v0 =	vadd.f32 v1, v0  }
0xe4: {  	v1 =	vld [tilespmem:s22+$0x1400]  }
0xe5: {  	v0 =	vadd.f32 v2, v0  }
0xe6: {  	v2 =	vld [tilespmem:s22+$0x1410]  }
0xe7: {  	v0 =	vadd.f32 v3, v0  }
0xe8: {  	v3 =	vld [tilespmem:s22+$0x1420]  }
0xe9: {  	v0 =	vadd.f32 v1, v0  }
0xea: {  	v1 =	vld [tilespmem:s22+$0x1430]  }
0xeb: {  	v0 =	vadd.f32 v2, v0  }
0xec: {  	v2 =	vld [tilespmem:s22+$0x1440]  }
0xed: {  	v0 =	vadd.f32 v3, v0  }
0xee: {  	v3 =	vld [tilespmem:s22+$0x1450]  }
0xef: {  	v0 =	vadd.f32 v1, v0  }
0xf0: {  	v1 =	vld [tilespmem:s22+$0x1460]  }
0xf1: {  	v0 =	vadd.f32 v2, v0  }
0xf2: {  	v2 =	vld [tilespmem:s22+$0x1470]  }
0xf3: {  	v0 =	vadd.f32 v3, v0  }
0xf4: {  	v3 =	vld [tilespmem:s22+$0x1800]  }
0xf5: {  	v0 =	vadd.f32 v1, v0  }
0xf6: {  	v1 =	vld [tilespmem:s22+$0x1810]  }
0xf7: {  	v0 =	vadd.f32 v2, v0  }
0xf8: {  	v2 =	vld [tilespmem:s22+$0x1820]  }
0xf9: {  	v0 =	vadd.f32 v3, v0  }
0xfa: {  	v3 =	vld [tilespmem:s22+$0x1830]  }
0xfb: {  	v0 =	vadd.f32 v1, v0  }
0xfc: {  	v1 =	vld [tilespmem:s22+$0x1840]  }
0xfd: {  	v0 =	vadd.f32 v2, v0  }
0xfe: {  	v2 =	vld [tilespmem:s22+$0x1850]  }
0xff: {  	v0 =	vadd.f32 v3, v0  }
0x100: {  	v3 =	vld [tilespmem:s22+$0x1860]  }
0x101: {  	v0 =	vadd.f32 v1, v0  }
0x102: {  	v1 =	vld [tilespmem:s22+$0x1870]  }
0x103: {  	v0 =	vadd.f32 v2, v0  }
0x104: {  	v2 =	vld [tilespmem:s22+$0x1C00]  }
0x105: {  	v0 =	vadd.f32 v3, v0  }
0x106: {  	v3 =	vld [tilespmem:s22+$0x1C10]  }
0x107: {  	v0 =	vadd.f32 v1, v0  }
0x108: {  	v1 =	vld [tilespmem:s22+$0x1C20]  }
0x109: {  	v0 =	vadd.f32 v2, v0  }
0x10a: {  	v2 =	vld [tilespmem:s22+$0x1C30]  }
0x10b: {  	v0 =	vadd.f32 v3, v0  }
0x10c: {  	v3 =	vld [tilespmem:s22+$0x1C40]  }
0x10d: {  	v0 =	vadd.f32 v1, v0  }
0x10e: {  	v1 =	vld [tilespmem:s22+$0x1C50]  }
0x10f: {  	v0 =	vadd.f32 v2, v0  }
0x110: {  	v2 =	vld [tilespmem:s22+$0x1C60]  }
0x111: {  	v0 =	vadd.f32 v3, v0  }
0x112: {  	v3 =	vld [tilespmem:s22+$0x1C70]  }
0x113: {  	v0 =	vadd.f32 v1, v0  }
.Ltmp0:
0x114: {  	(pc) =	sbr.rel @p0 .LBB2_2-.Ltmp0, $3  }
0x115: {  	v0 =	vadd.f32 v2, v0;
	_ =	sdelay $0x1  }
0x116: {  	s20 =	sadd.s32 $0x80, s20;
	s19 =	sadd.s32 $0x10, s19;
	v0 =	vadd.f32 v3, v0  }
0x117: {  	s23 =	sand.u32 $0x380, s20;
	s22 =	sand.u32 $0x6000, s21;
	s21 =	sadd.s32 $0x400, s21  }
0x118: {  	s20 =	sor.u32 s23, s22;
	[tilespmem:s19+$0x0] =	vst v0  }
0x119: {  	v0 =	vld [tilespmem:s20+$0x0];
	_ =	sdelay $0x1  }
0x11a: {  	v1 =	vld [tilespmem:s20+$0x10];
	_ =	sdelay $0x1  }
0x11b: {  	v2 =	vld [tilespmem:s20+$0x20]  }
0x11c: {  	v0 =	vadd.f32 $0.0e+00, v0  }
0x11d: {  	v3 =	vld [tilespmem:s20+$0x30]  }
0x11e: {  	v0 =	vadd.f32 v1, v0  }
0x11f: {  	v1 =	vld [tilespmem:s20+$0x40]  }
0x120: {  	v0 =	vadd.f32 v2, v0  }
0x121: {  	v2 =	vld [tilespmem:s20+$0x50]  }
0x122: {  	v0 =	vadd.f32 v3, v0  }
0x123: {  	v3 =	vld [tilespmem:s20+$0x60]  }
0x124: {  	v0 =	vadd.f32 v1, v0  }
0x125: {  	v1 =	vld [tilespmem:s20+$0x70]  }
0x126: {  	v0 =	vadd.f32 v2, v0  }
0x127: {  	v2 =	vld [tilespmem:s20+$0x400]  }
0x128: {  	v0 =	vadd.f32 v3, v0  }
0x129: {  	v3 =	vld [tilespmem:s20+$0x410]  }
0x12a: {  	v0 =	vadd.f32 v1, v0  }
0x12b: {  	v1 =	vld [tilespmem:s20+$0x420]  }
0x12c: {  	v0 =	vadd.f32 v2, v0  }
0x12d: {  	v2 =	vld [tilespmem:s20+$0x430]  }
0x12e: {  	v0 =	vadd.f32 v3, v0  }
0x12f: {  	v3 =	vld [tilespmem:s20+$0x440]  }
0x130: {  	v0 =	vadd.f32 v1, v0  }
0x131: {  	v1 =	vld [tilespmem:s20+$0x450]  }
0x132: {  	v0 =	vadd.f32 v2, v0  }
0x133: {  	v2 =	vld [tilespmem:s20+$0x460]  }
0x134: {  	v0 =	vadd.f32 v3, v0  }
0x135: {  	v3 =	vld [tilespmem:s20+$0x470]  }
0x136: {  	v0 =	vadd.f32 v1, v0  }
0x137: {  	v1 =	vld [tilespmem:s20+$0x800]  }
0x138: {  	v0 =	vadd.f32 v2, v0  }
0x139: {  	v2 =	vld [tilespmem:s20+$0x810]  }
0x13a: {  	v0 =	vadd.f32 v3, v0  }
0x13b: {  	v3 =	vld [tilespmem:s20+$0x820]  }
0x13c: {  	v0 =	vadd.f32 v1, v0  }
0x13d: {  	v1 =	vld [tilespmem:s20+$0x830]  }
0x13e: {  	v0 =	vadd.f32 v2, v0  }
0x13f: {  	v2 =	vld [tilespmem:s20+$0x840]  }
0x140: {  	v0 =	vadd.f32 v3, v0  }
0x141: {  	v3 =	vld [tilespmem:s20+$0x850]  }
0x142: {  	v0 =	vadd.f32 v1, v0  }
0x143: {  	v1 =	vld [tilespmem:s20+$0x860]  }
0x144: {  	v0 =	vadd.f32 v2, v0  }
0x145: {  	v2 =	vld [tilespmem:s20+$0x870]  }
0x146: {  	v0 =	vadd.f32 v3, v0  }
0x147: {  	v3 =	vld [tilespmem:s20+$0xC00]  }
0x148: {  	v0 =	vadd.f32 v1, v0  }
0x149: {  	v1 =	vld [tilespmem:s20+$0xC10]  }
0x14a: {  	v0 =	vadd.f32 v2, v0  }
0x14b: {  	v2 =	vld [tilespmem:s20+$0xC20]  }
0x14c: {  	v0 =	vadd.f32 v3, v0  }
0x14d: {  	v3 =	vld [tilespmem:s20+$0xC30]  }
0x14e: {  	v0 =	vadd.f32 v1, v0  }
0x14f: {  	v1 =	vld [tilespmem:s20+$0xC40]  }
0x150: {  	v0 =	vadd.f32 v2, v0  }
0x151: {  	v2 =	vld [tilespmem:s20+$0xC50]  }
0x152: {  	v0 =	vadd.f32 v3, v0  }
0x153: {  	v3 =	vld [tilespmem:s20+$0xC60]  }
0x154: {  	v0 =	vadd.f32 v1, v0  }
0x155: {  	v1 =	vld [tilespmem:s20+$0xC70]  }
0x156: {  	v0 =	vadd.f32 v2, v0  }
0x157: {  	v2 =	vld [tilespmem:s20+$0x1000]  }
0x158: {  	v0 =	vadd.f32 v3, v0  }
0x159: {  	v3 =	vld [tilespmem:s20+$0x1010]  }
0x15a: {  	v0 =	vadd.f32 v1, v0  }
0x15b: {  	v1 =	vld [tilespmem:s20+$0x1020]  }
0x15c: {  	v0 =	vadd.f32 v2, v0  }
0x15d: {  	v2 =	vld [tilespmem:s20+$0x1030]  }
0x15e: {  	v0 =	vadd.f32 v3, v0  }
0x15f: {  	v3 =	vld [tilespmem:s20+$0x1040]  }
0x160: {  	v0 =	vadd.f32 v1, v0  }
0x161: {  	v1 =	vld [tilespmem:s20+$0x1050]  }
0x162: {  	v0 =	vadd.f32 v2, v0  }
0x163: {  	v2 =	vld [tilespmem:s20+$0x1060]  }
0x164: {  	v0 =	vadd.f32 v3, v0  }
0x165: {  	v3 =	vld [tilespmem:s20+$0x1070]  }
0x166: {  	v0 =	vadd.f32 v1, v0  }
0x167: {  	v1 =	vld [tilespmem:s20+$0x1400]  }
0x168: {  	v0 =	vadd.f32 v2, v0  }
0x169: {  	v2 =	vld [tilespmem:s20+$0x1410]  }
0x16a: {  	v0 =	vadd.f32 v3, v0  }
0x16b: {  	v3 =	vld [tilespmem:s20+$0x1420]  }
0x16c: {  	v0 =	vadd.f32 v1, v0  }
0x16d: {  	v1 =	vld [tilespmem:s20+$0x1430]  }
0x16e: {  	v0 =	vadd.f32 v2, v0  }
0x16f: {  	v2 =	vld [tilespmem:s20+$0x1440]  }
0x170: {  	v0 =	vadd.f32 v3, v0  }
0x171: {  	v3 =	vld [tilespmem:s20+$0x1450]  }
0x172: {  	v0 =	vadd.f32 v1, v0  }
0x173: {  	v1 =	vld [tilespmem:s20+$0x1460]  }
0x174: {  	v0 =	vadd.f32 v2, v0  }
0x175: {  	v2 =	vld [tilespmem:s20+$0x1470]  }
0x176: {  	v0 =	vadd.f32 v3, v0  }
0x177: {  	v3 =	vld [tilespmem:s20+$0x1800]  }
0x178: {  	v0 =	vadd.f32 v1, v0  }
0x179: {  	v1 =	vld [tilespmem:s20+$0x1810]  }
0x17a: {  	v0 =	vadd.f32 v2, v0  }
0x17b: {  	v2 =	vld [tilespmem:s20+$0x1820]  }
0x17c: {  	v0 =	vadd.f32 v3, v0  }
0x17d: {  	v3 =	vld [tilespmem:s20+$0x1830]  }
0x17e: {  	v0 =	vadd.f32 v1, v0  }
0x17f: {  	v1 =	vld [tilespmem:s20+$0x1840]  }
0x180: {  	v0 =	vadd.f32 v2, v0  }
0x181: {  	v2 =	vld [tilespmem:s20+$0x1850]  }
0x182: {  	v0 =	vadd.f32 v3, v0  }
0x183: {  	v3 =	vld [tilespmem:s20+$0x1860]  }
0x184: {  	v0 =	vadd.f32 v1, v0  }
0x185: {  	v1 =	vld [tilespmem:s20+$0x1870]  }
0x186: {  	v0 =	vadd.f32 v2, v0  }
0x187: {  	v2 =	vld [tilespmem:s20+$0x1C00]  }
0x188: {  	v0 =	vadd.f32 v3, v0  }
0x189: {  	v3 =	vld [tilespmem:s20+$0x1C10]  }
0x18a: {  	v0 =	vadd.f32 v1, v0  }
0x18b: {  	v1 =	vld [tilespmem:s20+$0x1C20]  }
0x18c: {  	v0 =	vadd.f32 v2, v0  }
0x18d: {  	v2 =	vld [tilespmem:s20+$0x1C30]  }
0x18e: {  	v0 =	vadd.f32 v3, v0  }
0x18f: {  	v3 =	vld [tilespmem:s20+$0x1C40]  }
0x190: {  	v0 =	vadd.f32 v1, v0  }
0x191: {  	v1 =	vld [tilespmem:s20+$0x1C50]  }
0x192: {  	v0 =	vadd.f32 v2, v0  }
0x193: {  	v2 =	vld [tilespmem:s20+$0x1C60]  }
0x194: {  	v0 =	vadd.f32 v3, v0  }
0x195: {  	v3 =	vld [tilespmem:s20+$0x1C70]  }
0x196: {  	v0 =	vadd.f32 v1, v0;
	_ =	sdelay $0x1  }
0x197: {  	v0 =	vadd.f32 v2, v0;
	_ =	sdelay $0x1  }
0x198: {  	v0 =	vadd.f32 v3, v0  }
0x199: {  	s29 =	sadd.s32 $0x10, s19  }
0x19a: {  	s19 =	simm.s32 $0x0;
	[tilespmem:s29+$0x0] =	vst v0  }
0x19b: {  	[tilespmem:s19], [sflag:$0x1] =	stream.linear.gather [hbm4b:s5+s19], $0x8000, $0x38;
	[tilespmem:$0x11000] =	vst v63  }
0x19c: {  	_ =	swait.ge [sflag:s15], $0x8000  }
0x19d: {  	s30 =	sand.u32 $0x6000, s19;
	s21 =	sand.u32 $0x380, s19;
	[sflag:s15] =	ssyncset.done $0x0  }
0x19e: {  	s20 =	sor.u32 s21, s30;
	[sflag:s15] =	ssyncadd.s32 $0xFFFF8000  }
0x19f: {  	v0 =	vld [tilespmem:s20+$0x8000];
	_ =	sdelay $0x1  }
0x1a0: {  	v1 =	vld [tilespmem:s20+$0x8010];
	_ =	sdelay $0x1  }
0x1a1: {  	v2 =	vld [tilespmem:s20+$0x8020]  }
0x1a2: {  	v0 =	vadd.f32 $0.0e+00, v0  }
0x1a3: {  	v3 =	vld [tilespmem:s20+$0x8030]  }
0x1a4: {  	v0 =	vadd.f32 v1, v0  }
0x1a5: {  	v1 =	vld [tilespmem:s20+$0x8040]  }
0x1a6: {  	v0 =	vadd.f32 v2, v0  }
0x1a7: {  	v2 =	vld [tilespmem:s20+$0x8050]  }
0x1a8: {  	v0 =	vadd.f32 v3, v0  }
0x1a9: {  	v3 =	vld [tilespmem:s20+$0x8060]  }
0x1aa: {  	v0 =	vadd.f32 v1, v0  }
0x1ab: {  	v1 =	vld [tilespmem:s20+$0x8070]  }
0x1ac: {  	v0 =	vadd.f32 v2, v0  }
0x1ad: {  	v2 =	vld [tilespmem:s20+$0x8400]  }
0x1ae: {  	v0 =	vadd.f32 v3, v0  }
0x1af: {  	v3 =	vld [tilespmem:s20+$0x8410]  }
0x1b0: {  	v0 =	vadd.f32 v1, v0  }
0x1b1: {  	v1 =	vld [tilespmem:s20+$0x8420]  }
0x1b2: {  	v0 =	vadd.f32 v2, v0  }
0x1b3: {  	v2 =	vld [tilespmem:s20+$0x8430]  }
0x1b4: {  	v0 =	vadd.f32 v3, v0  }
0x1b5: {  	v3 =	vld [tilespmem:s20+$0x8440]  }
0x1b6: {  	v0 =	vadd.f32 v1, v0  }
0x1b7: {  	v1 =	vld [tilespmem:s20+$0x8450]  }
0x1b8: {  	v0 =	vadd.f32 v2, v0  }
0x1b9: {  	v2 =	vld [tilespmem:s20+$0x8460]  }
0x1ba: {  	v0 =	vadd.f32 v3, v0  }
0x1bb: {  	v3 =	vld [tilespmem:s20+$0x8470]  }
0x1bc: {  	v0 =	vadd.f32 v1, v0  }
0x1bd: {  	v1 =	vld [tilespmem:s20+$0x8800]  }
0x1be: {  	v0 =	vadd.f32 v2, v0  }
0x1bf: {  	v2 =	vld [tilespmem:s20+$0x8810]  }
0x1c0: {  	v0 =	vadd.f32 v3, v0  }
0x1c1: {  	v3 =	vld [tilespmem:s20+$0x8820]  }
0x1c2: {  	v0 =	vadd.f32 v1, v0  }
0x1c3: {  	v1 =	vld [tilespmem:s20+$0x8830]  }
0x1c4: {  	v0 =	vadd.f32 v2, v0  }
0x1c5: {  	v2 =	vld [tilespmem:s20+$0x8840]  }
0x1c6: {  	v0 =	vadd.f32 v3, v0  }
0x1c7: {  	v3 =	vld [tilespmem:s20+$0x8850]  }
0x1c8: {  	v0 =	vadd.f32 v1, v0  }
0x1c9: {  	v1 =	vld [tilespmem:s20+$0x8860]  }
0x1ca: {  	v0 =	vadd.f32 v2, v0  }
0x1cb: {  	v2 =	vld [tilespmem:s20+$0x8870]  }
0x1cc: {  	v0 =	vadd.f32 v3, v0  }
0x1cd: {  	v3 =	vld [tilespmem:s20+$0x8C00]  }
0x1ce: {  	v0 =	vadd.f32 v1, v0  }
0x1cf: {  	v1 =	vld [tilespmem:s20+$0x8C10]  }
0x1d0: {  	v0 =	vadd.f32 v2, v0  }
0x1d1: {  	v2 =	vld [tilespmem:s20+$0x8C20]  }
0x1d2: {  	v0 =	vadd.f32 v3, v0  }
0x1d3: {  	v3 =	vld [tilespmem:s20+$0x8C30]  }
0x1d4: {  	v0 =	vadd.f32 v1, v0  }
0x1d5: {  	v1 =	vld [tilespmem:s20+$0x8C40]  }
0x1d6: {  	v0 =	vadd.f32 v2, v0  }
0x1d7: {  	v2 =	vld [tilespmem:s20+$0x8C50]  }
0x1d8: {  	v0 =	vadd.f32 v3, v0  }
0x1d9: {  	v3 =	vld [tilespmem:s20+$0x8C60]  }
0x1da: {  	v0 =	vadd.f32 v1, v0  }
0x1db: {  	v1 =	vld [tilespmem:s20+$0x8C70]  }
0x1dc: {  	v0 =	vadd.f32 v2, v0  }
0x1dd: {  	v2 =	vld [tilespmem:s20+$0x9000]  }
0x1de: {  	v0 =	vadd.f32 v3, v0  }
0x1df: {  	v3 =	vld [tilespmem:s20+$0x9010]  }
0x1e0: {  	v0 =	vadd.f32 v1, v0  }
0x1e1: {  	v1 =	vld [tilespmem:s20+$0x9020]  }
0x1e2: {  	v0 =	vadd.f32 v2, v0  }
0x1e3: {  	v2 =	vld [tilespmem:s20+$0x9030]  }
0x1e4: {  	v0 =	vadd.f32 v3, v0  }
0x1e5: {  	v3 =	vld [tilespmem:s20+$0x9040]  }
0x1e6: {  	v0 =	vadd.f32 v1, v0  }
0x1e7: {  	v1 =	vld [tilespmem:s20+$0x9050]  }
0x1e8: {  	v0 =	vadd.f32 v2, v0  }
0x1e9: {  	v2 =	vld [tilespmem:s20+$0x9060]  }
0x1ea: {  	v0 =	vadd.f32 v3, v0  }
0x1eb: {  	v3 =	vld [tilespmem:s20+$0x9070]  }
0x1ec: {  	v0 =	vadd.f32 v1, v0  }
0x1ed: {  	v1 =	vld [tilespmem:s20+$0x9400]  }
0x1ee: {  	v0 =	vadd.f32 v2, v0  }
0x1ef: {  	v2 =	vld [tilespmem:s20+$0x9410]  }
0x1f0: {  	v0 =	vadd.f32 v3, v0  }
0x1f1: {  	v3 =	vld [tilespmem:s20+$0x9420]  }
0x1f2: {  	v0 =	vadd.f32 v1, v0  }
0x1f3: {  	v1 =	vld [tilespmem:s20+$0x9430]  }
0x1f4: {  	v0 =	vadd.f32 v2, v0  }
0x1f5: {  	v2 =	vld [tilespmem:s20+$0x9440]  }
0x1f6: {  	v0 =	vadd.f32 v3, v0  }
0x1f7: {  	v3 =	vld [tilespmem:s20+$0x9450]  }
0x1f8: {  	v0 =	vadd.f32 v1, v0  }
0x1f9: {  	v1 =	vld [tilespmem:s20+$0x9460]  }
0x1fa: {  	v0 =	vadd.f32 v2, v0  }
0x1fb: {  	v2 =	vld [tilespmem:s20+$0x9470]  }
0x1fc: {  	v0 =	vadd.f32 v3, v0  }
0x1fd: {  	v3 =	vld [tilespmem:s20+$0x9800]  }
0x1fe: {  	v0 =	vadd.f32 v1, v0  }
0x1ff: {  	v1 =	vld [tilespmem:s20+$0x9810]  }
0x200: {  	v0 =	vadd.f32 v2, v0  }
0x201: {  	v2 =	vld [tilespmem:s20+$0x9820]  }
0x202: {  	v0 =	vadd.f32 v3, v0  }
0x203: {  	v3 =	vld [tilespmem:s20+$0x9830]  }
0x204: {  	v0 =	vadd.f32 v1, v0  }
0x205: {  	v1 =	vld [tilespmem:s20+$0x9840]  }
0x206: {  	v0 =	vadd.f32 v2, v0  }
0x207: {  	v2 =	vld [tilespmem:s20+$0x9850]  }
0x208: {  	v0 =	vadd.f32 v3, v0  }
0x209: {  	v3 =	vld [tilespmem:s20+$0x9860]  }
0x20a: {  	v0 =	vadd.f32 v1, v0  }
0x20b: {  	v1 =	vld [tilespmem:s20+$0x9870]  }
0x20c: {  	v0 =	vadd.f32 v2, v0  }
0x20d: {  	v2 =	vld [tilespmem:s20+$0x9C00]  }
0x20e: {  	v0 =	vadd.f32 v3, v0  }
0x20f: {  	v3 =	vld [tilespmem:s20+$0x9C10]  }
0x210: {  	v0 =	vadd.f32 v1, v0  }
0x211: {  	v1 =	vld [tilespmem:s20+$0x9C20]  }
0x212: {  	v0 =	vadd.f32 v2, v0  }
0x213: {  	v2 =	vld [tilespmem:s20+$0x9C30]  }
0x214: {  	v0 =	vadd.f32 v3, v0  }
0x215: {  	v3 =	vld [tilespmem:s20+$0x9C40]  }
0x216: {  	v0 =	vadd.f32 v1, v0  }
0x217: {  	v1 =	vld [tilespmem:s20+$0x9C50]  }
0x218: {  	v0 =	vadd.f32 v2, v0  }
0x219: {  	v2 =	vld [tilespmem:s20+$0x9C60]  }
0x21a: {  	v0 =	vadd.f32 v3, v0  }
0x21b: {  	v3 =	vld [tilespmem:s20+$0x9C70]  }
0x21c: {  	v0 =	vadd.f32 v1, v0;
	_ =	sdelay $0x1  }
0x21d: {  	v0 =	vadd.f32 v2, v0  }
0x21e: {  	s31 =	simm.s32 $0x400  }
0x21f: {  	s22 =	sand.u32 $0x6000, s31;
	s20 =	simm.s32 $0x80;
	v0 =	vadd.f32 v3, v0  }
0x220: {  	s24 =	sand.u32 $0x1F0, s19;
	s21 =	simm.s32 $0x800;
	s23 =	sand.u32 $0x380, s20  }
.LBB2_4:
0x221: {  	p0 =	sne.s32 s21, $0x7C00;
	s22 =	sor.u32 s23, s22;
	[tilespmem:s24+$0x10200] =	vst v0  }
0x222: {  	v0 =	vld [tilespmem:s22+$0x8000];
	_ =	sdelay $0x1  }
0x223: {  	v1 =	vld [tilespmem:s22+$0x8010];
	_ =	sdelay $0x1  }
0x224: {  	v2 =	vld [tilespmem:s22+$0x8020]  }
0x225: {  	v0 =	vadd.f32 $0.0e+00, v0  }
0x226: {  	v3 =	vld [tilespmem:s22+$0x8030]  }
0x227: {  	v0 =	vadd.f32 v1, v0  }
0x228: {  	v1 =	vld [tilespmem:s22+$0x8040]  }
0x229: {  	v0 =	vadd.f32 v2, v0  }
0x22a: {  	v2 =	vld [tilespmem:s22+$0x8050]  }
0x22b: {  	v0 =	vadd.f32 v3, v0  }
0x22c: {  	v3 =	vld [tilespmem:s22+$0x8060]  }
0x22d: {  	v0 =	vadd.f32 v1, v0  }
0x22e: {  	v1 =	vld [tilespmem:s22+$0x8070]  }
0x22f: {  	v0 =	vadd.f32 v2, v0  }
0x230: {  	v2 =	vld [tilespmem:s22+$0x8400]  }
0x231: {  	v0 =	vadd.f32 v3, v0  }
0x232: {  	v3 =	vld [tilespmem:s22+$0x8410]  }
0x233: {  	v0 =	vadd.f32 v1, v0  }
0x234: {  	v1 =	vld [tilespmem:s22+$0x8420]  }
0x235: {  	v0 =	vadd.f32 v2, v0  }
0x236: {  	v2 =	vld [tilespmem:s22+$0x8430]  }
0x237: {  	v0 =	vadd.f32 v3, v0  }
0x238: {  	v3 =	vld [tilespmem:s22+$0x8440]  }
0x239: {  	v0 =	vadd.f32 v1, v0  }
0x23a: {  	v1 =	vld [tilespmem:s22+$0x8450]  }
0x23b: {  	v0 =	vadd.f32 v2, v0  }
0x23c: {  	v2 =	vld [tilespmem:s22+$0x8460]  }
0x23d: {  	v0 =	vadd.f32 v3, v0  }
0x23e: {  	v3 =	vld [tilespmem:s22+$0x8470]  }
0x23f: {  	v0 =	vadd.f32 v1, v0  }
0x240: {  	v1 =	vld [tilespmem:s22+$0x8800]  }
0x241: {  	v0 =	vadd.f32 v2, v0  }
0x242: {  	v2 =	vld [tilespmem:s22+$0x8810]  }
0x243: {  	v0 =	vadd.f32 v3, v0  }
0x244: {  	v3 =	vld [tilespmem:s22+$0x8820]  }
0x245: {  	v0 =	vadd.f32 v1, v0  }
0x246: {  	v1 =	vld [tilespmem:s22+$0x8830]  }
0x247: {  	v0 =	vadd.f32 v2, v0  }
0x248: {  	v2 =	vld [tilespmem:s22+$0x8840]  }
0x249: {  	v0 =	vadd.f32 v3, v0  }
0x24a: {  	v3 =	vld [tilespmem:s22+$0x8850]  }
0x24b: {  	v0 =	vadd.f32 v1, v0  }
0x24c: {  	v1 =	vld [tilespmem:s22+$0x8860]  }
0x24d: {  	v0 =	vadd.f32 v2, v0  }
0x24e: {  	v2 =	vld [tilespmem:s22+$0x8870]  }
0x24f: {  	v0 =	vadd.f32 v3, v0  }
0x250: {  	v3 =	vld [tilespmem:s22+$0x8C00]  }
0x251: {  	v0 =	vadd.f32 v1, v0  }
0x252: {  	v1 =	vld [tilespmem:s22+$0x8C10]  }
0x253: {  	v0 =	vadd.f32 v2, v0  }
0x254: {  	v2 =	vld [tilespmem:s22+$0x8C20]  }
0x255: {  	v0 =	vadd.f32 v3, v0  }
0x256: {  	v3 =	vld [tilespmem:s22+$0x8C30]  }
0x257: {  	v0 =	vadd.f32 v1, v0  }
0x258: {  	v1 =	vld [tilespmem:s22+$0x8C40]  }
0x259: {  	v0 =	vadd.f32 v2, v0  }
0x25a: {  	v2 =	vld [tilespmem:s22+$0x8C50]  }
0x25b: {  	v0 =	vadd.f32 v3, v0  }
0x25c: {  	v3 =	vld [tilespmem:s22+$0x8C60]  }
0x25d: {  	v0 =	vadd.f32 v1, v0  }
0x25e: {  	v1 =	vld [tilespmem:s22+$0x8C70]  }
0x25f: {  	v0 =	vadd.f32 v2, v0  }
0x260: {  	v2 =	vld [tilespmem:s22+$0x9000]  }
0x261: {  	v0 =	vadd.f32 v3, v0  }
0x262: {  	v3 =	vld [tilespmem:s22+$0x9010]  }
0x263: {  	v0 =	vadd.f32 v1, v0  }
0x264: {  	v1 =	vld [tilespmem:s22+$0x9020]  }
0x265: {  	v0 =	vadd.f32 v2, v0  }
0x266: {  	v2 =	vld [tilespmem:s22+$0x9030]  }
0x267: {  	v0 =	vadd.f32 v3, v0  }
0x268: {  	v3 =	vld [tilespmem:s22+$0x9040]  }
0x269: {  	v0 =	vadd.f32 v1, v0  }
0x26a: {  	v1 =	vld [tilespmem:s22+$0x9050]  }
0x26b: {  	v0 =	vadd.f32 v2, v0  }
0x26c: {  	v2 =	vld [tilespmem:s22+$0x9060]  }
0x26d: {  	v0 =	vadd.f32 v3, v0  }
0x26e: {  	v3 =	vld [tilespmem:s22+$0x9070]  }
0x26f: {  	v0 =	vadd.f32 v1, v0  }
0x270: {  	v1 =	vld [tilespmem:s22+$0x9400]  }
0x271: {  	v0 =	vadd.f32 v2, v0  }
0x272: {  	v2 =	vld [tilespmem:s22+$0x9410]  }
0x273: {  	v0 =	vadd.f32 v3, v0  }
0x274: {  	v3 =	vld [tilespmem:s22+$0x9420]  }
0x275: {  	v0 =	vadd.f32 v1, v0  }
0x276: {  	v1 =	vld [tilespmem:s22+$0x9430]  }
0x277: {  	v0 =	vadd.f32 v2, v0  }
0x278: {  	v2 =	vld [tilespmem:s22+$0x9440]  }
0x279: {  	v0 =	vadd.f32 v3, v0  }
0x27a: {  	v3 =	vld [tilespmem:s22+$0x9450]  }
0x27b: {  	v0 =	vadd.f32 v1, v0  }
0x27c: {  	v1 =	vld [tilespmem:s22+$0x9460]  }
0x27d: {  	v0 =	vadd.f32 v2, v0  }
0x27e: {  	v2 =	vld [tilespmem:s22+$0x9470]  }
0x27f: {  	v0 =	vadd.f32 v3, v0  }
0x280: {  	v3 =	vld [tilespmem:s22+$0x9800]  }
0x281: {  	v0 =	vadd.f32 v1, v0  }
0x282: {  	v1 =	vld [tilespmem:s22+$0x9810]  }
0x283: {  	v0 =	vadd.f32 v2, v0  }
0x284: {  	v2 =	vld [tilespmem:s22+$0x9820]  }
0x285: {  	v0 =	vadd.f32 v3, v0  }
0x286: {  	v3 =	vld [tilespmem:s22+$0x9830]  }
0x287: {  	v0 =	vadd.f32 v1, v0  }
0x288: {  	v1 =	vld [tilespmem:s22+$0x9840]  }
0x289: {  	v0 =	vadd.f32 v2, v0  }
0x28a: {  	v2 =	vld [tilespmem:s22+$0x9850]  }
0x28b: {  	v0 =	vadd.f32 v3, v0  }
0x28c: {  	v3 =	vld [tilespmem:s22+$0x9860]  }
0x28d: {  	v0 =	vadd.f32 v1, v0  }
0x28e: {  	v1 =	vld [tilespmem:s22+$0x9870]  }
0x28f: {  	v0 =	vadd.f32 v2, v0  }
0x290: {  	v2 =	vld [tilespmem:s22+$0x9C00]  }
0x291: {  	v0 =	vadd.f32 v3, v0  }
0x292: {  	v3 =	vld [tilespmem:s22+$0x9C10]  }
0x293: {  	v0 =	vadd.f32 v1, v0  }
0x294: {  	v1 =	vld [tilespmem:s22+$0x9C20]  }
0x295: {  	v0 =	vadd.f32 v2, v0  }
0x296: {  	v2 =	vld [tilespmem:s22+$0x9C30]  }
0x297: {  	v0 =	vadd.f32 v3, v0  }
0x298: {  	v3 =	vld [tilespmem:s22+$0x9C40]  }
0x299: {  	v0 =	vadd.f32 v1, v0  }
0x29a: {  	v1 =	vld [tilespmem:s22+$0x9C50]  }
0x29b: {  	v0 =	vadd.f32 v2, v0  }
0x29c: {  	v2 =	vld [tilespmem:s22+$0x9C60]  }
0x29d: {  	v0 =	vadd.f32 v3, v0  }
0x29e: {  	v3 =	vld [tilespmem:s22+$0x9C70]  }
0x29f: {  	v0 =	vadd.f32 v1, v0  }
.Ltmp1:
0x2a0: {  	(pc) =	sbr.rel @p0 .LBB2_4-.Ltmp1, $3  }
0x2a1: {  	v0 =	vadd.f32 v2, v0;
	_ =	sdelay $0x1  }
0x2a2: {  	s20 =	sadd.s32 $0x80, s20;
	s19 =	sadd.s32 $0x10, s19;
	s22 =	sand.u32 $0x6000, s21;
	v0 =	vadd.f32 v3, v0  }
0x2a3: {  	s23 =	sand.u32 $0x380, s20;
	s24 =	sand.u32 $0x1F0, s19;
	s21 =	sadd.s32 $0x400, s21  }
0x2a4: {  	s20 =	sor.u32 s23, s22;
	[tilespmem:s24+$0x10200] =	vst v0  }
0x2a5: {  	v0 =	vld [tilespmem:s20+$0x8000];
	_ =	sdelay $0x1  }
0x2a6: {  	v1 =	vld [tilespmem:s20+$0x8010];
	_ =	sdelay $0x1  }
0x2a7: {  	v2 =	vld [tilespmem:s20+$0x8020]  }
0x2a8: {  	v0 =	vadd.f32 $0.0e+00, v0  }
0x2a9: {  	v3 =	vld [tilespmem:s20+$0x8030]  }
0x2aa: {  	v0 =	vadd.f32 v1, v0  }
0x2ab: {  	v1 =	vld [tilespmem:s20+$0x8040]  }
0x2ac: {  	v0 =	vadd.f32 v2, v0  }
0x2ad: {  	v2 =	vld [tilespmem:s20+$0x8050]  }
0x2ae: {  	v0 =	vadd.f32 v3, v0  }
0x2af: {  	v3 =	vld [tilespmem:s20+$0x8060]  }
0x2b0: {  	v0 =	vadd.f32 v1, v0  }
0x2b1: {  	v1 =	vld [tilespmem:s20+$0x8070]  }
0x2b2: {  	v0 =	vadd.f32 v2, v0  }
0x2b3: {  	v2 =	vld [tilespmem:s20+$0x8400]  }
0x2b4: {  	v0 =	vadd.f32 v3, v0  }
0x2b5: {  	v3 =	vld [tilespmem:s20+$0x8410]  }
0x2b6: {  	v0 =	vadd.f32 v1, v0  }
0x2b7: {  	v1 =	vld [tilespmem:s20+$0x8420]  }
0x2b8: {  	v0 =	vadd.f32 v2, v0  }
0x2b9: {  	v2 =	vld [tilespmem:s20+$0x8430]  }
0x2ba: {  	v0 =	vadd.f32 v3, v0  }
0x2bb: {  	v3 =	vld [tilespmem:s20+$0x8440]  }
0x2bc: {  	v0 =	vadd.f32 v1, v0  }
0x2bd: {  	v1 =	vld [tilespmem:s20+$0x8450]  }
0x2be: {  	v0 =	vadd.f32 v2, v0  }
0x2bf: {  	v2 =	vld [tilespmem:s20+$0x8460]  }
0x2c0: {  	v0 =	vadd.f32 v3, v0  }
0x2c1: {  	v3 =	vld [tilespmem:s20+$0x8470]  }
0x2c2: {  	v0 =	vadd.f32 v1, v0  }
0x2c3: {  	v1 =	vld [tilespmem:s20+$0x8800]  }
0x2c4: {  	v0 =	vadd.f32 v2, v0  }
0x2c5: {  	v2 =	vld [tilespmem:s20+$0x8810]  }
0x2c6: {  	v0 =	vadd.f32 v3, v0  }
0x2c7: {  	v3 =	vld [tilespmem:s20+$0x8820]  }
0x2c8: {  	v0 =	vadd.f32 v1, v0  }
0x2c9: {  	v1 =	vld [tilespmem:s20+$0x8830]  }
0x2ca: {  	v0 =	vadd.f32 v2, v0  }
0x2cb: {  	v2 =	vld [tilespmem:s20+$0x8840]  }
0x2cc: {  	v0 =	vadd.f32 v3, v0  }
0x2cd: {  	v3 =	vld [tilespmem:s20+$0x8850]  }
0x2ce: {  	v0 =	vadd.f32 v1, v0  }
0x2cf: {  	v1 =	vld [tilespmem:s20+$0x8860]  }
0x2d0: {  	v0 =	vadd.f32 v2, v0  }
0x2d1: {  	v2 =	vld [tilespmem:s20+$0x8870]  }
0x2d2: {  	v0 =	vadd.f32 v3, v0  }
0x2d3: {  	v3 =	vld [tilespmem:s20+$0x8C00]  }
0x2d4: {  	v0 =	vadd.f32 v1, v0  }
0x2d5: {  	v1 =	vld [tilespmem:s20+$0x8C10]  }
0x2d6: {  	v0 =	vadd.f32 v2, v0  }
0x2d7: {  	v2 =	vld [tilespmem:s20+$0x8C20]  }
0x2d8: {  	v0 =	vadd.f32 v3, v0  }
0x2d9: {  	v3 =	vld [tilespmem:s20+$0x8C30]  }
0x2da: {  	v0 =	vadd.f32 v1, v0  }
0x2db: {  	v1 =	vld [tilespmem:s20+$0x8C40]  }
0x2dc: {  	v0 =	vadd.f32 v2, v0  }
0x2dd: {  	v2 =	vld [tilespmem:s20+$0x8C50]  }
0x2de: {  	v0 =	vadd.f32 v3, v0  }
0x2df: {  	v3 =	vld [tilespmem:s20+$0x8C60]  }
0x2e0: {  	v0 =	vadd.f32 v1, v0  }
0x2e1: {  	v1 =	vld [tilespmem:s20+$0x8C70]  }
0x2e2: {  	v0 =	vadd.f32 v2, v0  }
0x2e3: {  	v2 =	vld [tilespmem:s20+$0x9000]  }
0x2e4: {  	v0 =	vadd.f32 v3, v0  }
0x2e5: {  	v3 =	vld [tilespmem:s20+$0x9010]  }
0x2e6: {  	v0 =	vadd.f32 v1, v0  }
0x2e7: {  	v1 =	vld [tilespmem:s20+$0x9020]  }
0x2e8: {  	v0 =	vadd.f32 v2, v0  }
0x2e9: {  	v2 =	vld [tilespmem:s20+$0x9030]  }
0x2ea: {  	v0 =	vadd.f32 v3, v0  }
0x2eb: {  	v3 =	vld [tilespmem:s20+$0x9040]  }
0x2ec: {  	v0 =	vadd.f32 v1, v0  }
0x2ed: {  	v1 =	vld [tilespmem:s20+$0x9050]  }
0x2ee: {  	v0 =	vadd.f32 v2, v0  }
0x2ef: {  	v2 =	vld [tilespmem:s20+$0x9060]  }
0x2f0: {  	v0 =	vadd.f32 v3, v0  }
0x2f1: {  	v3 =	vld [tilespmem:s20+$0x9070]  }
0x2f2: {  	v0 =	vadd.f32 v1, v0  }
0x2f3: {  	v1 =	vld [tilespmem:s20+$0x9400]  }
0x2f4: {  	v0 =	vadd.f32 v2, v0  }
0x2f5: {  	v2 =	vld [tilespmem:s20+$0x9410]  }
0x2f6: {  	v0 =	vadd.f32 v3, v0  }
0x2f7: {  	v3 =	vld [tilespmem:s20+$0x9420]  }
0x2f8: {  	v0 =	vadd.f32 v1, v0  }
0x2f9: {  	v1 =	vld [tilespmem:s20+$0x9430]  }
0x2fa: {  	v0 =	vadd.f32 v2, v0  }
0x2fb: {  	v2 =	vld [tilespmem:s20+$0x9440]  }
0x2fc: {  	v0 =	vadd.f32 v3, v0  }
0x2fd: {  	v3 =	vld [tilespmem:s20+$0x9450]  }
0x2fe: {  	v0 =	vadd.f32 v1, v0  }
0x2ff: {  	v1 =	vld [tilespmem:s20+$0x9460]  }
0x300: {  	v0 =	vadd.f32 v2, v0  }
0x301: {  	v2 =	vld [tilespmem:s20+$0x9470]  }
0x302: {  	v0 =	vadd.f32 v3, v0  }
0x303: {  	v3 =	vld [tilespmem:s20+$0x9800]  }
0x304: {  	v0 =	vadd.f32 v1, v0  }
0x305: {  	v1 =	vld [tilespmem:s20+$0x9810]  }
0x306: {  	v0 =	vadd.f32 v2, v0  }
0x307: {  	v2 =	vld [tilespmem:s20+$0x9820]  }
0x308: {  	v0 =	vadd.f32 v3, v0  }
0x309: {  	v3 =	vld [tilespmem:s20+$0x9830]  }
0x30a: {  	v0 =	vadd.f32 v1, v0  }
0x30b: {  	v1 =	vld [tilespmem:s20+$0x9840]  }
0x30c: {  	v0 =	vadd.f32 v2, v0  }
0x30d: {  	v2 =	vld [tilespmem:s20+$0x9850]  }
0x30e: {  	v0 =	vadd.f32 v3, v0  }
0x30f: {  	v3 =	vld [tilespmem:s20+$0x9860]  }
0x310: {  	v0 =	vadd.f32 v1, v0  }
0x311: {  	v1 =	vld [tilespmem:s20+$0x9870]  }
0x312: {  	v0 =	vadd.f32 v2, v0  }
0x313: {  	v2 =	vld [tilespmem:s20+$0x9C00]  }
0x314: {  	v0 =	vadd.f32 v3, v0  }
0x315: {  	v3 =	vld [tilespmem:s20+$0x9C10]  }
0x316: {  	v0 =	vadd.f32 v1, v0  }
0x317: {  	v1 =	vld [tilespmem:s20+$0x9C20]  }
0x318: {  	v0 =	vadd.f32 v2, v0  }
0x319: {  	v2 =	vld [tilespmem:s20+$0x9C30]  }
0x31a: {  	v0 =	vadd.f32 v3, v0  }
0x31b: {  	v3 =	vld [tilespmem:s20+$0x9C40]  }
0x31c: {  	v0 =	vadd.f32 v1, v0  }
0x31d: {  	v1 =	vld [tilespmem:s20+$0x9C50]  }
0x31e: {  	v0 =	vadd.f32 v2, v0  }
0x31f: {  	v2 =	vld [tilespmem:s20+$0x9C60]  }
0x320: {  	v0 =	vadd.f32 v3, v0  }
0x321: {  	v3 =	vld [tilespmem:s20+$0x9C70]  }
0x322: {  	v0 =	vadd.f32 v1, v0;
	_ =	sdelay $0x1  }
0x323: {  	v0 =	vadd.f32 v2, v0;
	_ =	sdelay $0x1  }
0x324: {  	s19 =	sadd.s32 $0x10, s19;
	v0 =	vadd.f32 v3, v0  }
0x325: {  	s19 =	sand.u32 $0x1F0, s19  }
0x326: {  	[tilespmem:s19+$0x10200] =	vst v0;
	s19 =	simm.s32 $0x0  }
0x327: {  	[tilespmem:s13], [sflag:$0x2] =	stream.linear.gather [hbm4b:s6+s19], $0x8000, $0x38;
	[tilespmem:$0x11000] =	vst v63  }
0x328: {  	_ =	swait.ge [sflag:s14], $0x8000  }
0x329: {  	s30 =	sand.u32 $0x6000, s19;
	s21 =	sand.u32 $0x380, s19;
	[sflag:s14] =	ssyncset.done $0x0  }
0x32a: {  	s20 =	sor.u32 s21, s30;
	[sflag:s14] =	ssyncadd.s32 $0xFFFF8000  }
0x32b: {  	v0 =	vld [tilespmem:s20+$0x0];
	_ =	sdelay $0x1  }
0x32c: {  	v1 =	vld [tilespmem:s20+$0x10];
	_ =	sdelay $0x1  }
0x32d: {  	v2 =	vld [tilespmem:s20+$0x20]  }
0x32e: {  	v0 =	vadd.f32 $0.0e+00, v0  }
0x32f: {  	v3 =	vld [tilespmem:s20+$0x30]  }
0x330: {  	v0 =	vadd.f32 v1, v0  }
0x331: {  	v1 =	vld [tilespmem:s20+$0x40]  }
0x332: {  	v0 =	vadd.f32 v2, v0  }
0x333: {  	v2 =	vld [tilespmem:s20+$0x50]  }
0x334: {  	v0 =	vadd.f32 v3, v0  }
0x335: {  	v3 =	vld [tilespmem:s20+$0x60]  }
0x336: {  	v0 =	vadd.f32 v1, v0  }
0x337: {  	v1 =	vld [tilespmem:s20+$0x70]  }
0x338: {  	v0 =	vadd.f32 v2, v0  }
0x339: {  	v2 =	vld [tilespmem:s20+$0x400]  }
0x33a: {  	v0 =	vadd.f32 v3, v0  }
0x33b: {  	v3 =	vld [tilespmem:s20+$0x410]  }
0x33c: {  	v0 =	vadd.f32 v1, v0  }
0x33d: {  	v1 =	vld [tilespmem:s20+$0x420]  }
0x33e: {  	v0 =	vadd.f32 v2, v0  }
0x33f: {  	v2 =	vld [tilespmem:s20+$0x430]  }
0x340: {  	v0 =	vadd.f32 v3, v0  }
0x341: {  	v3 =	vld [tilespmem:s20+$0x440]  }
0x342: {  	v0 =	vadd.f32 v1, v0  }
0x343: {  	v1 =	vld [tilespmem:s20+$0x450]  }
0x344: {  	v0 =	vadd.f32 v2, v0  }
0x345: {  	v2 =	vld [tilespmem:s20+$0x460]  }
0x346: {  	v0 =	vadd.f32 v3, v0  }
0x347: {  	v3 =	vld [tilespmem:s20+$0x470]  }
0x348: {  	v0 =	vadd.f32 v1, v0  }
0x349: {  	v1 =	vld [tilespmem:s20+$0x800]  }
0x34a: {  	v0 =	vadd.f32 v2, v0  }
0x34b: {  	v2 =	vld [tilespmem:s20+$0x810]  }
0x34c: {  	v0 =	vadd.f32 v3, v0  }
0x34d: {  	v3 =	vld [tilespmem:s20+$0x820]  }
0x34e: {  	v0 =	vadd.f32 v1, v0  }
0x34f: {  	v1 =	vld [tilespmem:s20+$0x830]  }
0x350: {  	v0 =	vadd.f32 v2, v0  }
0x351: {  	v2 =	vld [tilespmem:s20+$0x840]  }
0x352: {  	v0 =	vadd.f32 v3, v0  }
0x353: {  	v3 =	vld [tilespmem:s20+$0x850]  }
0x354: {  	v0 =	vadd.f32 v1, v0  }
0x355: {  	v1 =	vld [tilespmem:s20+$0x860]  }
0x356: {  	v0 =	vadd.f32 v2, v0  }
0x357: {  	v2 =	vld [tilespmem:s20+$0x870]  }
0x358: {  	v0 =	vadd.f32 v3, v0  }
0x359: {  	v3 =	vld [tilespmem:s20+$0xC00]  }
0x35a: {  	v0 =	vadd.f32 v1, v0  }
0x35b: {  	v1 =	vld [tilespmem:s20+$0xC10]  }
0x35c: {  	v0 =	vadd.f32 v2, v0  }
0x35d: {  	v2 =	vld [tilespmem:s20+$0xC20]  }
0x35e: {  	v0 =	vadd.f32 v3, v0  }
0x35f: {  	v3 =	vld [tilespmem:s20+$0xC30]  }
0x360: {  	v0 =	vadd.f32 v1, v0  }
0x361: {  	v1 =	vld [tilespmem:s20+$0xC40]  }
0x362: {  	v0 =	vadd.f32 v2, v0  }
0x363: {  	v2 =	vld [tilespmem:s20+$0xC50]  }
0x364: {  	v0 =	vadd.f32 v3, v0  }
0x365: {  	v3 =	vld [tilespmem:s20+$0xC60]  }
0x366: {  	v0 =	vadd.f32 v1, v0  }
0x367: {  	v1 =	vld [tilespmem:s20+$0xC70]  }
0x368: {  	v0 =	vadd.f32 v2, v0  }
0x369: {  	v2 =	vld [tilespmem:s20+$0x1000]  }
0x36a: {  	v0 =	vadd.f32 v3, v0  }
0x36b: {  	v3 =	vld [tilespmem:s20+$0x1010]  }
0x36c: {  	v0 =	vadd.f32 v1, v0  }
0x36d: {  	v1 =	vld [tilespmem:s20+$0x1020]  }
0x36e: {  	v0 =	vadd.f32 v2, v0  }
0x36f: {  	v2 =	vld [tilespmem:s20+$0x1030]  }
0x370: {  	v0 =	vadd.f32 v3, v0  }
0x371: {  	v3 =	vld [tilespmem:s20+$0x1040]  }
0x372: {  	v0 =	vadd.f32 v1, v0  }
0x373: {  	v1 =	vld [tilespmem:s20+$0x1050]  }
0x374: {  	v0 =	vadd.f32 v2, v0  }
0x375: {  	v2 =	vld [tilespmem:s20+$0x1060]  }
0x376: {  	v0 =	vadd.f32 v3, v0  }
0x377: {  	v3 =	vld [tilespmem:s20+$0x1070]  }
0x378: {  	v0 =	vadd.f32 v1, v0  }
0x379: {  	v1 =	vld [tilespmem:s20+$0x1400]  }
0x37a: {  	v0 =	vadd.f32 v2, v0  }
0x37b: {  	v2 =	vld [tilespmem:s20+$0x1410]  }
0x37c: {  	v0 =	vadd.f32 v3, v0  }
0x37d: {  	v3 =	vld [tilespmem:s20+$0x1420]  }
0x37e: {  	v0 =	vadd.f32 v1, v0  }
0x37f: {  	v1 =	vld [tilespmem:s20+$0x1430]  }
0x380: {  	v0 =	vadd.f32 v2, v0  }
0x381: {  	v2 =	vld [tilespmem:s20+$0x1440]  }
0x382: {  	v0 =	vadd.f32 v3, v0  }
0x383: {  	v3 =	vld [tilespmem:s20+$0x1450]  }
0x384: {  	v0 =	vadd.f32 v1, v0  }
0x385: {  	v1 =	vld [tilespmem:s20+$0x1460]  }
0x386: {  	v0 =	vadd.f32 v2, v0  }
0x387: {  	v2 =	vld [tilespmem:s20+$0x1470]  }
0x388: {  	v0 =	vadd.f32 v3, v0  }
0x389: {  	v3 =	vld [tilespmem:s20+$0x1800]  }
0x38a: {  	v0 =	vadd.f32 v1, v0  }
0x38b: {  	v1 =	vld [tilespmem:s20+$0x1810]  }
0x38c: {  	v0 =	vadd.f32 v2, v0  }
0x38d: {  	v2 =	vld [tilespmem:s20+$0x1820]  }
0x38e: {  	v0 =	vadd.f32 v3, v0  }
0x38f: {  	v3 =	vld [tilespmem:s20+$0x1830]  }
0x390: {  	v0 =	vadd.f32 v1, v0  }
0x391: {  	v1 =	vld [tilespmem:s20+$0x1840]  }
0x392: {  	v0 =	vadd.f32 v2, v0  }
0x393: {  	v2 =	vld [tilespmem:s20+$0x1850]  }
0x394: {  	v0 =	vadd.f32 v3, v0  }
0x395: {  	v3 =	vld [tilespmem:s20+$0x1860]  }
0x396: {  	v0 =	vadd.f32 v1, v0  }
0x397: {  	v1 =	vld [tilespmem:s20+$0x1870]  }
0x398: {  	v0 =	vadd.f32 v2, v0  }
0x399: {  	v2 =	vld [tilespmem:s20+$0x1C00]  }
0x39a: {  	v0 =	vadd.f32 v3, v0  }
0x39b: {  	v3 =	vld [tilespmem:s20+$0x1C10]  }
0x39c: {  	v0 =	vadd.f32 v1, v0  }
0x39d: {  	v1 =	vld [tilespmem:s20+$0x1C20]  }
0x39e: {  	v0 =	vadd.f32 v2, v0  }
0x39f: {  	v2 =	vld [tilespmem:s20+$0x1C30]  }
0x3a0: {  	v0 =	vadd.f32 v3, v0  }
0x3a1: {  	v3 =	vld [tilespmem:s20+$0x1C40]  }
0x3a2: {  	v0 =	vadd.f32 v1, v0  }
0x3a3: {  	v1 =	vld [tilespmem:s20+$0x1C50]  }
0x3a4: {  	v0 =	vadd.f32 v2, v0  }
0x3a5: {  	v2 =	vld [tilespmem:s20+$0x1C60]  }
0x3a6: {  	v0 =	vadd.f32 v3, v0  }
0x3a7: {  	v3 =	vld [tilespmem:s20+$0x1C70]  }
0x3a8: {  	v0 =	vadd.f32 v1, v0;
	_ =	sdelay $0x1  }
0x3a9: {  	v0 =	vadd.f32 v2, v0  }
0x3aa: {  	s31 =	simm.s32 $0x400  }
0x3ab: {  	s22 =	sand.u32 $0x6000, s31;
	s20 =	simm.s32 $0x80;
	v0 =	vadd.f32 v3, v0  }
0x3ac: {  	s24 =	sand.u32 $0x1F0, s19;
	s21 =	simm.s32 $0x800;
	s23 =	sand.u32 $0x380, s20  }
.LBB2_6:
0x3ad: {  	p0 =	sne.s32 s21, $0x7C00;
	s22 =	sor.u32 s23, s22;
	[tilespmem:s24+$0x10400] =	vst v0  }
0x3ae: {  	v0 =	vld [tilespmem:s22+$0x0];
	_ =	sdelay $0x1  }
0x3af: {  	v1 =	vld [tilespmem:s22+$0x10];
	_ =	sdelay $0x1  }
0x3b0: {  	v2 =	vld [tilespmem:s22+$0x20]  }
0x3b1: {  	v0 =	vadd.f32 $0.0e+00, v0  }
0x3b2: {  	v3 =	vld [tilespmem:s22+$0x30]  }
0x3b3: {  	v0 =	vadd.f32 v1, v0  }
0x3b4: {  	v1 =	vld [tilespmem:s22+$0x40]  }
0x3b5: {  	v0 =	vadd.f32 v2, v0  }
0x3b6: {  	v2 =	vld [tilespmem:s22+$0x50]  }
0x3b7: {  	v0 =	vadd.f32 v3, v0  }
0x3b8: {  	v3 =	vld [tilespmem:s22+$0x60]  }
0x3b9: {  	v0 =	vadd.f32 v1, v0  }
0x3ba: {  	v1 =	vld [tilespmem:s22+$0x70]  }
0x3bb: {  	v0 =	vadd.f32 v2, v0  }
0x3bc: {  	v2 =	vld [tilespmem:s22+$0x400]  }
0x3bd: {  	v0 =	vadd.f32 v3, v0  }
0x3be: {  	v3 =	vld [tilespmem:s22+$0x410]  }
0x3bf: {  	v0 =	vadd.f32 v1, v0  }
0x3c0: {  	v1 =	vld [tilespmem:s22+$0x420]  }
0x3c1: {  	v0 =	vadd.f32 v2, v0  }
0x3c2: {  	v2 =	vld [tilespmem:s22+$0x430]  }
0x3c3: {  	v0 =	vadd.f32 v3, v0  }
0x3c4: {  	v3 =	vld [tilespmem:s22+$0x440]  }
0x3c5: {  	v0 =	vadd.f32 v1, v0  }
0x3c6: {  	v1 =	vld [tilespmem:s22+$0x450]  }
0x3c7: {  	v0 =	vadd.f32 v2, v0  }
0x3c8: {  	v2 =	vld [tilespmem:s22+$0x460]  }
0x3c9: {  	v0 =	vadd.f32 v3, v0  }
0x3ca: {  	v3 =	vld [tilespmem:s22+$0x470]  }
0x3cb: {  	v0 =	vadd.f32 v1, v0  }
0x3cc: {  	v1 =	vld [tilespmem:s22+$0x800]  }
0x3cd: {  	v0 =	vadd.f32 v2, v0  }
0x3ce: {  	v2 =	vld [tilespmem:s22+$0x810]  }
0x3cf: {  	v0 =	vadd.f32 v3, v0  }
0x3d0: {  	v3 =	vld [tilespmem:s22+$0x820]  }
0x3d1: {  	v0 =	vadd.f32 v1, v0  }
0x3d2: {  	v1 =	vld [tilespmem:s22+$0x830]  }
0x3d3: {  	v0 =	vadd.f32 v2, v0  }
0x3d4: {  	v2 =	vld [tilespmem:s22+$0x840]  }
0x3d5: {  	v0 =	vadd.f32 v3, v0  }
0x3d6: {  	v3 =	vld [tilespmem:s22+$0x850]  }
0x3d7: {  	v0 =	vadd.f32 v1, v0  }
0x3d8: {  	v1 =	vld [tilespmem:s22+$0x860]  }
0x3d9: {  	v0 =	vadd.f32 v2, v0  }
0x3da: {  	v2 =	vld [tilespmem:s22+$0x870]  }
0x3db: {  	v0 =	vadd.f32 v3, v0  }
0x3dc: {  	v3 =	vld [tilespmem:s22+$0xC00]  }
0x3dd: {  	v0 =	vadd.f32 v1, v0  }
0x3de: {  	v1 =	vld [tilespmem:s22+$0xC10]  }
0x3df: {  	v0 =	vadd.f32 v2, v0  }
0x3e0: {  	v2 =	vld [tilespmem:s22+$0xC20]  }
0x3e1: {  	v0 =	vadd.f32 v3, v0  }
0x3e2: {  	v3 =	vld [tilespmem:s22+$0xC30]  }
0x3e3: {  	v0 =	vadd.f32 v1, v0  }
0x3e4: {  	v1 =	vld [tilespmem:s22+$0xC40]  }
0x3e5: {  	v0 =	vadd.f32 v2, v0  }
0x3e6: {  	v2 =	vld [tilespmem:s22+$0xC50]  }
0x3e7: {  	v0 =	vadd.f32 v3, v0  }
0x3e8: {  	v3 =	vld [tilespmem:s22+$0xC60]  }
0x3e9: {  	v0 =	vadd.f32 v1, v0  }
0x3ea: {  	v1 =	vld [tilespmem:s22+$0xC70]  }
0x3eb: {  	v0 =	vadd.f32 v2, v0  }
0x3ec: {  	v2 =	vld [tilespmem:s22+$0x1000]  }
0x3ed: {  	v0 =	vadd.f32 v3, v0  }
0x3ee: {  	v3 =	vld [tilespmem:s22+$0x1010]  }
0x3ef: {  	v0 =	vadd.f32 v1, v0  }
0x3f0: {  	v1 =	vld [tilespmem:s22+$0x1020]  }
0x3f1: {  	v0 =	vadd.f32 v2, v0  }
0x3f2: {  	v2 =	vld [tilespmem:s22+$0x1030]  }
0x3f3: {  	v0 =	vadd.f32 v3, v0  }
0x3f4: {  	v3 =	vld [tilespmem:s22+$0x1040]  }
0x3f5: {  	v0 =	vadd.f32 v1, v0  }
0x3f6: {  	v1 =	vld [tilespmem:s22+$0x1050]  }
0x3f7: {  	v0 =	vadd.f32 v2, v0  }
0x3f8: {  	v2 =	vld [tilespmem:s22+$0x1060]  }
0x3f9: {  	v0 =	vadd.f32 v3, v0  }
0x3fa: {  	v3 =	vld [tilespmem:s22+$0x1070]  }
0x3fb: {  	v0 =	vadd.f32 v1, v0  }
0x3fc: {  	v1 =	vld [tilespmem:s22+$0x1400]  }
0x3fd: {  	v0 =	vadd.f32 v2, v0  }
0x3fe: {  	v2 =	vld [tilespmem:s22+$0x1410]  }
0x3ff: {  	v0 =	vadd.f32 v3, v0  }
0x400: {  	v3 =	vld [tilespmem:s22+$0x1420]  }
0x401: {  	v0 =	vadd.f32 v1, v0  }
0x402: {  	v1 =	vld [tilespmem:s22+$0x1430]  }
0x403: {  	v0 =	vadd.f32 v2, v0  }
0x404: {  	v2 =	vld [tilespmem:s22+$0x1440]  }
0x405: {  	v0 =	vadd.f32 v3, v0  }
0x406: {  	v3 =	vld [tilespmem:s22+$0x1450]  }
0x407: {  	v0 =	vadd.f32 v1, v0  }
0x408: {  	v1 =	vld [tilespmem:s22+$0x1460]  }
0x409: {  	v0 =	vadd.f32 v2, v0  }
0x40a: {  	v2 =	vld [tilespmem:s22+$0x1470]  }
0x40b: {  	v0 =	vadd.f32 v3, v0  }
0x40c: {  	v3 =	vld [tilespmem:s22+$0x1800]  }
0x40d: {  	v0 =	vadd.f32 v1, v0  }
0x40e: {  	v1 =	vld [tilespmem:s22+$0x1810]  }
0x40f: {  	v0 =	vadd.f32 v2, v0  }
0x410: {  	v2 =	vld [tilespmem:s22+$0x1820]  }
0x411: {  	v0 =	vadd.f32 v3, v0  }
0x412: {  	v3 =	vld [tilespmem:s22+$0x1830]  }
0x413: {  	v0 =	vadd.f32 v1, v0  }
0x414: {  	v1 =	vld [tilespmem:s22+$0x1840]  }
0x415: {  	v0 =	vadd.f32 v2, v0  }
0x416: {  	v2 =	vld [tilespmem:s22+$0x1850]  }
0x417: {  	v0 =	vadd.f32 v3, v0  }
0x418: {  	v3 =	vld [tilespmem:s22+$0x1860]  }
0x419: {  	v0 =	vadd.f32 v1, v0  }
0x41a: {  	v1 =	vld [tilespmem:s22+$0x1870]  }
0x41b: {  	v0 =	vadd.f32 v2, v0  }
0x41c: {  	v2 =	vld [tilespmem:s22+$0x1C00]  }
0x41d: {  	v0 =	vadd.f32 v3, v0  }
0x41e: {  	v3 =	vld [tilespmem:s22+$0x1C10]  }
0x41f: {  	v0 =	vadd.f32 v1, v0  }
0x420: {  	v1 =	vld [tilespmem:s22+$0x1C20]  }
0x421: {  	v0 =	vadd.f32 v2, v0  }
0x422: {  	v2 =	vld [tilespmem:s22+$0x1C30]  }
0x423: {  	v0 =	vadd.f32 v3, v0  }
0x424: {  	v3 =	vld [tilespmem:s22+$0x1C40]  }
0x425: {  	v0 =	vadd.f32 v1, v0  }
0x426: {  	v1 =	vld [tilespmem:s22+$0x1C50]  }
0x427: {  	v0 =	vadd.f32 v2, v0  }
0x428: {  	v2 =	vld [tilespmem:s22+$0x1C60]  }
0x429: {  	v0 =	vadd.f32 v3, v0  }
0x42a: {  	v3 =	vld [tilespmem:s22+$0x1C70]  }
0x42b: {  	v0 =	vadd.f32 v1, v0  }
.Ltmp2:
0x42c: {  	(pc) =	sbr.rel @p0 .LBB2_6-.Ltmp2, $3  }
0x42d: {  	v0 =	vadd.f32 v2, v0;
	_ =	sdelay $0x1  }
0x42e: {  	s20 =	sadd.s32 $0x80, s20;
	s19 =	sadd.s32 $0x10, s19;
	s22 =	sand.u32 $0x6000, s21;
	v0 =	vadd.f32 v3, v0  }
0x42f: {  	s23 =	sand.u32 $0x380, s20;
	s24 =	sand.u32 $0x1F0, s19;
	s21 =	sadd.s32 $0x400, s21  }
0x430: {  	s20 =	sor.u32 s23, s22;
	[tilespmem:s24+$0x10400] =	vst v0  }
0x431: {  	v0 =	vld [tilespmem:s20+$0x0];
	_ =	sdelay $0x1  }
0x432: {  	v1 =	vld [tilespmem:s20+$0x10];
	_ =	sdelay $0x1  }
0x433: {  	v2 =	vld [tilespmem:s20+$0x20]  }
0x434: {  	v0 =	vadd.f32 $0.0e+00, v0  }
0x435: {  	v3 =	vld [tilespmem:s20+$0x30]  }
0x436: {  	v0 =	vadd.f32 v1, v0  }
0x437: {  	v1 =	vld [tilespmem:s20+$0x40]  }
0x438: {  	v0 =	vadd.f32 v2, v0  }
0x439: {  	v2 =	vld [tilespmem:s20+$0x50]  }
0x43a: {  	v0 =	vadd.f32 v3, v0  }
0x43b: {  	v3 =	vld [tilespmem:s20+$0x60]  }
0x43c: {  	v0 =	vadd.f32 v1, v0  }
0x43d: {  	v1 =	vld [tilespmem:s20+$0x70]  }
0x43e: {  	v0 =	vadd.f32 v2, v0  }
0x43f: {  	v2 =	vld [tilespmem:s20+$0x400]  }
0x440: {  	v0 =	vadd.f32 v3, v0  }
0x441: {  	v3 =	vld [tilespmem:s20+$0x410]  }
0x442: {  	v0 =	vadd.f32 v1, v0  }
0x443: {  	v1 =	vld [tilespmem:s20+$0x420]  }
0x444: {  	v0 =	vadd.f32 v2, v0  }
0x445: {  	v2 =	vld [tilespmem:s20+$0x430]  }
0x446: {  	v0 =	vadd.f32 v3, v0  }
0x447: {  	v3 =	vld [tilespmem:s20+$0x440]  }
0x448: {  	v0 =	vadd.f32 v1, v0  }
0x449: {  	v1 =	vld [tilespmem:s20+$0x450]  }
0x44a: {  	v0 =	vadd.f32 v2, v0  }
0x44b: {  	v2 =	vld [tilespmem:s20+$0x460]  }
0x44c: {  	v0 =	vadd.f32 v3, v0  }
0x44d: {  	v3 =	vld [tilespmem:s20+$0x470]  }
0x44e: {  	v0 =	vadd.f32 v1, v0  }
0x44f: {  	v1 =	vld [tilespmem:s20+$0x800]  }
0x450: {  	v0 =	vadd.f32 v2, v0  }
0x451: {  	v2 =	vld [tilespmem:s20+$0x810]  }
0x452: {  	v0 =	vadd.f32 v3, v0  }
0x453: {  	v3 =	vld [tilespmem:s20+$0x820]  }
0x454: {  	v0 =	vadd.f32 v1, v0  }
0x455: {  	v1 =	vld [tilespmem:s20+$0x830]  }
0x456: {  	v0 =	vadd.f32 v2, v0  }
0x457: {  	v2 =	vld [tilespmem:s20+$0x840]  }
0x458: {  	v0 =	vadd.f32 v3, v0  }
0x459: {  	v3 =	vld [tilespmem:s20+$0x850]  }
0x45a: {  	v0 =	vadd.f32 v1, v0  }
0x45b: {  	v1 =	vld [tilespmem:s20+$0x860]  }
0x45c: {  	v0 =	vadd.f32 v2, v0  }
0x45d: {  	v2 =	vld [tilespmem:s20+$0x870]  }
0x45e: {  	v0 =	vadd.f32 v3, v0  }
0x45f: {  	v3 =	vld [tilespmem:s20+$0xC00]  }
0x460: {  	v0 =	vadd.f32 v1, v0  }
0x461: {  	v1 =	vld [tilespmem:s20+$0xC10]  }
0x462: {  	v0 =	vadd.f32 v2, v0  }
0x463: {  	v2 =	vld [tilespmem:s20+$0xC20]  }
0x464: {  	v0 =	vadd.f32 v3, v0  }
0x465: {  	v3 =	vld [tilespmem:s20+$0xC30]  }
0x466: {  	v0 =	vadd.f32 v1, v0  }
0x467: {  	v1 =	vld [tilespmem:s20+$0xC40]  }
0x468: {  	v0 =	vadd.f32 v2, v0  }
0x469: {  	v2 =	vld [tilespmem:s20+$0xC50]  }
0x46a: {  	v0 =	vadd.f32 v3, v0  }
0x46b: {  	v3 =	vld [tilespmem:s20+$0xC60]  }
0x46c: {  	v0 =	vadd.f32 v1, v0  }
0x46d: {  	v1 =	vld [tilespmem:s20+$0xC70]  }
0x46e: {  	v0 =	vadd.f32 v2, v0  }
0x46f: {  	v2 =	vld [tilespmem:s20+$0x1000]  }
0x470: {  	v0 =	vadd.f32 v3, v0  }
0x471: {  	v3 =	vld [tilespmem:s20+$0x1010]  }
0x472: {  	v0 =	vadd.f32 v1, v0  }
0x473: {  	v1 =	vld [tilespmem:s20+$0x1020]  }
0x474: {  	v0 =	vadd.f32 v2, v0  }
0x475: {  	v2 =	vld [tilespmem:s20+$0x1030]  }
0x476: {  	v0 =	vadd.f32 v3, v0  }
0x477: {  	v3 =	vld [tilespmem:s20+$0x1040]  }
0x478: {  	v0 =	vadd.f32 v1, v0  }
0x479: {  	v1 =	vld [tilespmem:s20+$0x1050]  }
0x47a: {  	v0 =	vadd.f32 v2, v0  }
0x47b: {  	v2 =	vld [tilespmem:s20+$0x1060]  }
0x47c: {  	v0 =	vadd.f32 v3, v0  }
0x47d: {  	v3 =	vld [tilespmem:s20+$0x1070]  }
0x47e: {  	v0 =	vadd.f32 v1, v0  }
0x47f: {  	v1 =	vld [tilespmem:s20+$0x1400]  }
0x480: {  	v0 =	vadd.f32 v2, v0  }
0x481: {  	v2 =	vld [tilespmem:s20+$0x1410]  }
0x482: {  	v0 =	vadd.f32 v3, v0  }
0x483: {  	v3 =	vld [tilespmem:s20+$0x1420]  }
0x484: {  	v0 =	vadd.f32 v1, v0  }
0x485: {  	v1 =	vld [tilespmem:s20+$0x1430]  }
0x486: {  	v0 =	vadd.f32 v2, v0  }
0x487: {  	v2 =	vld [tilespmem:s20+$0x1440]  }
0x488: {  	v0 =	vadd.f32 v3, v0  }
0x489: {  	v3 =	vld [tilespmem:s20+$0x1450]  }
0x48a: {  	v0 =	vadd.f32 v1, v0  }
0x48b: {  	v1 =	vld [tilespmem:s20+$0x1460]  }
0x48c: {  	v0 =	vadd.f32 v2, v0  }
0x48d: {  	v2 =	vld [tilespmem:s20+$0x1470]  }
0x48e: {  	v0 =	vadd.f32 v3, v0  }
0x48f: {  	v3 =	vld [tilespmem:s20+$0x1800]  }
0x490: {  	v0 =	vadd.f32 v1, v0  }
0x491: {  	v1 =	vld [tilespmem:s20+$0x1810]  }
0x492: {  	v0 =	vadd.f32 v2, v0  }
0x493: {  	v2 =	vld [tilespmem:s20+$0x1820]  }
0x494: {  	v0 =	vadd.f32 v3, v0  }
0x495: {  	v3 =	vld [tilespmem:s20+$0x1830]  }
0x496: {  	v0 =	vadd.f32 v1, v0  }
0x497: {  	v1 =	vld [tilespmem:s20+$0x1840]  }
0x498: {  	v0 =	vadd.f32 v2, v0  }
0x499: {  	v2 =	vld [tilespmem:s20+$0x1850]  }
0x49a: {  	v0 =	vadd.f32 v3, v0  }
0x49b: {  	v3 =	vld [tilespmem:s20+$0x1860]  }
0x49c: {  	v0 =	vadd.f32 v1, v0  }
0x49d: {  	v1 =	vld [tilespmem:s20+$0x1870]  }
0x49e: {  	v0 =	vadd.f32 v2, v0  }
0x49f: {  	v2 =	vld [tilespmem:s20+$0x1C00]  }
0x4a0: {  	v0 =	vadd.f32 v3, v0  }
0x4a1: {  	v3 =	vld [tilespmem:s20+$0x1C10]  }
0x4a2: {  	v0 =	vadd.f32 v1, v0  }
0x4a3: {  	v1 =	vld [tilespmem:s20+$0x1C20]  }
0x4a4: {  	v0 =	vadd.f32 v2, v0  }
0x4a5: {  	v2 =	vld [tilespmem:s20+$0x1C30]  }
0x4a6: {  	v0 =	vadd.f32 v3, v0  }
0x4a7: {  	v3 =	vld [tilespmem:s20+$0x1C40]  }
0x4a8: {  	v0 =	vadd.f32 v1, v0  }
0x4a9: {  	v1 =	vld [tilespmem:s20+$0x1C50]  }
0x4aa: {  	v0 =	vadd.f32 v2, v0  }
0x4ab: {  	v2 =	vld [tilespmem:s20+$0x1C60]  }
0x4ac: {  	v0 =	vadd.f32 v3, v0  }
0x4ad: {  	v3 =	vld [tilespmem:s20+$0x1C70]  }
0x4ae: {  	v0 =	vadd.f32 v1, v0;
	_ =	sdelay $0x1  }
0x4af: {  	v0 =	vadd.f32 v2, v0;
	_ =	sdelay $0x1  }
0x4b0: {  	s19 =	sadd.s32 $0x10, s19;
	v0 =	vadd.f32 v3, v0  }
0x4b1: {  	s19 =	sand.u32 $0x1F0, s19  }
0x4b2: {  	[tilespmem:s19+$0x10400] =	vst v0;
	s19 =	simm.s32 $0x0  }
0x4b3: {  	[tilespmem:s19], [sflag:$0x1] =	stream.linear.gather [hbm4b:s7+s19], $0x8000, $0x38;
	[tilespmem:$0x11000] =	vst v63  }
0x4b4: {  	_ =	swait.ge [sflag:s15], $0x8000  }
0x4b5: {  	s30 =	sand.u32 $0x6000, s19;
	s21 =	sand.u32 $0x380, s19;
	[sflag:s15] =	ssyncset.done $0x0  }
0x4b6: {  	s20 =	sor.u32 s21, s30;
	[sflag:s15] =	ssyncadd.s32 $0xFFFF8000  }
0x4b7: {  	v0 =	vld [tilespmem:s20+$0x8000];
	_ =	sdelay $0x1  }
0x4b8: {  	v1 =	vld [tilespmem:s20+$0x8010];
	_ =	sdelay $0x1  }
0x4b9: {  	v2 =	vld [tilespmem:s20+$0x8020]  }
0x4ba: {  	v0 =	vadd.f32 $0.0e+00, v0  }
0x4bb: {  	v3 =	vld [tilespmem:s20+$0x8030]  }
0x4bc: {  	v0 =	vadd.f32 v1, v0  }
0x4bd: {  	v1 =	vld [tilespmem:s20+$0x8040]  }
0x4be: {  	v0 =	vadd.f32 v2, v0  }
0x4bf: {  	v2 =	vld [tilespmem:s20+$0x8050]  }
0x4c0: {  	v0 =	vadd.f32 v3, v0  }
0x4c1: {  	v3 =	vld [tilespmem:s20+$0x8060]  }
0x4c2: {  	v0 =	vadd.f32 v1, v0  }
0x4c3: {  	v1 =	vld [tilespmem:s20+$0x8070]  }
0x4c4: {  	v0 =	vadd.f32 v2, v0  }
0x4c5: {  	v2 =	vld [tilespmem:s20+$0x8400]  }
0x4c6: {  	v0 =	vadd.f32 v3, v0  }
0x4c7: {  	v3 =	vld [tilespmem:s20+$0x8410]  }
0x4c8: {  	v0 =	vadd.f32 v1, v0  }
0x4c9: {  	v1 =	vld [tilespmem:s20+$0x8420]  }
0x4ca: {  	v0 =	vadd.f32 v2, v0  }
0x4cb: {  	v2 =	vld [tilespmem:s20+$0x8430]  }
0x4cc: {  	v0 =	vadd.f32 v3, v0  }
0x4cd: {  	v3 =	vld [tilespmem:s20+$0x8440]  }
0x4ce: {  	v0 =	vadd.f32 v1, v0  }
0x4cf: {  	v1 =	vld [tilespmem:s20+$0x8450]  }
0x4d0: {  	v0 =	vadd.f32 v2, v0  }
0x4d1: {  	v2 =	vld [tilespmem:s20+$0x8460]  }
0x4d2: {  	v0 =	vadd.f32 v3, v0  }
0x4d3: {  	v3 =	vld [tilespmem:s20+$0x8470]  }
0x4d4: {  	v0 =	vadd.f32 v1, v0  }
0x4d5: {  	v1 =	vld [tilespmem:s20+$0x8800]  }
0x4d6: {  	v0 =	vadd.f32 v2, v0  }
0x4d7: {  	v2 =	vld [tilespmem:s20+$0x8810]  }
0x4d8: {  	v0 =	vadd.f32 v3, v0  }
0x4d9: {  	v3 =	vld [tilespmem:s20+$0x8820]  }
0x4da: {  	v0 =	vadd.f32 v1, v0  }
0x4db: {  	v1 =	vld [tilespmem:s20+$0x8830]  }
0x4dc: {  	v0 =	vadd.f32 v2, v0  }
0x4dd: {  	v2 =	vld [tilespmem:s20+$0x8840]  }
0x4de: {  	v0 =	vadd.f32 v3, v0  }
0x4df: {  	v3 =	vld [tilespmem:s20+$0x8850]  }
0x4e0: {  	v0 =	vadd.f32 v1, v0  }
0x4e1: {  	v1 =	vld [tilespmem:s20+$0x8860]  }
0x4e2: {  	v0 =	vadd.f32 v2, v0  }
0x4e3: {  	v2 =	vld [tilespmem:s20+$0x8870]  }
0x4e4: {  	v0 =	vadd.f32 v3, v0  }
0x4e5: {  	v3 =	vld [tilespmem:s20+$0x8C00]  }
0x4e6: {  	v0 =	vadd.f32 v1, v0  }
0x4e7: {  	v1 =	vld [tilespmem:s20+$0x8C10]  }
0x4e8: {  	v0 =	vadd.f32 v2, v0  }
0x4e9: {  	v2 =	vld [tilespmem:s20+$0x8C20]  }
0x4ea: {  	v0 =	vadd.f32 v3, v0  }
0x4eb: {  	v3 =	vld [tilespmem:s20+$0x8C30]  }
0x4ec: {  	v0 =	vadd.f32 v1, v0  }
0x4ed: {  	v1 =	vld [tilespmem:s20+$0x8C40]  }
0x4ee: {  	v0 =	vadd.f32 v2, v0  }
0x4ef: {  	v2 =	vld [tilespmem:s20+$0x8C50]  }
0x4f0: {  	v0 =	vadd.f32 v3, v0  }
0x4f1: {  	v3 =	vld [tilespmem:s20+$0x8C60]  }
0x4f2: {  	v0 =	vadd.f32 v1, v0  }
0x4f3: {  	v1 =	vld [tilespmem:s20+$0x8C70]  }
0x4f4: {  	v0 =	vadd.f32 v2, v0  }
0x4f5: {  	v2 =	vld [tilespmem:s20+$0x9000]  }
0x4f6: {  	v0 =	vadd.f32 v3, v0  }
0x4f7: {  	v3 =	vld [tilespmem:s20+$0x9010]  }
0x4f8: {  	v0 =	vadd.f32 v1, v0  }
0x4f9: {  	v1 =	vld [tilespmem:s20+$0x9020]  }
0x4fa: {  	v0 =	vadd.f32 v2, v0  }
0x4fb: {  	v2 =	vld [tilespmem:s20+$0x9030]  }
0x4fc: {  	v0 =	vadd.f32 v3, v0  }
0x4fd: {  	v3 =	vld [tilespmem:s20+$0x9040]  }
0x4fe: {  	v0 =	vadd.f32 v1, v0  }
0x4ff: {  	v1 =	vld [tilespmem:s20+$0x9050]  }
0x500: {  	v0 =	vadd.f32 v2, v0  }
0x501: {  	v2 =	vld [tilespmem:s20+$0x9060]  }
0x502: {  	v0 =	vadd.f32 v3, v0  }
0x503: {  	v3 =	vld [tilespmem:s20+$0x9070]  }
0x504: {  	v0 =	vadd.f32 v1, v0  }
0x505: {  	v1 =	vld [tilespmem:s20+$0x9400]  }
0x506: {  	v0 =	vadd.f32 v2, v0  }
0x507: {  	v2 =	vld [tilespmem:s20+$0x9410]  }
0x508: {  	v0 =	vadd.f32 v3, v0  }
0x509: {  	v3 =	vld [tilespmem:s20+$0x9420]  }
0x50a: {  	v0 =	vadd.f32 v1, v0  }
0x50b: {  	v1 =	vld [tilespmem:s20+$0x9430]  }
0x50c: {  	v0 =	vadd.f32 v2, v0  }
0x50d: {  	v2 =	vld [tilespmem:s20+$0x9440]  }
0x50e: {  	v0 =	vadd.f32 v3, v0  }
0x50f: {  	v3 =	vld [tilespmem:s20+$0x9450]  }
0x510: {  	v0 =	vadd.f32 v1, v0  }
0x511: {  	v1 =	vld [tilespmem:s20+$0x9460]  }
0x512: {  	v0 =	vadd.f32 v2, v0  }
0x513: {  	v2 =	vld [tilespmem:s20+$0x9470]  }
0x514: {  	v0 =	vadd.f32 v3, v0  }
0x515: {  	v3 =	vld [tilespmem:s20+$0x9800]  }
0x516: {  	v0 =	vadd.f32 v1, v0  }
0x517: {  	v1 =	vld [tilespmem:s20+$0x9810]  }
0x518: {  	v0 =	vadd.f32 v2, v0  }
0x519: {  	v2 =	vld [tilespmem:s20+$0x9820]  }
0x51a: {  	v0 =	vadd.f32 v3, v0  }
0x51b: {  	v3 =	vld [tilespmem:s20+$0x9830]  }
0x51c: {  	v0 =	vadd.f32 v1, v0  }
0x51d: {  	v1 =	vld [tilespmem:s20+$0x9840]  }
0x51e: {  	v0 =	vadd.f32 v2, v0  }
0x51f: {  	v2 =	vld [tilespmem:s20+$0x9850]  }
0x520: {  	v0 =	vadd.f32 v3, v0  }
0x521: {  	v3 =	vld [tilespmem:s20+$0x9860]  }
0x522: {  	v0 =	vadd.f32 v1, v0  }
0x523: {  	v1 =	vld [tilespmem:s20+$0x9870]  }
0x524: {  	v0 =	vadd.f32 v2, v0  }
0x525: {  	v2 =	vld [tilespmem:s20+$0x9C00]  }
0x526: {  	v0 =	vadd.f32 v3, v0  }
0x527: {  	v3 =	vld [tilespmem:s20+$0x9C10]  }
0x528: {  	v0 =	vadd.f32 v1, v0  }
0x529: {  	v1 =	vld [tilespmem:s20+$0x9C20]  }
0x52a: {  	v0 =	vadd.f32 v2, v0  }
0x52b: {  	v2 =	vld [tilespmem:s20+$0x9C30]  }
0x52c: {  	v0 =	vadd.f32 v3, v0  }
0x52d: {  	v3 =	vld [tilespmem:s20+$0x9C40]  }
0x52e: {  	v0 =	vadd.f32 v1, v0  }
0x52f: {  	v1 =	vld [tilespmem:s20+$0x9C50]  }
0x530: {  	v0 =	vadd.f32 v2, v0  }
0x531: {  	v2 =	vld [tilespmem:s20+$0x9C60]  }
0x532: {  	v0 =	vadd.f32 v3, v0  }
0x533: {  	v3 =	vld [tilespmem:s20+$0x9C70]  }
0x534: {  	v0 =	vadd.f32 v1, v0;
	_ =	sdelay $0x1  }
0x535: {  	v0 =	vadd.f32 v2, v0  }
0x536: {  	s31 =	simm.s32 $0x400  }
0x537: {  	s22 =	sand.u32 $0x6000, s31;
	s20 =	simm.s32 $0x80;
	v0 =	vadd.f32 v3, v0  }
0x538: {  	s24 =	sand.u32 $0x1F0, s19;
	s21 =	simm.s32 $0x800;
	s23 =	sand.u32 $0x380, s20  }
.LBB2_8:
0x539: {  	p0 =	sne.s32 s21, $0x7C00;
	s22 =	sor.u32 s23, s22;
	[tilespmem:s24+$0x10600] =	vst v0  }
0x53a: {  	v0 =	vld [tilespmem:s22+$0x8000];
	_ =	sdelay $0x1  }
0x53b: {  	v1 =	vld [tilespmem:s22+$0x8010];
	_ =	sdelay $0x1  }
0x53c: {  	v2 =	vld [tilespmem:s22+$0x8020]  }
0x53d: {  	v0 =	vadd.f32 $0.0e+00, v0  }
0x53e: {  	v3 =	vld [tilespmem:s22+$0x8030]  }
0x53f: {  	v0 =	vadd.f32 v1, v0  }
0x540: {  	v1 =	vld [tilespmem:s22+$0x8040]  }
0x541: {  	v0 =	vadd.f32 v2, v0  }
0x542: {  	v2 =	vld [tilespmem:s22+$0x8050]  }
0x543: {  	v0 =	vadd.f32 v3, v0  }
0x544: {  	v3 =	vld [tilespmem:s22+$0x8060]  }
0x545: {  	v0 =	vadd.f32 v1, v0  }
0x546: {  	v1 =	vld [tilespmem:s22+$0x8070]  }
0x547: {  	v0 =	vadd.f32 v2, v0  }
0x548: {  	v2 =	vld [tilespmem:s22+$0x8400]  }
0x549: {  	v0 =	vadd.f32 v3, v0  }
0x54a: {  	v3 =	vld [tilespmem:s22+$0x8410]  }
0x54b: {  	v0 =	vadd.f32 v1, v0  }
0x54c: {  	v1 =	vld [tilespmem:s22+$0x8420]  }
0x54d: {  	v0 =	vadd.f32 v2, v0  }
0x54e: {  	v2 =	vld [tilespmem:s22+$0x8430]  }
0x54f: {  	v0 =	vadd.f32 v3, v0  }
0x550: {  	v3 =	vld [tilespmem:s22+$0x8440]  }
0x551: {  	v0 =	vadd.f32 v1, v0  }
0x552: {  	v1 =	vld [tilespmem:s22+$0x8450]  }
0x553: {  	v0 =	vadd.f32 v2, v0  }
0x554: {  	v2 =	vld [tilespmem:s22+$0x8460]  }
0x555: {  	v0 =	vadd.f32 v3, v0  }
0x556: {  	v3 =	vld [tilespmem:s22+$0x8470]  }
0x557: {  	v0 =	vadd.f32 v1, v0  }
0x558: {  	v1 =	vld [tilespmem:s22+$0x8800]  }
0x559: {  	v0 =	vadd.f32 v2, v0  }
0x55a: {  	v2 =	vld [tilespmem:s22+$0x8810]  }
0x55b: {  	v0 =	vadd.f32 v3, v0  }
0x55c: {  	v3 =	vld [tilespmem:s22+$0x8820]  }
0x55d: {  	v0 =	vadd.f32 v1, v0  }
0x55e: {  	v1 =	vld [tilespmem:s22+$0x8830]  }
0x55f: {  	v0 =	vadd.f32 v2, v0  }
0x560: {  	v2 =	vld [tilespmem:s22+$0x8840]  }
0x561: {  	v0 =	vadd.f32 v3, v0  }
0x562: {  	v3 =	vld [tilespmem:s22+$0x8850]  }
0x563: {  	v0 =	vadd.f32 v1, v0  }
0x564: {  	v1 =	vld [tilespmem:s22+$0x8860]  }
0x565: {  	v0 =	vadd.f32 v2, v0  }
0x566: {  	v2 =	vld [tilespmem:s22+$0x8870]  }
0x567: {  	v0 =	vadd.f32 v3, v0  }
0x568: {  	v3 =	vld [tilespmem:s22+$0x8C00]  }
0x569: {  	v0 =	vadd.f32 v1, v0  }
0x56a: {  	v1 =	vld [tilespmem:s22+$0x8C10]  }
0x56b: {  	v0 =	vadd.f32 v2, v0  }
0x56c: {  	v2 =	vld [tilespmem:s22+$0x8C20]  }
0x56d: {  	v0 =	vadd.f32 v3, v0  }
0x56e: {  	v3 =	vld [tilespmem:s22+$0x8C30]  }
0x56f: {  	v0 =	vadd.f32 v1, v0  }
0x570: {  	v1 =	vld [tilespmem:s22+$0x8C40]  }
0x571: {  	v0 =	vadd.f32 v2, v0  }
0x572: {  	v2 =	vld [tilespmem:s22+$0x8C50]  }
0x573: {  	v0 =	vadd.f32 v3, v0  }
0x574: {  	v3 =	vld [tilespmem:s22+$0x8C60]  }
0x575: {  	v0 =	vadd.f32 v1, v0  }
0x576: {  	v1 =	vld [tilespmem:s22+$0x8C70]  }
0x577: {  	v0 =	vadd.f32 v2, v0  }
0x578: {  	v2 =	vld [tilespmem:s22+$0x9000]  }
0x579: {  	v0 =	vadd.f32 v3, v0  }
0x57a: {  	v3 =	vld [tilespmem:s22+$0x9010]  }
0x57b: {  	v0 =	vadd.f32 v1, v0  }
0x57c: {  	v1 =	vld [tilespmem:s22+$0x9020]  }
0x57d: {  	v0 =	vadd.f32 v2, v0  }
0x57e: {  	v2 =	vld [tilespmem:s22+$0x9030]  }
0x57f: {  	v0 =	vadd.f32 v3, v0  }
0x580: {  	v3 =	vld [tilespmem:s22+$0x9040]  }
0x581: {  	v0 =	vadd.f32 v1, v0  }
0x582: {  	v1 =	vld [tilespmem:s22+$0x9050]  }
0x583: {  	v0 =	vadd.f32 v2, v0  }
0x584: {  	v2 =	vld [tilespmem:s22+$0x9060]  }
0x585: {  	v0 =	vadd.f32 v3, v0  }
0x586: {  	v3 =	vld [tilespmem:s22+$0x9070]  }
0x587: {  	v0 =	vadd.f32 v1, v0  }
0x588: {  	v1 =	vld [tilespmem:s22+$0x9400]  }
0x589: {  	v0 =	vadd.f32 v2, v0  }
0x58a: {  	v2 =	vld [tilespmem:s22+$0x9410]  }
0x58b: {  	v0 =	vadd.f32 v3, v0  }
0x58c: {  	v3 =	vld [tilespmem:s22+$0x9420]  }
0x58d: {  	v0 =	vadd.f32 v1, v0  }
0x58e: {  	v1 =	vld [tilespmem:s22+$0x9430]  }
0x58f: {  	v0 =	vadd.f32 v2, v0  }
0x590: {  	v2 =	vld [tilespmem:s22+$0x9440]  }
0x591: {  	v0 =	vadd.f32 v3, v0  }
0x592: {  	v3 =	vld [tilespmem:s22+$0x9450]  }
0x593: {  	v0 =	vadd.f32 v1, v0  }
0x594: {  	v1 =	vld [tilespmem:s22+$0x9460]  }
0x595: {  	v0 =	vadd.f32 v2, v0  }
0x596: {  	v2 =	vld [tilespmem:s22+$0x9470]  }
0x597: {  	v0 =	vadd.f32 v3, v0  }
0x598: {  	v3 =	vld [tilespmem:s22+$0x9800]  }
0x599: {  	v0 =	vadd.f32 v1, v0  }
0x59a: {  	v1 =	vld [tilespmem:s22+$0x9810]  }
0x59b: {  	v0 =	vadd.f32 v2, v0  }
0x59c: {  	v2 =	vld [tilespmem:s22+$0x9820]  }
0x59d: {  	v0 =	vadd.f32 v3, v0  }
0x59e: {  	v3 =	vld [tilespmem:s22+$0x9830]  }
0x59f: {  	v0 =	vadd.f32 v1, v0  }
0x5a0: {  	v1 =	vld [tilespmem:s22+$0x9840]  }
0x5a1: {  	v0 =	vadd.f32 v2, v0  }
0x5a2: {  	v2 =	vld [tilespmem:s22+$0x9850]  }
0x5a3: {  	v0 =	vadd.f32 v3, v0  }
0x5a4: {  	v3 =	vld [tilespmem:s22+$0x9860]  }
0x5a5: {  	v0 =	vadd.f32 v1, v0  }
0x5a6: {  	v1 =	vld [tilespmem:s22+$0x9870]  }
0x5a7: {  	v0 =	vadd.f32 v2, v0  }
0x5a8: {  	v2 =	vld [tilespmem:s22+$0x9C00]  }
0x5a9: {  	v0 =	vadd.f32 v3, v0  }
0x5aa: {  	v3 =	vld [tilespmem:s22+$0x9C10]  }
0x5ab: {  	v0 =	vadd.f32 v1, v0  }
0x5ac: {  	v1 =	vld [tilespmem:s22+$0x9C20]  }
0x5ad: {  	v0 =	vadd.f32 v2, v0  }
0x5ae: {  	v2 =	vld [tilespmem:s22+$0x9C30]  }
0x5af: {  	v0 =	vadd.f32 v3, v0  }
0x5b0: {  	v3 =	vld [tilespmem:s22+$0x9C40]  }
0x5b1: {  	v0 =	vadd.f32 v1, v0  }
0x5b2: {  	v1 =	vld [tilespmem:s22+$0x9C50]  }
0x5b3: {  	v0 =	vadd.f32 v2, v0  }
0x5b4: {  	v2 =	vld [tilespmem:s22+$0x9C60]  }
0x5b5: {  	v0 =	vadd.f32 v3, v0  }
0x5b6: {  	v3 =	vld [tilespmem:s22+$0x9C70]  }
0x5b7: {  	v0 =	vadd.f32 v1, v0  }
.Ltmp3:
0x5b8: {  	(pc) =	sbr.rel @p0 .LBB2_8-.Ltmp3, $3  }
0x5b9: {  	v0 =	vadd.f32 v2, v0;
	_ =	sdelay $0x1  }
0x5ba: {  	s20 =	sadd.s32 $0x80, s20;
	s19 =	sadd.s32 $0x10, s19;
	s22 =	sand.u32 $0x6000, s21;
	v0 =	vadd.f32 v3, v0  }
0x5bb: {  	s23 =	sand.u32 $0x380, s20;
	s24 =	sand.u32 $0x1F0, s19;
	s21 =	sadd.s32 $0x400, s21  }
0x5bc: {  	s20 =	sor.u32 s23, s22;
	[tilespmem:s24+$0x10600] =	vst v0  }
0x5bd: {  	v0 =	vld [tilespmem:s20+$0x8000];
	_ =	sdelay $0x1  }
0x5be: {  	v1 =	vld [tilespmem:s20+$0x8010];
	_ =	sdelay $0x1  }
0x5bf: {  	v2 =	vld [tilespmem:s20+$0x8020]  }
0x5c0: {  	v0 =	vadd.f32 $0.0e+00, v0  }
0x5c1: {  	v3 =	vld [tilespmem:s20+$0x8030]  }
0x5c2: {  	v0 =	vadd.f32 v1, v0  }
0x5c3: {  	v1 =	vld [tilespmem:s20+$0x8040]  }
0x5c4: {  	v0 =	vadd.f32 v2, v0  }
0x5c5: {  	v2 =	vld [tilespmem:s20+$0x8050]  }
0x5c6: {  	v0 =	vadd.f32 v3, v0  }
0x5c7: {  	v3 =	vld [tilespmem:s20+$0x8060]  }
0x5c8: {  	v0 =	vadd.f32 v1, v0  }
0x5c9: {  	v1 =	vld [tilespmem:s20+$0x8070]  }
0x5ca: {  	v0 =	vadd.f32 v2, v0  }
0x5cb: {  	v2 =	vld [tilespmem:s20+$0x8400]  }
0x5cc: {  	v0 =	vadd.f32 v3, v0  }
0x5cd: {  	v3 =	vld [tilespmem:s20+$0x8410]  }
0x5ce: {  	v0 =	vadd.f32 v1, v0  }
0x5cf: {  	v1 =	vld [tilespmem:s20+$0x8420]  }
0x5d0: {  	v0 =	vadd.f32 v2, v0  }
0x5d1: {  	v2 =	vld [tilespmem:s20+$0x8430]  }
0x5d2: {  	v0 =	vadd.f32 v3, v0  }
0x5d3: {  	v3 =	vld [tilespmem:s20+$0x8440]  }
0x5d4: {  	v0 =	vadd.f32 v1, v0  }
0x5d5: {  	v1 =	vld [tilespmem:s20+$0x8450]  }
0x5d6: {  	v0 =	vadd.f32 v2, v0  }
0x5d7: {  	v2 =	vld [tilespmem:s20+$0x8460]  }
0x5d8: {  	v0 =	vadd.f32 v3, v0  }
0x5d9: {  	v3 =	vld [tilespmem:s20+$0x8470]  }
0x5da: {  	v0 =	vadd.f32 v1, v0  }
0x5db: {  	v1 =	vld [tilespmem:s20+$0x8800]  }
0x5dc: {  	v0 =	vadd.f32 v2, v0  }
0x5dd: {  	v2 =	vld [tilespmem:s20+$0x8810]  }
0x5de: {  	v0 =	vadd.f32 v3, v0  }
0x5df: {  	v3 =	vld [tilespmem:s20+$0x8820]  }
0x5e0: {  	v0 =	vadd.f32 v1, v0  }
0x5e1: {  	v1 =	vld [tilespmem:s20+$0x8830]  }
0x5e2: {  	v0 =	vadd.f32 v2, v0  }
0x5e3: {  	v2 =	vld [tilespmem:s20+$0x8840]  }
0x5e4: {  	v0 =	vadd.f32 v3, v0  }
0x5e5: {  	v3 =	vld [tilespmem:s20+$0x8850]  }
0x5e6: {  	v0 =	vadd.f32 v1, v0  }
0x5e7: {  	v1 =	vld [tilespmem:s20+$0x8860]  }
0x5e8: {  	v0 =	vadd.f32 v2, v0  }
0x5e9: {  	v2 =	vld [tilespmem:s20+$0x8870]  }
0x5ea: {  	v0 =	vadd.f32 v3, v0  }
0x5eb: {  	v3 =	vld [tilespmem:s20+$0x8C00]  }
0x5ec: {  	v0 =	vadd.f32 v1, v0  }
0x5ed: {  	v1 =	vld [tilespmem:s20+$0x8C10]  }
0x5ee: {  	v0 =	vadd.f32 v2, v0  }
0x5ef: {  	v2 =	vld [tilespmem:s20+$0x8C20]  }
0x5f0: {  	v0 =	vadd.f32 v3, v0  }
0x5f1: {  	v3 =	vld [tilespmem:s20+$0x8C30]  }
0x5f2: {  	v0 =	vadd.f32 v1, v0  }
0x5f3: {  	v1 =	vld [tilespmem:s20+$0x8C40]  }
0x5f4: {  	v0 =	vadd.f32 v2, v0  }
0x5f5: {  	v2 =	vld [tilespmem:s20+$0x8C50]  }
0x5f6: {  	v0 =	vadd.f32 v3, v0  }
0x5f7: {  	v3 =	vld [tilespmem:s20+$0x8C60]  }
0x5f8: {  	v0 =	vadd.f32 v1, v0  }
0x5f9: {  	v1 =	vld [tilespmem:s20+$0x8C70]  }
0x5fa: {  	v0 =	vadd.f32 v2, v0  }
0x5fb: {  	v2 =	vld [tilespmem:s20+$0x9000]  }
0x5fc: {  	v0 =	vadd.f32 v3, v0  }
0x5fd: {  	v3 =	vld [tilespmem:s20+$0x9010]  }
0x5fe: {  	v0 =	vadd.f32 v1, v0  }
0x5ff: {  	v1 =	vld [tilespmem:s20+$0x9020]  }
0x600: {  	v0 =	vadd.f32 v2, v0  }
0x601: {  	v2 =	vld [tilespmem:s20+$0x9030]  }
0x602: {  	v0 =	vadd.f32 v3, v0  }
0x603: {  	v3 =	vld [tilespmem:s20+$0x9040]  }
0x604: {  	v0 =	vadd.f32 v1, v0  }
0x605: {  	v1 =	vld [tilespmem:s20+$0x9050]  }
0x606: {  	v0 =	vadd.f32 v2, v0  }
0x607: {  	v2 =	vld [tilespmem:s20+$0x9060]  }
0x608: {  	v0 =	vadd.f32 v3, v0  }
0x609: {  	v3 =	vld [tilespmem:s20+$0x9070]  }
0x60a: {  	v0 =	vadd.f32 v1, v0  }
0x60b: {  	v1 =	vld [tilespmem:s20+$0x9400]  }
0x60c: {  	v0 =	vadd.f32 v2, v0  }
0x60d: {  	v2 =	vld [tilespmem:s20+$0x9410]  }
0x60e: {  	v0 =	vadd.f32 v3, v0  }
0x60f: {  	v3 =	vld [tilespmem:s20+$0x9420]  }
0x610: {  	v0 =	vadd.f32 v1, v0  }
0x611: {  	v1 =	vld [tilespmem:s20+$0x9430]  }
0x612: {  	v0 =	vadd.f32 v2, v0  }
0x613: {  	v2 =	vld [tilespmem:s20+$0x9440]  }
0x614: {  	v0 =	vadd.f32 v3, v0  }
0x615: {  	v3 =	vld [tilespmem:s20+$0x9450]  }
0x616: {  	v0 =	vadd.f32 v1, v0  }
0x617: {  	v1 =	vld [tilespmem:s20+$0x9460]  }
0x618: {  	v0 =	vadd.f32 v2, v0  }
0x619: {  	v2 =	vld [tilespmem:s20+$0x9470]  }
0x61a: {  	v0 =	vadd.f32 v3, v0  }
0x61b: {  	v3 =	vld [tilespmem:s20+$0x9800]  }
0x61c: {  	v0 =	vadd.f32 v1, v0  }
0x61d: {  	v1 =	vld [tilespmem:s20+$0x9810]  }
0x61e: {  	v0 =	vadd.f32 v2, v0  }
0x61f: {  	v2 =	vld [tilespmem:s20+$0x9820]  }
0x620: {  	v0 =	vadd.f32 v3, v0  }
0x621: {  	v3 =	vld [tilespmem:s20+$0x9830]  }
0x622: {  	v0 =	vadd.f32 v1, v0  }
0x623: {  	v1 =	vld [tilespmem:s20+$0x9840]  }
0x624: {  	v0 =	vadd.f32 v2, v0  }
0x625: {  	v2 =	vld [tilespmem:s20+$0x9850]  }
0x626: {  	v0 =	vadd.f32 v3, v0  }
0x627: {  	v3 =	vld [tilespmem:s20+$0x9860]  }
0x628: {  	v0 =	vadd.f32 v1, v0  }
0x629: {  	v1 =	vld [tilespmem:s20+$0x9870]  }
0x62a: {  	v0 =	vadd.f32 v2, v0  }
0x62b: {  	v2 =	vld [tilespmem:s20+$0x9C00]  }
0x62c: {  	v0 =	vadd.f32 v3, v0  }
0x62d: {  	v3 =	vld [tilespmem:s20+$0x9C10]  }
0x62e: {  	v0 =	vadd.f32 v1, v0  }
0x62f: {  	v1 =	vld [tilespmem:s20+$0x9C20]  }
0x630: {  	v0 =	vadd.f32 v2, v0  }
0x631: {  	v2 =	vld [tilespmem:s20+$0x9C30]  }
0x632: {  	v0 =	vadd.f32 v3, v0  }
0x633: {  	v3 =	vld [tilespmem:s20+$0x9C40]  }
0x634: {  	v0 =	vadd.f32 v1, v0  }
0x635: {  	v1 =	vld [tilespmem:s20+$0x9C50]  }
0x636: {  	v0 =	vadd.f32 v2, v0  }
0x637: {  	v2 =	vld [tilespmem:s20+$0x9C60]  }
0x638: {  	v0 =	vadd.f32 v3, v0  }
0x639: {  	v3 =	vld [tilespmem:s20+$0x9C70]  }
0x63a: {  	v0 =	vadd.f32 v1, v0;
	_ =	sdelay $0x1  }
0x63b: {  	v0 =	vadd.f32 v2, v0;
	_ =	sdelay $0x1  }
0x63c: {  	s19 =	sadd.s32 $0x10, s19;
	v0 =	vadd.f32 v3, v0  }
0x63d: {  	s19 =	sand.u32 $0x1F0, s19  }
0x63e: {  	[tilespmem:s19+$0x10600] =	vst v0;
	s19 =	simm.s32 $0x0  }
0x63f: {  	[tilespmem:s13], [sflag:$0x2] =	stream.linear.gather [hbm4b:s8+s19], $0x8000, $0x38;
	[tilespmem:$0x11000] =	vst v63  }
0x640: {  	_ =	swait.ge [sflag:s14], $0x8000  }
0x641: {  	s30 =	sand.u32 $0x6000, s19;
	s21 =	sand.u32 $0x380, s19;
	[sflag:s14] =	ssyncset.done $0x0  }
0x642: {  	s20 =	sor.u32 s21, s30;
	[sflag:s14] =	ssyncadd.s32 $0xFFFF8000  }
0x643: {  	v0 =	vld [tilespmem:s20+$0x0];
	_ =	sdelay $0x1  }
0x644: {  	v1 =	vld [tilespmem:s20+$0x10];
	_ =	sdelay $0x1  }
0x645: {  	v2 =	vld [tilespmem:s20+$0x20]  }
0x646: {  	v0 =	vadd.f32 $0.0e+00, v0  }
0x647: {  	v3 =	vld [tilespmem:s20+$0x30]  }
0x648: {  	v0 =	vadd.f32 v1, v0  }
0x649: {  	v1 =	vld [tilespmem:s20+$0x40]  }
0x64a: {  	v0 =	vadd.f32 v2, v0  }
0x64b: {  	v2 =	vld [tilespmem:s20+$0x50]  }
0x64c: {  	v0 =	vadd.f32 v3, v0  }
0x64d: {  	v3 =	vld [tilespmem:s20+$0x60]  }
0x64e: {  	v0 =	vadd.f32 v1, v0  }
0x64f: {  	v1 =	vld [tilespmem:s20+$0x70]  }
0x650: {  	v0 =	vadd.f32 v2, v0  }
0x651: {  	v2 =	vld [tilespmem:s20+$0x400]  }
0x652: {  	v0 =	vadd.f32 v3, v0  }
0x653: {  	v3 =	vld [tilespmem:s20+$0x410]  }
0x654: {  	v0 =	vadd.f32 v1, v0  }
0x655: {  	v1 =	vld [tilespmem:s20+$0x420]  }
0x656: {  	v0 =	vadd.f32 v2, v0  }
0x657: {  	v2 =	vld [tilespmem:s20+$0x430]  }
0x658: {  	v0 =	vadd.f32 v3, v0  }
0x659: {  	v3 =	vld [tilespmem:s20+$0x440]  }
0x65a: {  	v0 =	vadd.f32 v1, v0  }
0x65b: {  	v1 =	vld [tilespmem:s20+$0x450]  }
0x65c: {  	v0 =	vadd.f32 v2, v0  }
0x65d: {  	v2 =	vld [tilespmem:s20+$0x460]  }
0x65e: {  	v0 =	vadd.f32 v3, v0  }
0x65f: {  	v3 =	vld [tilespmem:s20+$0x470]  }
0x660: {  	v0 =	vadd.f32 v1, v0  }
0x661: {  	v1 =	vld [tilespmem:s20+$0x800]  }
0x662: {  	v0 =	vadd.f32 v2, v0  }
0x663: {  	v2 =	vld [tilespmem:s20+$0x810]  }
0x664: {  	v0 =	vadd.f32 v3, v0  }
0x665: {  	v3 =	vld [tilespmem:s20+$0x820]  }
0x666: {  	v0 =	vadd.f32 v1, v0  }
0x667: {  	v1 =	vld [tilespmem:s20+$0x830]  }
0x668: {  	v0 =	vadd.f32 v2, v0  }
0x669: {  	v2 =	vld [tilespmem:s20+$0x840]  }
0x66a: {  	v0 =	vadd.f32 v3, v0  }
0x66b: {  	v3 =	vld [tilespmem:s20+$0x850]  }
0x66c: {  	v0 =	vadd.f32 v1, v0  }
0x66d: {  	v1 =	vld [tilespmem:s20+$0x860]  }
0x66e: {  	v0 =	vadd.f32 v2, v0  }
0x66f: {  	v2 =	vld [tilespmem:s20+$0x870]  }
0x670: {  	v0 =	vadd.f32 v3, v0  }
0x671: {  	v3 =	vld [tilespmem:s20+$0xC00]  }
0x672: {  	v0 =	vadd.f32 v1, v0  }
0x673: {  	v1 =	vld [tilespmem:s20+$0xC10]  }
0x674: {  	v0 =	vadd.f32 v2, v0  }
0x675: {  	v2 =	vld [tilespmem:s20+$0xC20]  }
0x676: {  	v0 =	vadd.f32 v3, v0  }
0x677: {  	v3 =	vld [tilespmem:s20+$0xC30]  }
0x678: {  	v0 =	vadd.f32 v1, v0  }
0x679: {  	v1 =	vld [tilespmem:s20+$0xC40]  }
0x67a: {  	v0 =	vadd.f32 v2, v0  }
0x67b: {  	v2 =	vld [tilespmem:s20+$0xC50]  }
0x67c: {  	v0 =	vadd.f32 v3, v0  }
0x67d: {  	v3 =	vld [tilespmem:s20+$0xC60]  }
0x67e: {  	v0 =	vadd.f32 v1, v0  }
0x67f: {  	v1 =	vld [tilespmem:s20+$0xC70]  }
0x680: {  	v0 =	vadd.f32 v2, v0  }
0x681: {  	v2 =	vld [tilespmem:s20+$0x1000]  }
0x682: {  	v0 =	vadd.f32 v3, v0  }
0x683: {  	v3 =	vld [tilespmem:s20+$0x1010]  }
0x684: {  	v0 =	vadd.f32 v1, v0  }
0x685: {  	v1 =	vld [tilespmem:s20+$0x1020]  }
0x686: {  	v0 =	vadd.f32 v2, v0  }
0x687: {  	v2 =	vld [tilespmem:s20+$0x1030]  }
0x688: {  	v0 =	vadd.f32 v3, v0  }
0x689: {  	v3 =	vld [tilespmem:s20+$0x1040]  }
0x68a: {  	v0 =	vadd.f32 v1, v0  }
0x68b: {  	v1 =	vld [tilespmem:s20+$0x1050]  }
0x68c: {  	v0 =	vadd.f32 v2, v0  }
0x68d: {  	v2 =	vld [tilespmem:s20+$0x1060]  }
0x68e: {  	v0 =	vadd.f32 v3, v0  }
0x68f: {  	v3 =	vld [tilespmem:s20+$0x1070]  }
0x690: {  	v0 =	vadd.f32 v1, v0  }
0x691: {  	v1 =	vld [tilespmem:s20+$0x1400]  }
0x692: {  	v0 =	vadd.f32 v2, v0  }
0x693: {  	v2 =	vld [tilespmem:s20+$0x1410]  }
0x694: {  	v0 =	vadd.f32 v3, v0  }
0x695: {  	v3 =	vld [tilespmem:s20+$0x1420]  }
0x696: {  	v0 =	vadd.f32 v1, v0  }
0x697: {  	v1 =	vld [tilespmem:s20+$0x1430]  }
0x698: {  	v0 =	vadd.f32 v2, v0  }
0x699: {  	v2 =	vld [tilespmem:s20+$0x1440]  }
0x69a: {  	v0 =	vadd.f32 v3, v0  }
0x69b: {  	v3 =	vld [tilespmem:s20+$0x1450]  }
0x69c: {  	v0 =	vadd.f32 v1, v0  }
0x69d: {  	v1 =	vld [tilespmem:s20+$0x1460]  }
0x69e: {  	v0 =	vadd.f32 v2, v0  }
0x69f: {  	v2 =	vld [tilespmem:s20+$0x1470]  }
0x6a0: {  	v0 =	vadd.f32 v3, v0  }
0x6a1: {  	v3 =	vld [tilespmem:s20+$0x1800]  }
0x6a2: {  	v0 =	vadd.f32 v1, v0  }
0x6a3: {  	v1 =	vld [tilespmem:s20+$0x1810]  }
0x6a4: {  	v0 =	vadd.f32 v2, v0  }
0x6a5: {  	v2 =	vld [tilespmem:s20+$0x1820]  }
0x6a6: {  	v0 =	vadd.f32 v3, v0  }
0x6a7: {  	v3 =	vld [tilespmem:s20+$0x1830]  }
0x6a8: {  	v0 =	vadd.f32 v1, v0  }
0x6a9: {  	v1 =	vld [tilespmem:s20+$0x1840]  }
0x6aa: {  	v0 =	vadd.f32 v2, v0  }
0x6ab: {  	v2 =	vld [tilespmem:s20+$0x1850]  }
0x6ac: {  	v0 =	vadd.f32 v3, v0  }
0x6ad: {  	v3 =	vld [tilespmem:s20+$0x1860]  }
0x6ae: {  	v0 =	vadd.f32 v1, v0  }
0x6af: {  	v1 =	vld [tilespmem:s20+$0x1870]  }
0x6b0: {  	v0 =	vadd.f32 v2, v0  }
0x6b1: {  	v2 =	vld [tilespmem:s20+$0x1C00]  }
0x6b2: {  	v0 =	vadd.f32 v3, v0  }
0x6b3: {  	v3 =	vld [tilespmem:s20+$0x1C10]  }
0x6b4: {  	v0 =	vadd.f32 v1, v0  }
0x6b5: {  	v1 =	vld [tilespmem:s20+$0x1C20]  }
0x6b6: {  	v0 =	vadd.f32 v2, v0  }
0x6b7: {  	v2 =	vld [tilespmem:s20+$0x1C30]  }
0x6b8: {  	v0 =	vadd.f32 v3, v0  }
0x6b9: {  	v3 =	vld [tilespmem:s20+$0x1C40]  }
0x6ba: {  	v0 =	vadd.f32 v1, v0  }
0x6bb: {  	v1 =	vld [tilespmem:s20+$0x1C50]  }
0x6bc: {  	v0 =	vadd.f32 v2, v0  }
0x6bd: {  	v2 =	vld [tilespmem:s20+$0x1C60]  }
0x6be: {  	v0 =	vadd.f32 v3, v0  }
0x6bf: {  	v3 =	vld [tilespmem:s20+$0x1C70]  }
0x6c0: {  	v0 =	vadd.f32 v1, v0;
	_ =	sdelay $0x1  }
0x6c1: {  	v0 =	vadd.f32 v2, v0  }
0x6c2: {  	s31 =	simm.s32 $0x400  }
0x6c3: {  	s22 =	sand.u32 $0x6000, s31;
	s20 =	simm.s32 $0x80;
	v0 =	vadd.f32 v3, v0  }
0x6c4: {  	s24 =	sand.u32 $0x1F0, s19;
	s21 =	simm.s32 $0x800;
	s23 =	sand.u32 $0x380, s20  }
.LBB2_10:
0x6c5: {  	p0 =	sne.s32 s21, $0x7C00;
	s22 =	sor.u32 s23, s22;
	[tilespmem:s24+$0x10800] =	vst v0  }
0x6c6: {  	v0 =	vld [tilespmem:s22+$0x0];
	_ =	sdelay $0x1  }
0x6c7: {  	v1 =	vld [tilespmem:s22+$0x10];
	_ =	sdelay $0x1  }
0x6c8: {  	v2 =	vld [tilespmem:s22+$0x20]  }
0x6c9: {  	v0 =	vadd.f32 $0.0e+00, v0  }
0x6ca: {  	v3 =	vld [tilespmem:s22+$0x30]  }
0x6cb: {  	v0 =	vadd.f32 v1, v0  }
0x6cc: {  	v1 =	vld [tilespmem:s22+$0x40]  }
0x6cd: {  	v0 =	vadd.f32 v2, v0  }
0x6ce: {  	v2 =	vld [tilespmem:s22+$0x50]  }
0x6cf: {  	v0 =	vadd.f32 v3, v0  }
0x6d0: {  	v3 =	vld [tilespmem:s22+$0x60]  }
0x6d1: {  	v0 =	vadd.f32 v1, v0  }
0x6d2: {  	v1 =	vld [tilespmem:s22+$0x70]  }
0x6d3: {  	v0 =	vadd.f32 v2, v0  }
0x6d4: {  	v2 =	vld [tilespmem:s22+$0x400]  }
0x6d5: {  	v0 =	vadd.f32 v3, v0  }
0x6d6: {  	v3 =	vld [tilespmem:s22+$0x410]  }
0x6d7: {  	v0 =	vadd.f32 v1, v0  }
0x6d8: {  	v1 =	vld [tilespmem:s22+$0x420]  }
0x6d9: {  	v0 =	vadd.f32 v2, v0  }
0x6da: {  	v2 =	vld [tilespmem:s22+$0x430]  }
0x6db: {  	v0 =	vadd.f32 v3, v0  }
0x6dc: {  	v3 =	vld [tilespmem:s22+$0x440]  }
0x6dd: {  	v0 =	vadd.f32 v1, v0  }
0x6de: {  	v1 =	vld [tilespmem:s22+$0x450]  }
0x6df: {  	v0 =	vadd.f32 v2, v0  }
0x6e0: {  	v2 =	vld [tilespmem:s22+$0x460]  }
0x6e1: {  	v0 =	vadd.f32 v3, v0  }
0x6e2: {  	v3 =	vld [tilespmem:s22+$0x470]  }
0x6e3: {  	v0 =	vadd.f32 v1, v0  }
0x6e4: {  	v1 =	vld [tilespmem:s22+$0x800]  }
0x6e5: {  	v0 =	vadd.f32 v2, v0  }
0x6e6: {  	v2 =	vld [tilespmem:s22+$0x810]  }
0x6e7: {  	v0 =	vadd.f32 v3, v0  }
0x6e8: {  	v3 =	vld [tilespmem:s22+$0x820]  }
0x6e9: {  	v0 =	vadd.f32 v1, v0  }
0x6ea: {  	v1 =	vld [tilespmem:s22+$0x830]  }
0x6eb: {  	v0 =	vadd.f32 v2, v0  }
0x6ec: {  	v2 =	vld [tilespmem:s22+$0x840]  }
0x6ed: {  	v0 =	vadd.f32 v3, v0  }
0x6ee: {  	v3 =	vld [tilespmem:s22+$0x850]  }
0x6ef: {  	v0 =	vadd.f32 v1, v0  }
0x6f0: {  	v1 =	vld [tilespmem:s22+$0x860]  }
0x6f1: {  	v0 =	vadd.f32 v2, v0  }
0x6f2: {  	v2 =	vld [tilespmem:s22+$0x870]  }
0x6f3: {  	v0 =	vadd.f32 v3, v0  }
0x6f4: {  	v3 =	vld [tilespmem:s22+$0xC00]  }
0x6f5: {  	v0 =	vadd.f32 v1, v0  }
0x6f6: {  	v1 =	vld [tilespmem:s22+$0xC10]  }
0x6f7: {  	v0 =	vadd.f32 v2, v0  }
0x6f8: {  	v2 =	vld [tilespmem:s22+$0xC20]  }
0x6f9: {  	v0 =	vadd.f32 v3, v0  }
0x6fa: {  	v3 =	vld [tilespmem:s22+$0xC30]  }
0x6fb: {  	v0 =	vadd.f32 v1, v0  }
0x6fc: {  	v1 =	vld [tilespmem:s22+$0xC40]  }
0x6fd: {  	v0 =	vadd.f32 v2, v0  }
0x6fe: {  	v2 =	vld [tilespmem:s22+$0xC50]  }
0x6ff: {  	v0 =	vadd.f32 v3, v0  }
0x700: {  	v3 =	vld [tilespmem:s22+$0xC60]  }
0x701: {  	v0 =	vadd.f32 v1, v0  }
0x702: {  	v1 =	vld [tilespmem:s22+$0xC70]  }
0x703: {  	v0 =	vadd.f32 v2, v0  }
0x704: {  	v2 =	vld [tilespmem:s22+$0x1000]  }
0x705: {  	v0 =	vadd.f32 v3, v0  }
0x706: {  	v3 =	vld [tilespmem:s22+$0x1010]  }
0x707: {  	v0 =	vadd.f32 v1, v0  }
0x708: {  	v1 =	vld [tilespmem:s22+$0x1020]  }
0x709: {  	v0 =	vadd.f32 v2, v0  }
0x70a: {  	v2 =	vld [tilespmem:s22+$0x1030]  }
0x70b: {  	v0 =	vadd.f32 v3, v0  }
0x70c: {  	v3 =	vld [tilespmem:s22+$0x1040]  }
0x70d: {  	v0 =	vadd.f32 v1, v0  }
0x70e: {  	v1 =	vld [tilespmem:s22+$0x1050]  }
0x70f: {  	v0 =	vadd.f32 v2, v0  }
0x710: {  	v2 =	vld [tilespmem:s22+$0x1060]  }
0x711: {  	v0 =	vadd.f32 v3, v0  }
0x712: {  	v3 =	vld [tilespmem:s22+$0x1070]  }
0x713: {  	v0 =	vadd.f32 v1, v0  }
0x714: {  	v1 =	vld [tilespmem:s22+$0x1400]  }
0x715: {  	v0 =	vadd.f32 v2, v0  }
0x716: {  	v2 =	vld [tilespmem:s22+$0x1410]  }
0x717: {  	v0 =	vadd.f32 v3, v0  }
0x718: {  	v3 =	vld [tilespmem:s22+$0x1420]  }
0x719: {  	v0 =	vadd.f32 v1, v0  }
0x71a: {  	v1 =	vld [tilespmem:s22+$0x1430]  }
0x71b: {  	v0 =	vadd.f32 v2, v0  }
0x71c: {  	v2 =	vld [tilespmem:s22+$0x1440]  }
0x71d: {  	v0 =	vadd.f32 v3, v0  }
0x71e: {  	v3 =	vld [tilespmem:s22+$0x1450]  }
0x71f: {  	v0 =	vadd.f32 v1, v0  }
0x720: {  	v1 =	vld [tilespmem:s22+$0x1460]  }
0x721: {  	v0 =	vadd.f32 v2, v0  }
0x722: {  	v2 =	vld [tilespmem:s22+$0x1470]  }
0x723: {  	v0 =	vadd.f32 v3, v0  }
0x724: {  	v3 =	vld [tilespmem:s22+$0x1800]  }
0x725: {  	v0 =	vadd.f32 v1, v0  }
0x726: {  	v1 =	vld [tilespmem:s22+$0x1810]  }
0x727: {  	v0 =	vadd.f32 v2, v0  }
0x728: {  	v2 =	vld [tilespmem:s22+$0x1820]  }
0x729: {  	v0 =	vadd.f32 v3, v0  }
0x72a: {  	v3 =	vld [tilespmem:s22+$0x1830]  }
0x72b: {  	v0 =	vadd.f32 v1, v0  }
0x72c: {  	v1 =	vld [tilespmem:s22+$0x1840]  }
0x72d: {  	v0 =	vadd.f32 v2, v0  }
0x72e: {  	v2 =	vld [tilespmem:s22+$0x1850]  }
0x72f: {  	v0 =	vadd.f32 v3, v0  }
0x730: {  	v3 =	vld [tilespmem:s22+$0x1860]  }
0x731: {  	v0 =	vadd.f32 v1, v0  }
0x732: {  	v1 =	vld [tilespmem:s22+$0x1870]  }
0x733: {  	v0 =	vadd.f32 v2, v0  }
0x734: {  	v2 =	vld [tilespmem:s22+$0x1C00]  }
0x735: {  	v0 =	vadd.f32 v3, v0  }
0x736: {  	v3 =	vld [tilespmem:s22+$0x1C10]  }
0x737: {  	v0 =	vadd.f32 v1, v0  }
0x738: {  	v1 =	vld [tilespmem:s22+$0x1C20]  }
0x739: {  	v0 =	vadd.f32 v2, v0  }
0x73a: {  	v2 =	vld [tilespmem:s22+$0x1C30]  }
0x73b: {  	v0 =	vadd.f32 v3, v0  }
0x73c: {  	v3 =	vld [tilespmem:s22+$0x1C40]  }
0x73d: {  	v0 =	vadd.f32 v1, v0  }
0x73e: {  	v1 =	vld [tilespmem:s22+$0x1C50]  }
0x73f: {  	v0 =	vadd.f32 v2, v0  }
0x740: {  	v2 =	vld [tilespmem:s22+$0x1C60]  }
0x741: {  	v0 =	vadd.f32 v3, v0  }
0x742: {  	v3 =	vld [tilespmem:s22+$0x1C70]  }
0x743: {  	v0 =	vadd.f32 v1, v0  }
.Ltmp4:
0x744: {  	(pc) =	sbr.rel @p0 .LBB2_10-.Ltmp4, $3  }
0x745: {  	v0 =	vadd.f32 v2, v0;
	_ =	sdelay $0x1  }
0x746: {  	s20 =	sadd.s32 $0x80, s20;
	s19 =	sadd.s32 $0x10, s19;
	s22 =	sand.u32 $0x6000, s21;
	v0 =	vadd.f32 v3, v0  }
0x747: {  	s23 =	sand.u32 $0x380, s20;
	s24 =	sand.u32 $0x1F0, s19;
	s21 =	sadd.s32 $0x400, s21  }
0x748: {  	s20 =	sor.u32 s23, s22;
	[tilespmem:s24+$0x10800] =	vst v0  }
0x749: {  	v0 =	vld [tilespmem:s20+$0x0];
	_ =	sdelay $0x1  }
0x74a: {  	v1 =	vld [tilespmem:s20+$0x10];
	_ =	sdelay $0x1  }
0x74b: {  	v2 =	vld [tilespmem:s20+$0x20]  }
0x74c: {  	v0 =	vadd.f32 $0.0e+00, v0  }
0x74d: {  	v3 =	vld [tilespmem:s20+$0x30]  }
0x74e: {  	v0 =	vadd.f32 v1, v0  }
0x74f: {  	v1 =	vld [tilespmem:s20+$0x40]  }
0x750: {  	v0 =	vadd.f32 v2, v0  }
0x751: {  	v2 =	vld [tilespmem:s20+$0x50]  }
0x752: {  	v0 =	vadd.f32 v3, v0  }
0x753: {  	v3 =	vld [tilespmem:s20+$0x60]  }
0x754: {  	v0 =	vadd.f32 v1, v0  }
0x755: {  	v1 =	vld [tilespmem:s20+$0x70]  }
0x756: {  	v0 =	vadd.f32 v2, v0  }
0x757: {  	v2 =	vld [tilespmem:s20+$0x400]  }
0x758: {  	v0 =	vadd.f32 v3, v0  }
0x759: {  	v3 =	vld [tilespmem:s20+$0x410]  }
0x75a: {  	v0 =	vadd.f32 v1, v0  }
0x75b: {  	v1 =	vld [tilespmem:s20+$0x420]  }
0x75c: {  	v0 =	vadd.f32 v2, v0  }
0x75d: {  	v2 =	vld [tilespmem:s20+$0x430]  }
0x75e: {  	v0 =	vadd.f32 v3, v0  }
0x75f: {  	v3 =	vld [tilespmem:s20+$0x440]  }
0x760: {  	v0 =	vadd.f32 v1, v0  }
0x761: {  	v1 =	vld [tilespmem:s20+$0x450]  }
0x762: {  	v0 =	vadd.f32 v2, v0  }
0x763: {  	v2 =	vld [tilespmem:s20+$0x460]  }
0x764: {  	v0 =	vadd.f32 v3, v0  }
0x765: {  	v3 =	vld [tilespmem:s20+$0x470]  }
0x766: {  	v0 =	vadd.f32 v1, v0  }
0x767: {  	v1 =	vld [tilespmem:s20+$0x800]  }
0x768: {  	v0 =	vadd.f32 v2, v0  }
0x769: {  	v2 =	vld [tilespmem:s20+$0x810]  }
0x76a: {  	v0 =	vadd.f32 v3, v0  }
0x76b: {  	v3 =	vld [tilespmem:s20+$0x820]  }
0x76c: {  	v0 =	vadd.f32 v1, v0  }
0x76d: {  	v1 =	vld [tilespmem:s20+$0x830]  }
0x76e: {  	v0 =	vadd.f32 v2, v0  }
0x76f: {  	v2 =	vld [tilespmem:s20+$0x840]  }
0x770: {  	v0 =	vadd.f32 v3, v0  }
0x771: {  	v3 =	vld [tilespmem:s20+$0x850]  }
0x772: {  	v0 =	vadd.f32 v1, v0  }
0x773: {  	v1 =	vld [tilespmem:s20+$0x860]  }
0x774: {  	v0 =	vadd.f32 v2, v0  }
0x775: {  	v2 =	vld [tilespmem:s20+$0x870]  }
0x776: {  	v0 =	vadd.f32 v3, v0  }
0x777: {  	v3 =	vld [tilespmem:s20+$0xC00]  }
0x778: {  	v0 =	vadd.f32 v1, v0  }
0x779: {  	v1 =	vld [tilespmem:s20+$0xC10]  }
0x77a: {  	v0 =	vadd.f32 v2, v0  }
0x77b: {  	v2 =	vld [tilespmem:s20+$0xC20]  }
0x77c: {  	v0 =	vadd.f32 v3, v0  }
0x77d: {  	v3 =	vld [tilespmem:s20+$0xC30]  }
0x77e: {  	v0 =	vadd.f32 v1, v0  }
0x77f: {  	v1 =	vld [tilespmem:s20+$0xC40]  }
0x780: {  	v0 =	vadd.f32 v2, v0  }
0x781: {  	v2 =	vld [tilespmem:s20+$0xC50]  }
0x782: {  	v0 =	vadd.f32 v3, v0  }
0x783: {  	v3 =	vld [tilespmem:s20+$0xC60]  }
0x784: {  	v0 =	vadd.f32 v1, v0  }
0x785: {  	v1 =	vld [tilespmem:s20+$0xC70]  }
0x786: {  	v0 =	vadd.f32 v2, v0  }
0x787: {  	v2 =	vld [tilespmem:s20+$0x1000]  }
0x788: {  	v0 =	vadd.f32 v3, v0  }
0x789: {  	v3 =	vld [tilespmem:s20+$0x1010]  }
0x78a: {  	v0 =	vadd.f32 v1, v0  }
0x78b: {  	v1 =	vld [tilespmem:s20+$0x1020]  }
0x78c: {  	v0 =	vadd.f32 v2, v0  }
0x78d: {  	v2 =	vld [tilespmem:s20+$0x1030]  }
0x78e: {  	v0 =	vadd.f32 v3, v0  }
0x78f: {  	v3 =	vld [tilespmem:s20+$0x1040]  }
0x790: {  	v0 =	vadd.f32 v1, v0  }
0x791: {  	v1 =	vld [tilespmem:s20+$0x1050]  }
0x792: {  	v0 =	vadd.f32 v2, v0  }
0x793: {  	v2 =	vld [tilespmem:s20+$0x1060]  }
0x794: {  	v0 =	vadd.f32 v3, v0  }
0x795: {  	v3 =	vld [tilespmem:s20+$0x1070]  }
0x796: {  	v0 =	vadd.f32 v1, v0  }
0x797: {  	v1 =	vld [tilespmem:s20+$0x1400]  }
0x798: {  	v0 =	vadd.f32 v2, v0  }
0x799: {  	v2 =	vld [tilespmem:s20+$0x1410]  }
0x79a: {  	v0 =	vadd.f32 v3, v0  }
0x79b: {  	v3 =	vld [tilespmem:s20+$0x1420]  }
0x79c: {  	v0 =	vadd.f32 v1, v0  }
0x79d: {  	v1 =	vld [tilespmem:s20+$0x1430]  }
0x79e: {  	v0 =	vadd.f32 v2, v0  }
0x79f: {  	v2 =	vld [tilespmem:s20+$0x1440]  }
0x7a0: {  	v0 =	vadd.f32 v3, v0  }
0x7a1: {  	v3 =	vld [tilespmem:s20+$0x1450]  }
0x7a2: {  	v0 =	vadd.f32 v1, v0  }
0x7a3: {  	v1 =	vld [tilespmem:s20+$0x1460]  }
0x7a4: {  	v0 =	vadd.f32 v2, v0  }
0x7a5: {  	v2 =	vld [tilespmem:s20+$0x1470]  }
0x7a6: {  	v0 =	vadd.f32 v3, v0  }
0x7a7: {  	v3 =	vld [tilespmem:s20+$0x1800]  }
0x7a8: {  	v0 =	vadd.f32 v1, v0  }
0x7a9: {  	v1 =	vld [tilespmem:s20+$0x1810]  }
0x7aa: {  	v0 =	vadd.f32 v2, v0  }
0x7ab: {  	v2 =	vld [tilespmem:s20+$0x1820]  }
0x7ac: {  	v0 =	vadd.f32 v3, v0  }
0x7ad: {  	v3 =	vld [tilespmem:s20+$0x1830]  }
0x7ae: {  	v0 =	vadd.f32 v1, v0  }
0x7af: {  	v1 =	vld [tilespmem:s20+$0x1840]  }
0x7b0: {  	v0 =	vadd.f32 v2, v0  }
0x7b1: {  	v2 =	vld [tilespmem:s20+$0x1850]  }
0x7b2: {  	v0 =	vadd.f32 v3, v0  }
0x7b3: {  	v3 =	vld [tilespmem:s20+$0x1860]  }
0x7b4: {  	v0 =	vadd.f32 v1, v0  }
0x7b5: {  	v1 =	vld [tilespmem:s20+$0x1870]  }
0x7b6: {  	v0 =	vadd.f32 v2, v0  }
0x7b7: {  	v2 =	vld [tilespmem:s20+$0x1C00]  }
0x7b8: {  	v0 =	vadd.f32 v3, v0  }
0x7b9: {  	v3 =	vld [tilespmem:s20+$0x1C10]  }
0x7ba: {  	v0 =	vadd.f32 v1, v0  }
0x7bb: {  	v1 =	vld [tilespmem:s20+$0x1C20]  }
0x7bc: {  	v0 =	vadd.f32 v2, v0  }
0x7bd: {  	v2 =	vld [tilespmem:s20+$0x1C30]  }
0x7be: {  	v0 =	vadd.f32 v3, v0  }
0x7bf: {  	v3 =	vld [tilespmem:s20+$0x1C40]  }
0x7c0: {  	v0 =	vadd.f32 v1, v0  }
0x7c1: {  	v1 =	vld [tilespmem:s20+$0x1C50]  }
0x7c2: {  	v0 =	vadd.f32 v2, v0  }
0x7c3: {  	v2 =	vld [tilespmem:s20+$0x1C60]  }
0x7c4: {  	v0 =	vadd.f32 v3, v0  }
0x7c5: {  	v3 =	vld [tilespmem:s20+$0x1C70]  }
0x7c6: {  	v0 =	vadd.f32 v1, v0;
	_ =	sdelay $0x1  }
0x7c7: {  	v0 =	vadd.f32 v2, v0;
	_ =	sdelay $0x1  }
0x7c8: {  	s19 =	sadd.s32 $0x10, s19;
	v0 =	vadd.f32 v3, v0  }
0x7c9: {  	s19 =	sand.u32 $0x1F0, s19  }
0x7ca: {  	[tilespmem:s19+$0x10800] =	vst v0;
	s19 =	simm.s32 $0x0  }
0x7cb: {  	[tilespmem:s19], [sflag:$0x1] =	stream.linear.gather [hbm4b:s9+s19], $0x8000, $0x38;
	[tilespmem:$0x11000] =	vst v63  }
0x7cc: {  	_ =	swait.ge [sflag:s15], $0x8000  }
0x7cd: {  	s30 =	sand.u32 $0x6000, s19;
	s21 =	sand.u32 $0x380, s19;
	[sflag:s15] =	ssyncset.done $0x0  }
0x7ce: {  	s20 =	sor.u32 s21, s30;
	[sflag:s15] =	ssyncadd.s32 $0xFFFF8000  }
0x7cf: {  	v0 =	vld [tilespmem:s20+$0x8000];
	_ =	sdelay $0x1  }
0x7d0: {  	v1 =	vld [tilespmem:s20+$0x8010];
	_ =	sdelay $0x1  }
0x7d1: {  	v2 =	vld [tilespmem:s20+$0x8020]  }
0x7d2: {  	v0 =	vadd.f32 $0.0e+00, v0  }
0x7d3: {  	v3 =	vld [tilespmem:s20+$0x8030]  }
0x7d4: {  	v0 =	vadd.f32 v1, v0  }
0x7d5: {  	v1 =	vld [tilespmem:s20+$0x8040]  }
0x7d6: {  	v0 =	vadd.f32 v2, v0  }
0x7d7: {  	v2 =	vld [tilespmem:s20+$0x8050]  }
0x7d8: {  	v0 =	vadd.f32 v3, v0  }
0x7d9: {  	v3 =	vld [tilespmem:s20+$0x8060]  }
0x7da: {  	v0 =	vadd.f32 v1, v0  }
0x7db: {  	v1 =	vld [tilespmem:s20+$0x8070]  }
0x7dc: {  	v0 =	vadd.f32 v2, v0  }
0x7dd: {  	v2 =	vld [tilespmem:s20+$0x8400]  }
0x7de: {  	v0 =	vadd.f32 v3, v0  }
0x7df: {  	v3 =	vld [tilespmem:s20+$0x8410]  }
0x7e0: {  	v0 =	vadd.f32 v1, v0  }
0x7e1: {  	v1 =	vld [tilespmem:s20+$0x8420]  }
0x7e2: {  	v0 =	vadd.f32 v2, v0  }
0x7e3: {  	v2 =	vld [tilespmem:s20+$0x8430]  }
0x7e4: {  	v0 =	vadd.f32 v3, v0  }
0x7e5: {  	v3 =	vld [tilespmem:s20+$0x8440]  }
0x7e6: {  	v0 =	vadd.f32 v1, v0  }
0x7e7: {  	v1 =	vld [tilespmem:s20+$0x8450]  }
0x7e8: {  	v0 =	vadd.f32 v2, v0  }
0x7e9: {  	v2 =	vld [tilespmem:s20+$0x8460]  }
0x7ea: {  	v0 =	vadd.f32 v3, v0  }
0x7eb: {  	v3 =	vld [tilespmem:s20+$0x8470]  }
0x7ec: {  	v0 =	vadd.f32 v1, v0  }
0x7ed: {  	v1 =	vld [tilespmem:s20+$0x8800]  }
0x7ee: {  	v0 =	vadd.f32 v2, v0  }
0x7ef: {  	v2 =	vld [tilespmem:s20+$0x8810]  }
0x7f0: {  	v0 =	vadd.f32 v3, v0  }
0x7f1: {  	v3 =	vld [tilespmem:s20+$0x8820]  }
0x7f2: {  	v0 =	vadd.f32 v1, v0  }
0x7f3: {  	v1 =	vld [tilespmem:s20+$0x8830]  }
0x7f4: {  	v0 =	vadd.f32 v2, v0  }
0x7f5: {  	v2 =	vld [tilespmem:s20+$0x8840]  }
0x7f6: {  	v0 =	vadd.f32 v3, v0  }
0x7f7: {  	v3 =	vld [tilespmem:s20+$0x8850]  }
0x7f8: {  	v0 =	vadd.f32 v1, v0  }
0x7f9: {  	v1 =	vld [tilespmem:s20+$0x8860]  }
0x7fa: {  	v0 =	vadd.f32 v2, v0  }
0x7fb: {  	v2 =	vld [tilespmem:s20+$0x8870]  }
0x7fc: {  	v0 =	vadd.f32 v3, v0  }
0x7fd: {  	v3 =	vld [tilespmem:s20+$0x8C00]  }
0x7fe: {  	v0 =	vadd.f32 v1, v0  }
0x7ff: {  	v1 =	vld [tilespmem:s20+$0x8C10]  }
0x800: {  	v0 =	vadd.f32 v2, v0  }
0x801: {  	v2 =	vld [tilespmem:s20+$0x8C20]  }
0x802: {  	v0 =	vadd.f32 v3, v0  }
0x803: {  	v3 =	vld [tilespmem:s20+$0x8C30]  }
0x804: {  	v0 =	vadd.f32 v1, v0  }
0x805: {  	v1 =	vld [tilespmem:s20+$0x8C40]  }
0x806: {  	v0 =	vadd.f32 v2, v0  }
0x807: {  	v2 =	vld [tilespmem:s20+$0x8C50]  }
0x808: {  	v0 =	vadd.f32 v3, v0  }
0x809: {  	v3 =	vld [tilespmem:s20+$0x8C60]  }
0x80a: {  	v0 =	vadd.f32 v1, v0  }
0x80b: {  	v1 =	vld [tilespmem:s20+$0x8C70]  }
0x80c: {  	v0 =	vadd.f32 v2, v0  }
0x80d: {  	v2 =	vld [tilespmem:s20+$0x9000]  }
0x80e: {  	v0 =	vadd.f32 v3, v0  }
0x80f: {  	v3 =	vld [tilespmem:s20+$0x9010]  }
0x810: {  	v0 =	vadd.f32 v1, v0  }
0x811: {  	v1 =	vld [tilespmem:s20+$0x9020]  }
0x812: {  	v0 =	vadd.f32 v2, v0  }
0x813: {  	v2 =	vld [tilespmem:s20+$0x9030]  }
0x814: {  	v0 =	vadd.f32 v3, v0  }
0x815: {  	v3 =	vld [tilespmem:s20+$0x9040]  }
0x816: {  	v0 =	vadd.f32 v1, v0  }
0x817: {  	v1 =	vld [tilespmem:s20+$0x9050]  }
0x818: {  	v0 =	vadd.f32 v2, v0  }
0x819: {  	v2 =	vld [tilespmem:s20+$0x9060]  }
0x81a: {  	v0 =	vadd.f32 v3, v0  }
0x81b: {  	v3 =	vld [tilespmem:s20+$0x9070]  }
0x81c: {  	v0 =	vadd.f32 v1, v0  }
0x81d: {  	v1 =	vld [tilespmem:s20+$0x9400]  }
0x81e: {  	v0 =	vadd.f32 v2, v0  }
0x81f: {  	v2 =	vld [tilespmem:s20+$0x9410]  }
0x820: {  	v0 =	vadd.f32 v3, v0  }
0x821: {  	v3 =	vld [tilespmem:s20+$0x9420]  }
0x822: {  	v0 =	vadd.f32 v1, v0  }
0x823: {  	v1 =	vld [tilespmem:s20+$0x9430]  }
0x824: {  	v0 =	vadd.f32 v2, v0  }
0x825: {  	v2 =	vld [tilespmem:s20+$0x9440]  }
0x826: {  	v0 =	vadd.f32 v3, v0  }
0x827: {  	v3 =	vld [tilespmem:s20+$0x9450]  }
0x828: {  	v0 =	vadd.f32 v1, v0  }
0x829: {  	v1 =	vld [tilespmem:s20+$0x9460]  }
0x82a: {  	v0 =	vadd.f32 v2, v0  }
0x82b: {  	v2 =	vld [tilespmem:s20+$0x9470]  }
0x82c: {  	v0 =	vadd.f32 v3, v0  }
0x82d: {  	v3 =	vld [tilespmem:s20+$0x9800]  }
0x82e: {  	v0 =	vadd.f32 v1, v0  }
0x82f: {  	v1 =	vld [tilespmem:s20+$0x9810]  }
0x830: {  	v0 =	vadd.f32 v2, v0  }
0x831: {  	v2 =	vld [tilespmem:s20+$0x9820]  }
0x832: {  	v0 =	vadd.f32 v3, v0  }
0x833: {  	v3 =	vld [tilespmem:s20+$0x9830]  }
0x834: {  	v0 =	vadd.f32 v1, v0  }
0x835: {  	v1 =	vld [tilespmem:s20+$0x9840]  }
0x836: {  	v0 =	vadd.f32 v2, v0  }
0x837: {  	v2 =	vld [tilespmem:s20+$0x9850]  }
0x838: {  	v0 =	vadd.f32 v3, v0  }
0x839: {  	v3 =	vld [tilespmem:s20+$0x9860]  }
0x83a: {  	v0 =	vadd.f32 v1, v0  }
0x83b: {  	v1 =	vld [tilespmem:s20+$0x9870]  }
0x83c: {  	v0 =	vadd.f32 v2, v0  }
0x83d: {  	v2 =	vld [tilespmem:s20+$0x9C00]  }
0x83e: {  	v0 =	vadd.f32 v3, v0  }
0x83f: {  	v3 =	vld [tilespmem:s20+$0x9C10]  }
0x840: {  	v0 =	vadd.f32 v1, v0  }
0x841: {  	v1 =	vld [tilespmem:s20+$0x9C20]  }
0x842: {  	v0 =	vadd.f32 v2, v0  }
0x843: {  	v2 =	vld [tilespmem:s20+$0x9C30]  }
0x844: {  	v0 =	vadd.f32 v3, v0  }
0x845: {  	v3 =	vld [tilespmem:s20+$0x9C40]  }
0x846: {  	v0 =	vadd.f32 v1, v0  }
0x847: {  	v1 =	vld [tilespmem:s20+$0x9C50]  }
0x848: {  	v0 =	vadd.f32 v2, v0  }
0x849: {  	v2 =	vld [tilespmem:s20+$0x9C60]  }
0x84a: {  	v0 =	vadd.f32 v3, v0  }
0x84b: {  	v3 =	vld [tilespmem:s20+$0x9C70]  }
0x84c: {  	v0 =	vadd.f32 v1, v0;
	_ =	sdelay $0x1  }
0x84d: {  	v0 =	vadd.f32 v2, v0  }
0x84e: {  	s31 =	simm.s32 $0x400  }
0x84f: {  	s22 =	sand.u32 $0x6000, s31;
	s20 =	simm.s32 $0x80;
	v0 =	vadd.f32 v3, v0  }
0x850: {  	s24 =	sand.u32 $0x1F0, s19;
	s21 =	simm.s32 $0x800;
	s23 =	sand.u32 $0x380, s20  }
.LBB2_12:
0x851: {  	p0 =	sne.s32 s21, $0x7C00;
	s22 =	sor.u32 s23, s22;
	[tilespmem:s24+$0x10A00] =	vst v0  }
0x852: {  	v0 =	vld [tilespmem:s22+$0x8000];
	_ =	sdelay $0x1  }
0x853: {  	v1 =	vld [tilespmem:s22+$0x8010];
	_ =	sdelay $0x1  }
0x854: {  	v2 =	vld [tilespmem:s22+$0x8020]  }
0x855: {  	v0 =	vadd.f32 $0.0e+00, v0  }
0x856: {  	v3 =	vld [tilespmem:s22+$0x8030]  }
0x857: {  	v0 =	vadd.f32 v1, v0  }
0x858: {  	v1 =	vld [tilespmem:s22+$0x8040]  }
0x859: {  	v0 =	vadd.f32 v2, v0  }
0x85a: {  	v2 =	vld [tilespmem:s22+$0x8050]  }
0x85b: {  	v0 =	vadd.f32 v3, v0  }
0x85c: {  	v3 =	vld [tilespmem:s22+$0x8060]  }
0x85d: {  	v0 =	vadd.f32 v1, v0  }
0x85e: {  	v1 =	vld [tilespmem:s22+$0x8070]  }
0x85f: {  	v0 =	vadd.f32 v2, v0  }
0x860: {  	v2 =	vld [tilespmem:s22+$0x8400]  }
0x861: {  	v0 =	vadd.f32 v3, v0  }
0x862: {  	v3 =	vld [tilespmem:s22+$0x8410]  }
0x863: {  	v0 =	vadd.f32 v1, v0  }
0x864: {  	v1 =	vld [tilespmem:s22+$0x8420]  }
0x865: {  	v0 =	vadd.f32 v2, v0  }
0x866: {  	v2 =	vld [tilespmem:s22+$0x8430]  }
0x867: {  	v0 =	vadd.f32 v3, v0  }
0x868: {  	v3 =	vld [tilespmem:s22+$0x8440]  }
0x869: {  	v0 =	vadd.f32 v1, v0  }
0x86a: {  	v1 =	vld [tilespmem:s22+$0x8450]  }
0x86b: {  	v0 =	vadd.f32 v2, v0  }
0x86c: {  	v2 =	vld [tilespmem:s22+$0x8460]  }
0x86d: {  	v0 =	vadd.f32 v3, v0  }
0x86e: {  	v3 =	vld [tilespmem:s22+$0x8470]  }
0x86f: {  	v0 =	vadd.f32 v1, v0  }
0x870: {  	v1 =	vld [tilespmem:s22+$0x8800]  }
0x871: {  	v0 =	vadd.f32 v2, v0  }
0x872: {  	v2 =	vld [tilespmem:s22+$0x8810]  }
0x873: {  	v0 =	vadd.f32 v3, v0  }
0x874: {  	v3 =	vld [tilespmem:s22+$0x8820]  }
0x875: {  	v0 =	vadd.f32 v1, v0  }
0x876: {  	v1 =	vld [tilespmem:s22+$0x8830]  }
0x877: {  	v0 =	vadd.f32 v2, v0  }
0x878: {  	v2 =	vld [tilespmem:s22+$0x8840]  }
0x879: {  	v0 =	vadd.f32 v3, v0  }
0x87a: {  	v3 =	vld [tilespmem:s22+$0x8850]  }
0x87b: {  	v0 =	vadd.f32 v1, v0  }
0x87c: {  	v1 =	vld [tilespmem:s22+$0x8860]  }
0x87d: {  	v0 =	vadd.f32 v2, v0  }
0x87e: {  	v2 =	vld [tilespmem:s22+$0x8870]  }
0x87f: {  	v0 =	vadd.f32 v3, v0  }
0x880: {  	v3 =	vld [tilespmem:s22+$0x8C00]  }
0x881: {  	v0 =	vadd.f32 v1, v0  }
0x882: {  	v1 =	vld [tilespmem:s22+$0x8C10]  }
0x883: {  	v0 =	vadd.f32 v2, v0  }
0x884: {  	v2 =	vld [tilespmem:s22+$0x8C20]  }
0x885: {  	v0 =	vadd.f32 v3, v0  }
0x886: {  	v3 =	vld [tilespmem:s22+$0x8C30]  }
0x887: {  	v0 =	vadd.f32 v1, v0  }
0x888: {  	v1 =	vld [tilespmem:s22+$0x8C40]  }
0x889: {  	v0 =	vadd.f32 v2, v0  }
0x88a: {  	v2 =	vld [tilespmem:s22+$0x8C50]  }
0x88b: {  	v0 =	vadd.f32 v3, v0  }
0x88c: {  	v3 =	vld [tilespmem:s22+$0x8C60]  }
0x88d: {  	v0 =	vadd.f32 v1, v0  }
0x88e: {  	v1 =	vld [tilespmem:s22+$0x8C70]  }
0x88f: {  	v0 =	vadd.f32 v2, v0  }
0x890: {  	v2 =	vld [tilespmem:s22+$0x9000]  }
0x891: {  	v0 =	vadd.f32 v3, v0  }
0x892: {  	v3 =	vld [tilespmem:s22+$0x9010]  }
0x893: {  	v0 =	vadd.f32 v1, v0  }
0x894: {  	v1 =	vld [tilespmem:s22+$0x9020]  }
0x895: {  	v0 =	vadd.f32 v2, v0  }
0x896: {  	v2 =	vld [tilespmem:s22+$0x9030]  }
0x897: {  	v0 =	vadd.f32 v3, v0  }
0x898: {  	v3 =	vld [tilespmem:s22+$0x9040]  }
0x899: {  	v0 =	vadd.f32 v1, v0  }
0x89a: {  	v1 =	vld [tilespmem:s22+$0x9050]  }
0x89b: {  	v0 =	vadd.f32 v2, v0  }
0x89c: {  	v2 =	vld [tilespmem:s22+$0x9060]  }
0x89d: {  	v0 =	vadd.f32 v3, v0  }
0x89e: {  	v3 =	vld [tilespmem:s22+$0x9070]  }
0x89f: {  	v0 =	vadd.f32 v1, v0  }
0x8a0: {  	v1 =	vld [tilespmem:s22+$0x9400]  }
0x8a1: {  	v0 =	vadd.f32 v2, v0  }
0x8a2: {  	v2 =	vld [tilespmem:s22+$0x9410]  }
0x8a3: {  	v0 =	vadd.f32 v3, v0  }
0x8a4: {  	v3 =	vld [tilespmem:s22+$0x9420]  }
0x8a5: {  	v0 =	vadd.f32 v1, v0  }
0x8a6: {  	v1 =	vld [tilespmem:s22+$0x9430]  }
0x8a7: {  	v0 =	vadd.f32 v2, v0  }
0x8a8: {  	v2 =	vld [tilespmem:s22+$0x9440]  }
0x8a9: {  	v0 =	vadd.f32 v3, v0  }
0x8aa: {  	v3 =	vld [tilespmem:s22+$0x9450]  }
0x8ab: {  	v0 =	vadd.f32 v1, v0  }
0x8ac: {  	v1 =	vld [tilespmem:s22+$0x9460]  }
0x8ad: {  	v0 =	vadd.f32 v2, v0  }
0x8ae: {  	v2 =	vld [tilespmem:s22+$0x9470]  }
0x8af: {  	v0 =	vadd.f32 v3, v0  }
0x8b0: {  	v3 =	vld [tilespmem:s22+$0x9800]  }
0x8b1: {  	v0 =	vadd.f32 v1, v0  }
0x8b2: {  	v1 =	vld [tilespmem:s22+$0x9810]  }
0x8b3: {  	v0 =	vadd.f32 v2, v0  }
0x8b4: {  	v2 =	vld [tilespmem:s22+$0x9820]  }
0x8b5: {  	v0 =	vadd.f32 v3, v0  }
0x8b6: {  	v3 =	vld [tilespmem:s22+$0x9830]  }
0x8b7: {  	v0 =	vadd.f32 v1, v0  }
0x8b8: {  	v1 =	vld [tilespmem:s22+$0x9840]  }
0x8b9: {  	v0 =	vadd.f32 v2, v0  }
0x8ba: {  	v2 =	vld [tilespmem:s22+$0x9850]  }
0x8bb: {  	v0 =	vadd.f32 v3, v0  }
0x8bc: {  	v3 =	vld [tilespmem:s22+$0x9860]  }
0x8bd: {  	v0 =	vadd.f32 v1, v0  }
0x8be: {  	v1 =	vld [tilespmem:s22+$0x9870]  }
0x8bf: {  	v0 =	vadd.f32 v2, v0  }
0x8c0: {  	v2 =	vld [tilespmem:s22+$0x9C00]  }
0x8c1: {  	v0 =	vadd.f32 v3, v0  }
0x8c2: {  	v3 =	vld [tilespmem:s22+$0x9C10]  }
0x8c3: {  	v0 =	vadd.f32 v1, v0  }
0x8c4: {  	v1 =	vld [tilespmem:s22+$0x9C20]  }
0x8c5: {  	v0 =	vadd.f32 v2, v0  }
0x8c6: {  	v2 =	vld [tilespmem:s22+$0x9C30]  }
0x8c7: {  	v0 =	vadd.f32 v3, v0  }
0x8c8: {  	v3 =	vld [tilespmem:s22+$0x9C40]  }
0x8c9: {  	v0 =	vadd.f32 v1, v0  }
0x8ca: {  	v1 =	vld [tilespmem:s22+$0x9C50]  }
0x8cb: {  	v0 =	vadd.f32 v2, v0  }
0x8cc: {  	v2 =	vld [tilespmem:s22+$0x9C60]  }
0x8cd: {  	v0 =	vadd.f32 v3, v0  }
0x8ce: {  	v3 =	vld [tilespmem:s22+$0x9C70]  }
0x8cf: {  	v0 =	vadd.f32 v1, v0  }
.Ltmp5:
0x8d0: {  	(pc) =	sbr.rel @p0 .LBB2_12-.Ltmp5, $3  }
0x8d1: {  	v0 =	vadd.f32 v2, v0;
	_ =	sdelay $0x1  }
0x8d2: {  	s20 =	sadd.s32 $0x80, s20;
	s19 =	sadd.s32 $0x10, s19;
	s22 =	sand.u32 $0x6000, s21;
	v0 =	vadd.f32 v3, v0  }
0x8d3: {  	s23 =	sand.u32 $0x380, s20;
	s24 =	sand.u32 $0x1F0, s19;
	s21 =	sadd.s32 $0x400, s21  }
0x8d4: {  	s20 =	sor.u32 s23, s22;
	[tilespmem:s24+$0x10A00] =	vst v0  }
0x8d5: {  	v0 =	vld [tilespmem:s20+$0x8000];
	_ =	sdelay $0x1  }
0x8d6: {  	v1 =	vld [tilespmem:s20+$0x8010];
	_ =	sdelay $0x1  }
0x8d7: {  	v2 =	vld [tilespmem:s20+$0x8020]  }
0x8d8: {  	v0 =	vadd.f32 $0.0e+00, v0  }
0x8d9: {  	v3 =	vld [tilespmem:s20+$0x8030]  }
0x8da: {  	v0 =	vadd.f32 v1, v0  }
0x8db: {  	v1 =	vld [tilespmem:s20+$0x8040]  }
0x8dc: {  	v0 =	vadd.f32 v2, v0  }
0x8dd: {  	v2 =	vld [tilespmem:s20+$0x8050]  }
0x8de: {  	v0 =	vadd.f32 v3, v0  }
0x8df: {  	v3 =	vld [tilespmem:s20+$0x8060]  }
0x8e0: {  	v0 =	vadd.f32 v1, v0  }
0x8e1: {  	v1 =	vld [tilespmem:s20+$0x8070]  }
0x8e2: {  	v0 =	vadd.f32 v2, v0  }
0x8e3: {  	v2 =	vld [tilespmem:s20+$0x8400]  }
0x8e4: {  	v0 =	vadd.f32 v3, v0  }
0x8e5: {  	v3 =	vld [tilespmem:s20+$0x8410]  }
0x8e6: {  	v0 =	vadd.f32 v1, v0  }
0x8e7: {  	v1 =	vld [tilespmem:s20+$0x8420]  }
0x8e8: {  	v0 =	vadd.f32 v2, v0  }
0x8e9: {  	v2 =	vld [tilespmem:s20+$0x8430]  }
0x8ea: {  	v0 =	vadd.f32 v3, v0  }
0x8eb: {  	v3 =	vld [tilespmem:s20+$0x8440]  }
0x8ec: {  	v0 =	vadd.f32 v1, v0  }
0x8ed: {  	v1 =	vld [tilespmem:s20+$0x8450]  }
0x8ee: {  	v0 =	vadd.f32 v2, v0  }
0x8ef: {  	v2 =	vld [tilespmem:s20+$0x8460]  }
0x8f0: {  	v0 =	vadd.f32 v3, v0  }
0x8f1: {  	v3 =	vld [tilespmem:s20+$0x8470]  }
0x8f2: {  	v0 =	vadd.f32 v1, v0  }
0x8f3: {  	v1 =	vld [tilespmem:s20+$0x8800]  }
0x8f4: {  	v0 =	vadd.f32 v2, v0  }
0x8f5: {  	v2 =	vld [tilespmem:s20+$0x8810]  }
0x8f6: {  	v0 =	vadd.f32 v3, v0  }
0x8f7: {  	v3 =	vld [tilespmem:s20+$0x8820]  }
0x8f8: {  	v0 =	vadd.f32 v1, v0  }
0x8f9: {  	v1 =	vld [tilespmem:s20+$0x8830]  }
0x8fa: {  	v0 =	vadd.f32 v2, v0  }
0x8fb: {  	v2 =	vld [tilespmem:s20+$0x8840]  }
0x8fc: {  	v0 =	vadd.f32 v3, v0  }
0x8fd: {  	v3 =	vld [tilespmem:s20+$0x8850]  }
0x8fe: {  	v0 =	vadd.f32 v1, v0  }
0x8ff: {  	v1 =	vld [tilespmem:s20+$0x8860]  }
0x900: {  	v0 =	vadd.f32 v2, v0  }
0x901: {  	v2 =	vld [tilespmem:s20+$0x8870]  }
0x902: {  	v0 =	vadd.f32 v3, v0  }
0x903: {  	v3 =	vld [tilespmem:s20+$0x8C00]  }
0x904: {  	v0 =	vadd.f32 v1, v0  }
0x905: {  	v1 =	vld [tilespmem:s20+$0x8C10]  }
0x906: {  	v0 =	vadd.f32 v2, v0  }
0x907: {  	v2 =	vld [tilespmem:s20+$0x8C20]  }
0x908: {  	v0 =	vadd.f32 v3, v0  }
0x909: {  	v3 =	vld [tilespmem:s20+$0x8C30]  }
0x90a: {  	v0 =	vadd.f32 v1, v0  }
0x90b: {  	v1 =	vld [tilespmem:s20+$0x8C40]  }
0x90c: {  	v0 =	vadd.f32 v2, v0  }
0x90d: {  	v2 =	vld [tilespmem:s20+$0x8C50]  }
0x90e: {  	v0 =	vadd.f32 v3, v0  }
0x90f: {  	v3 =	vld [tilespmem:s20+$0x8C60]  }
0x910: {  	v0 =	vadd.f32 v1, v0  }
0x911: {  	v1 =	vld [tilespmem:s20+$0x8C70]  }
0x912: {  	v0 =	vadd.f32 v2, v0  }
0x913: {  	v2 =	vld [tilespmem:s20+$0x9000]  }
0x914: {  	v0 =	vadd.f32 v3, v0  }
0x915: {  	v3 =	vld [tilespmem:s20+$0x9010]  }
0x916: {  	v0 =	vadd.f32 v1, v0  }
0x917: {  	v1 =	vld [tilespmem:s20+$0x9020]  }
0x918: {  	v0 =	vadd.f32 v2, v0  }
0x919: {  	v2 =	vld [tilespmem:s20+$0x9030]  }
0x91a: {  	v0 =	vadd.f32 v3, v0  }
0x91b: {  	v3 =	vld [tilespmem:s20+$0x9040]  }
0x91c: {  	v0 =	vadd.f32 v1, v0  }
0x91d: {  	v1 =	vld [tilespmem:s20+$0x9050]  }
0x91e: {  	v0 =	vadd.f32 v2, v0  }
0x91f: {  	v2 =	vld [tilespmem:s20+$0x9060]  }
0x920: {  	v0 =	vadd.f32 v3, v0  }
0x921: {  	v3 =	vld [tilespmem:s20+$0x9070]  }
0x922: {  	v0 =	vadd.f32 v1, v0  }
0x923: {  	v1 =	vld [tilespmem:s20+$0x9400]  }
0x924: {  	v0 =	vadd.f32 v2, v0  }
0x925: {  	v2 =	vld [tilespmem:s20+$0x9410]  }
0x926: {  	v0 =	vadd.f32 v3, v0  }
0x927: {  	v3 =	vld [tilespmem:s20+$0x9420]  }
0x928: {  	v0 =	vadd.f32 v1, v0  }
0x929: {  	v1 =	vld [tilespmem:s20+$0x9430]  }
0x92a: {  	v0 =	vadd.f32 v2, v0  }
0x92b: {  	v2 =	vld [tilespmem:s20+$0x9440]  }
0x92c: {  	v0 =	vadd.f32 v3, v0  }
0x92d: {  	v3 =	vld [tilespmem:s20+$0x9450]  }
0x92e: {  	v0 =	vadd.f32 v1, v0  }
0x92f: {  	v1 =	vld [tilespmem:s20+$0x9460]  }
0x930: {  	v0 =	vadd.f32 v2, v0  }
0x931: {  	v2 =	vld [tilespmem:s20+$0x9470]  }
0x932: {  	v0 =	vadd.f32 v3, v0  }
0x933: {  	v3 =	vld [tilespmem:s20+$0x9800]  }
0x934: {  	v0 =	vadd.f32 v1, v0  }
0x935: {  	v1 =	vld [tilespmem:s20+$0x9810]  }
0x936: {  	v0 =	vadd.f32 v2, v0  }
0x937: {  	v2 =	vld [tilespmem:s20+$0x9820]  }
0x938: {  	v0 =	vadd.f32 v3, v0  }
0x939: {  	v3 =	vld [tilespmem:s20+$0x9830]  }
0x93a: {  	v0 =	vadd.f32 v1, v0  }
0x93b: {  	v1 =	vld [tilespmem:s20+$0x9840]  }
0x93c: {  	v0 =	vadd.f32 v2, v0  }
0x93d: {  	v2 =	vld [tilespmem:s20+$0x9850]  }
0x93e: {  	v0 =	vadd.f32 v3, v0  }
0x93f: {  	v3 =	vld [tilespmem:s20+$0x9860]  }
0x940: {  	v0 =	vadd.f32 v1, v0  }
0x941: {  	v1 =	vld [tilespmem:s20+$0x9870]  }
0x942: {  	v0 =	vadd.f32 v2, v0  }
0x943: {  	v2 =	vld [tilespmem:s20+$0x9C00]  }
0x944: {  	v0 =	vadd.f32 v3, v0  }
0x945: {  	v3 =	vld [tilespmem:s20+$0x9C10]  }
0x946: {  	v0 =	vadd.f32 v1, v0  }
0x947: {  	v1 =	vld [tilespmem:s20+$0x9C20]  }
0x948: {  	v0 =	vadd.f32 v2, v0  }
0x949: {  	v2 =	vld [tilespmem:s20+$0x9C30]  }
0x94a: {  	v0 =	vadd.f32 v3, v0  }
0x94b: {  	v3 =	vld [tilespmem:s20+$0x9C40]  }
0x94c: {  	v0 =	vadd.f32 v1, v0  }
0x94d: {  	v1 =	vld [tilespmem:s20+$0x9C50]  }
0x94e: {  	v0 =	vadd.f32 v2, v0  }
0x94f: {  	v2 =	vld [tilespmem:s20+$0x9C60]  }
0x950: {  	v0 =	vadd.f32 v3, v0  }
0x951: {  	v3 =	vld [tilespmem:s20+$0x9C70]  }
0x952: {  	v0 =	vadd.f32 v1, v0;
	_ =	sdelay $0x1  }
0x953: {  	v0 =	vadd.f32 v2, v0;
	_ =	sdelay $0x1  }
0x954: {  	s19 =	sadd.s32 $0x10, s19;
	v0 =	vadd.f32 v3, v0  }
0x955: {  	s19 =	sand.u32 $0x1F0, s19  }
0x956: {  	[tilespmem:s19+$0x10A00] =	vst v0;
	s19 =	simm.s32 $0x0  }
0x957: {  	[tilespmem:s13], [sflag:$0x2] =	stream.linear.gather [hbm4b:s10+s19], $0x8000, $0x38;
	[tilespmem:$0x11000] =	vst v63  }
0x958: {  	_ =	swait.ge [sflag:s14], $0x8000  }
0x959: {  	s30 =	sand.u32 $0x6000, s19;
	s21 =	sand.u32 $0x380, s19;
	[sflag:s14] =	ssyncset.done $0x0  }
0x95a: {  	s20 =	sor.u32 s21, s30;
	[sflag:s14] =	ssyncadd.s32 $0xFFFF8000  }
0x95b: {  	v0 =	vld [tilespmem:s20+$0x0];
	_ =	sdelay $0x1  }
0x95c: {  	v1 =	vld [tilespmem:s20+$0x10];
	_ =	sdelay $0x1  }
0x95d: {  	v2 =	vld [tilespmem:s20+$0x20]  }
0x95e: {  	v0 =	vadd.f32 $0.0e+00, v0  }
0x95f: {  	v3 =	vld [tilespmem:s20+$0x30]  }
0x960: {  	v0 =	vadd.f32 v1, v0  }
0x961: {  	v1 =	vld [tilespmem:s20+$0x40]  }
0x962: {  	v0 =	vadd.f32 v2, v0  }
0x963: {  	v2 =	vld [tilespmem:s20+$0x50]  }
0x964: {  	v0 =	vadd.f32 v3, v0  }
0x965: {  	v3 =	vld [tilespmem:s20+$0x60]  }
0x966: {  	v0 =	vadd.f32 v1, v0  }
0x967: {  	v1 =	vld [tilespmem:s20+$0x70]  }
0x968: {  	v0 =	vadd.f32 v2, v0  }
0x969: {  	v2 =	vld [tilespmem:s20+$0x400]  }
0x96a: {  	v0 =	vadd.f32 v3, v0  }
0x96b: {  	v3 =	vld [tilespmem:s20+$0x410]  }
0x96c: {  	v0 =	vadd.f32 v1, v0  }
0x96d: {  	v1 =	vld [tilespmem:s20+$0x420]  }
0x96e: {  	v0 =	vadd.f32 v2, v0  }
0x96f: {  	v2 =	vld [tilespmem:s20+$0x430]  }
0x970: {  	v0 =	vadd.f32 v3, v0  }
0x971: {  	v3 =	vld [tilespmem:s20+$0x440]  }
0x972: {  	v0 =	vadd.f32 v1, v0  }
0x973: {  	v1 =	vld [tilespmem:s20+$0x450]  }
0x974: {  	v0 =	vadd.f32 v2, v0  }
0x975: {  	v2 =	vld [tilespmem:s20+$0x460]  }
0x976: {  	v0 =	vadd.f32 v3, v0  }
0x977: {  	v3 =	vld [tilespmem:s20+$0x470]  }
0x978: {  	v0 =	vadd.f32 v1, v0  }
0x979: {  	v1 =	vld [tilespmem:s20+$0x800]  }
0x97a: {  	v0 =	vadd.f32 v2, v0  }
0x97b: {  	v2 =	vld [tilespmem:s20+$0x810]  }
0x97c: {  	v0 =	vadd.f32 v3, v0  }
0x97d: {  	v3 =	vld [tilespmem:s20+$0x820]  }
0x97e: {  	v0 =	vadd.f32 v1, v0  }
0x97f: {  	v1 =	vld [tilespmem:s20+$0x830]  }
0x980: {  	v0 =	vadd.f32 v2, v0  }
0x981: {  	v2 =	vld [tilespmem:s20+$0x840]  }
0x982: {  	v0 =	vadd.f32 v3, v0  }
0x983: {  	v3 =	vld [tilespmem:s20+$0x850]  }
0x984: {  	v0 =	vadd.f32 v1, v0  }
0x985: {  	v1 =	vld [tilespmem:s20+$0x860]  }
0x986: {  	v0 =	vadd.f32 v2, v0  }
0x987: {  	v2 =	vld [tilespmem:s20+$0x870]  }
0x988: {  	v0 =	vadd.f32 v3, v0  }
0x989: {  	v3 =	vld [tilespmem:s20+$0xC00]  }
0x98a: {  	v0 =	vadd.f32 v1, v0  }
0x98b: {  	v1 =	vld [tilespmem:s20+$0xC10]  }
0x98c: {  	v0 =	vadd.f32 v2, v0  }
0x98d: {  	v2 =	vld [tilespmem:s20+$0xC20]  }
0x98e: {  	v0 =	vadd.f32 v3, v0  }
0x98f: {  	v3 =	vld [tilespmem:s20+$0xC30]  }
0x990: {  	v0 =	vadd.f32 v1, v0  }
0x991: {  	v1 =	vld [tilespmem:s20+$0xC40]  }
0x992: {  	v0 =	vadd.f32 v2, v0  }
0x993: {  	v2 =	vld [tilespmem:s20+$0xC50]  }
0x994: {  	v0 =	vadd.f32 v3, v0  }
0x995: {  	v3 =	vld [tilespmem:s20+$0xC60]  }
0x996: {  	v0 =	vadd.f32 v1, v0  }
0x997: {  	v1 =	vld [tilespmem:s20+$0xC70]  }
0x998: {  	v0 =	vadd.f32 v2, v0  }
0x999: {  	v2 =	vld [tilespmem:s20+$0x1000]  }
0x99a: {  	v0 =	vadd.f32 v3, v0  }
0x99b: {  	v3 =	vld [tilespmem:s20+$0x1010]  }
0x99c: {  	v0 =	vadd.f32 v1, v0  }
0x99d: {  	v1 =	vld [tilespmem:s20+$0x1020]  }
0x99e: {  	v0 =	vadd.f32 v2, v0  }
0x99f: {  	v2 =	vld [tilespmem:s20+$0x1030]  }
0x9a0: {  	v0 =	vadd.f32 v3, v0  }
0x9a1: {  	v3 =	vld [tilespmem:s20+$0x1040]  }
0x9a2: {  	v0 =	vadd.f32 v1, v0  }
0x9a3: {  	v1 =	vld [tilespmem:s20+$0x1050]  }
0x9a4: {  	v0 =	vadd.f32 v2, v0  }
0x9a5: {  	v2 =	vld [tilespmem:s20+$0x1060]  }
0x9a6: {  	v0 =	vadd.f32 v3, v0  }
0x9a7: {  	v3 =	vld [tilespmem:s20+$0x1070]  }
0x9a8: {  	v0 =	vadd.f32 v1, v0  }
0x9a9: {  	v1 =	vld [tilespmem:s20+$0x1400]  }
0x9aa: {  	v0 =	vadd.f32 v2, v0  }
0x9ab: {  	v2 =	vld [tilespmem:s20+$0x1410]  }
0x9ac: {  	v0 =	vadd.f32 v3, v0  }
0x9ad: {  	v3 =	vld [tilespmem:s20+$0x1420]  }
0x9ae: {  	v0 =	vadd.f32 v1, v0  }
0x9af: {  	v1 =	vld [tilespmem:s20+$0x1430]  }
0x9b0: {  	v0 =	vadd.f32 v2, v0  }
0x9b1: {  	v2 =	vld [tilespmem:s20+$0x1440]  }
0x9b2: {  	v0 =	vadd.f32 v3, v0  }
0x9b3: {  	v3 =	vld [tilespmem:s20+$0x1450]  }
0x9b4: {  	v0 =	vadd.f32 v1, v0  }
0x9b5: {  	v1 =	vld [tilespmem:s20+$0x1460]  }
0x9b6: {  	v0 =	vadd.f32 v2, v0  }
0x9b7: {  	v2 =	vld [tilespmem:s20+$0x1470]  }
0x9b8: {  	v0 =	vadd.f32 v3, v0  }
0x9b9: {  	v3 =	vld [tilespmem:s20+$0x1800]  }
0x9ba: {  	v0 =	vadd.f32 v1, v0  }
0x9bb: {  	v1 =	vld [tilespmem:s20+$0x1810]  }
0x9bc: {  	v0 =	vadd.f32 v2, v0  }
0x9bd: {  	v2 =	vld [tilespmem:s20+$0x1820]  }
0x9be: {  	v0 =	vadd.f32 v3, v0  }
0x9bf: {  	v3 =	vld [tilespmem:s20+$0x1830]  }
0x9c0: {  	v0 =	vadd.f32 v1, v0  }
0x9c1: {  	v1 =	vld [tilespmem:s20+$0x1840]  }
0x9c2: {  	v0 =	vadd.f32 v2, v0  }
0x9c3: {  	v2 =	vld [tilespmem:s20+$0x1850]  }
0x9c4: {  	v0 =	vadd.f32 v3, v0  }
0x9c5: {  	v3 =	vld [tilespmem:s20+$0x1860]  }
0x9c6: {  	v0 =	vadd.f32 v1, v0  }
0x9c7: {  	v1 =	vld [tilespmem:s20+$0x1870]  }
0x9c8: {  	v0 =	vadd.f32 v2, v0  }
0x9c9: {  	v2 =	vld [tilespmem:s20+$0x1C00]  }
0x9ca: {  	v0 =	vadd.f32 v3, v0  }
0x9cb: {  	v3 =	vld [tilespmem:s20+$0x1C10]  }
0x9cc: {  	v0 =	vadd.f32 v1, v0  }
0x9cd: {  	v1 =	vld [tilespmem:s20+$0x1C20]  }
0x9ce: {  	v0 =	vadd.f32 v2, v0  }
0x9cf: {  	v2 =	vld [tilespmem:s20+$0x1C30]  }
0x9d0: {  	v0 =	vadd.f32 v3, v0  }
0x9d1: {  	v3 =	vld [tilespmem:s20+$0x1C40]  }
0x9d2: {  	v0 =	vadd.f32 v1, v0  }
0x9d3: {  	v1 =	vld [tilespmem:s20+$0x1C50]  }
0x9d4: {  	v0 =	vadd.f32 v2, v0  }
0x9d5: {  	v2 =	vld [tilespmem:s20+$0x1C60]  }
0x9d6: {  	v0 =	vadd.f32 v3, v0  }
0x9d7: {  	v3 =	vld [tilespmem:s20+$0x1C70]  }
0x9d8: {  	v0 =	vadd.f32 v1, v0;
	_ =	sdelay $0x1  }
0x9d9: {  	v0 =	vadd.f32 v2, v0  }
0x9da: {  	s31 =	simm.s32 $0x400  }
0x9db: {  	s22 =	sand.u32 $0x6000, s31;
	s20 =	simm.s32 $0x80;
	v0 =	vadd.f32 v3, v0  }
0x9dc: {  	s24 =	sand.u32 $0x1F0, s19;
	s21 =	simm.s32 $0x800;
	s23 =	sand.u32 $0x380, s20  }
.LBB2_14:
0x9dd: {  	p0 =	sne.s32 s21, $0x7C00;
	s22 =	sor.u32 s23, s22;
	[tilespmem:s24+$0x10C00] =	vst v0  }
0x9de: {  	v0 =	vld [tilespmem:s22+$0x0];
	_ =	sdelay $0x1  }
0x9df: {  	v1 =	vld [tilespmem:s22+$0x10];
	_ =	sdelay $0x1  }
0x9e0: {  	v2 =	vld [tilespmem:s22+$0x20]  }
0x9e1: {  	v0 =	vadd.f32 $0.0e+00, v0  }
0x9e2: {  	v3 =	vld [tilespmem:s22+$0x30]  }
0x9e3: {  	v0 =	vadd.f32 v1, v0  }
0x9e4: {  	v1 =	vld [tilespmem:s22+$0x40]  }
0x9e5: {  	v0 =	vadd.f32 v2, v0  }
0x9e6: {  	v2 =	vld [tilespmem:s22+$0x50]  }
0x9e7: {  	v0 =	vadd.f32 v3, v0  }
0x9e8: {  	v3 =	vld [tilespmem:s22+$0x60]  }
0x9e9: {  	v0 =	vadd.f32 v1, v0  }
0x9ea: {  	v1 =	vld [tilespmem:s22+$0x70]  }
0x9eb: {  	v0 =	vadd.f32 v2, v0  }
0x9ec: {  	v2 =	vld [tilespmem:s22+$0x400]  }
0x9ed: {  	v0 =	vadd.f32 v3, v0  }
0x9ee: {  	v3 =	vld [tilespmem:s22+$0x410]  }
0x9ef: {  	v0 =	vadd.f32 v1, v0  }
0x9f0: {  	v1 =	vld [tilespmem:s22+$0x420]  }
0x9f1: {  	v0 =	vadd.f32 v2, v0  }
0x9f2: {  	v2 =	vld [tilespmem:s22+$0x430]  }
0x9f3: {  	v0 =	vadd.f32 v3, v0  }
0x9f4: {  	v3 =	vld [tilespmem:s22+$0x440]  }
0x9f5: {  	v0 =	vadd.f32 v1, v0  }
0x9f6: {  	v1 =	vld [tilespmem:s22+$0x450]  }
0x9f7: {  	v0 =	vadd.f32 v2, v0  }
0x9f8: {  	v2 =	vld [tilespmem:s22+$0x460]  }
0x9f9: {  	v0 =	vadd.f32 v3, v0  }
0x9fa: {  	v3 =	vld [tilespmem:s22+$0x470]  }
0x9fb: {  	v0 =	vadd.f32 v1, v0  }
0x9fc: {  	v1 =	vld [tilespmem:s22+$0x800]  }
0x9fd: {  	v0 =	vadd.f32 v2, v0  }
0x9fe: {  	v2 =	vld [tilespmem:s22+$0x810]  }
0x9ff: {  	v0 =	vadd.f32 v3, v0  }
0xa00: {  	v3 =	vld [tilespmem:s22+$0x820]  }
0xa01: {  	v0 =	vadd.f32 v1, v0  }
0xa02: {  	v1 =	vld [tilespmem:s22+$0x830]  }
0xa03: {  	v0 =	vadd.f32 v2, v0  }
0xa04: {  	v2 =	vld [tilespmem:s22+$0x840]  }
0xa05: {  	v0 =	vadd.f32 v3, v0  }
0xa06: {  	v3 =	vld [tilespmem:s22+$0x850]  }
0xa07: {  	v0 =	vadd.f32 v1, v0  }
0xa08: {  	v1 =	vld [tilespmem:s22+$0x860]  }
0xa09: {  	v0 =	vadd.f32 v2, v0  }
0xa0a: {  	v2 =	vld [tilespmem:s22+$0x870]  }
0xa0b: {  	v0 =	vadd.f32 v3, v0  }
0xa0c: {  	v3 =	vld [tilespmem:s22+$0xC00]  }
0xa0d: {  	v0 =	vadd.f32 v1, v0  }
0xa0e: {  	v1 =	vld [tilespmem:s22+$0xC10]  }
0xa0f: {  	v0 =	vadd.f32 v2, v0  }
0xa10: {  	v2 =	vld [tilespmem:s22+$0xC20]  }
0xa11: {  	v0 =	vadd.f32 v3, v0  }
0xa12: {  	v3 =	vld [tilespmem:s22+$0xC30]  }
0xa13: {  	v0 =	vadd.f32 v1, v0  }
0xa14: {  	v1 =	vld [tilespmem:s22+$0xC40]  }
0xa15: {  	v0 =	vadd.f32 v2, v0  }
0xa16: {  	v2 =	vld [tilespmem:s22+$0xC50]  }
0xa17: {  	v0 =	vadd.f32 v3, v0  }
0xa18: {  	v3 =	vld [tilespmem:s22+$0xC60]  }
0xa19: {  	v0 =	vadd.f32 v1, v0  }
0xa1a: {  	v1 =	vld [tilespmem:s22+$0xC70]  }
0xa1b: {  	v0 =	vadd.f32 v2, v0  }
0xa1c: {  	v2 =	vld [tilespmem:s22+$0x1000]  }
0xa1d: {  	v0 =	vadd.f32 v3, v0  }
0xa1e: {  	v3 =	vld [tilespmem:s22+$0x1010]  }
0xa1f: {  	v0 =	vadd.f32 v1, v0  }
0xa20: {  	v1 =	vld [tilespmem:s22+$0x1020]  }
0xa21: {  	v0 =	vadd.f32 v2, v0  }
0xa22: {  	v2 =	vld [tilespmem:s22+$0x1030]  }
0xa23: {  	v0 =	vadd.f32 v3, v0  }
0xa24: {  	v3 =	vld [tilespmem:s22+$0x1040]  }
0xa25: {  	v0 =	vadd.f32 v1, v0  }
0xa26: {  	v1 =	vld [tilespmem:s22+$0x1050]  }
0xa27: {  	v0 =	vadd.f32 v2, v0  }
0xa28: {  	v2 =	vld [tilespmem:s22+$0x1060]  }
0xa29: {  	v0 =	vadd.f32 v3, v0  }
0xa2a: {  	v3 =	vld [tilespmem:s22+$0x1070]  }
0xa2b: {  	v0 =	vadd.f32 v1, v0  }
0xa2c: {  	v1 =	vld [tilespmem:s22+$0x1400]  }
0xa2d: {  	v0 =	vadd.f32 v2, v0  }
0xa2e: {  	v2 =	vld [tilespmem:s22+$0x1410]  }
0xa2f: {  	v0 =	vadd.f32 v3, v0  }
0xa30: {  	v3 =	vld [tilespmem:s22+$0x1420]  }
0xa31: {  	v0 =	vadd.f32 v1, v0  }
0xa32: {  	v1 =	vld [tilespmem:s22+$0x1430]  }
0xa33: {  	v0 =	vadd.f32 v2, v0  }
0xa34: {  	v2 =	vld [tilespmem:s22+$0x1440]  }
0xa35: {  	v0 =	vadd.f32 v3, v0  }
0xa36: {  	v3 =	vld [tilespmem:s22+$0x1450]  }
0xa37: {  	v0 =	vadd.f32 v1, v0  }
0xa38: {  	v1 =	vld [tilespmem:s22+$0x1460]  }
0xa39: {  	v0 =	vadd.f32 v2, v0  }
0xa3a: {  	v2 =	vld [tilespmem:s22+$0x1470]  }
0xa3b: {  	v0 =	vadd.f32 v3, v0  }
0xa3c: {  	v3 =	vld [tilespmem:s22+$0x1800]  }
0xa3d: {  	v0 =	vadd.f32 v1, v0  }
0xa3e: {  	v1 =	vld [tilespmem:s22+$0x1810]  }
0xa3f: {  	v0 =	vadd.f32 v2, v0  }
0xa40: {  	v2 =	vld [tilespmem:s22+$0x1820]  }
0xa41: {  	v0 =	vadd.f32 v3, v0  }
0xa42: {  	v3 =	vld [tilespmem:s22+$0x1830]  }
0xa43: {  	v0 =	vadd.f32 v1, v0  }
0xa44: {  	v1 =	vld [tilespmem:s22+$0x1840]  }
0xa45: {  	v0 =	vadd.f32 v2, v0  }
0xa46: {  	v2 =	vld [tilespmem:s22+$0x1850]  }
0xa47: {  	v0 =	vadd.f32 v3, v0  }
0xa48: {  	v3 =	vld [tilespmem:s22+$0x1860]  }
0xa49: {  	v0 =	vadd.f32 v1, v0  }
0xa4a: {  	v1 =	vld [tilespmem:s22+$0x1870]  }
0xa4b: {  	v0 =	vadd.f32 v2, v0  }
0xa4c: {  	v2 =	vld [tilespmem:s22+$0x1C00]  }
0xa4d: {  	v0 =	vadd.f32 v3, v0  }
0xa4e: {  	v3 =	vld [tilespmem:s22+$0x1C10]  }
0xa4f: {  	v0 =	vadd.f32 v1, v0  }
0xa50: {  	v1 =	vld [tilespmem:s22+$0x1C20]  }
0xa51: {  	v0 =	vadd.f32 v2, v0  }
0xa52: {  	v2 =	vld [tilespmem:s22+$0x1C30]  }
0xa53: {  	v0 =	vadd.f32 v3, v0  }
0xa54: {  	v3 =	vld [tilespmem:s22+$0x1C40]  }
0xa55: {  	v0 =	vadd.f32 v1, v0  }
0xa56: {  	v1 =	vld [tilespmem:s22+$0x1C50]  }
0xa57: {  	v0 =	vadd.f32 v2, v0  }
0xa58: {  	v2 =	vld [tilespmem:s22+$0x1C60]  }
0xa59: {  	v0 =	vadd.f32 v3, v0  }
0xa5a: {  	v3 =	vld [tilespmem:s22+$0x1C70]  }
0xa5b: {  	v0 =	vadd.f32 v1, v0  }
.Ltmp6:
0xa5c: {  	(pc) =	sbr.rel @p0 .LBB2_14-.Ltmp6, $3  }
0xa5d: {  	v0 =	vadd.f32 v2, v0;
	_ =	sdelay $0x1  }
0xa5e: {  	s20 =	sadd.s32 $0x80, s20;
	s19 =	sadd.s32 $0x10, s19;
	s22 =	sand.u32 $0x6000, s21;
	v0 =	vadd.f32 v3, v0  }
0xa5f: {  	s23 =	sand.u32 $0x380, s20;
	s24 =	sand.u32 $0x1F0, s19;
	s21 =	sadd.s32 $0x400, s21  }
0xa60: {  	s20 =	sor.u32 s23, s22;
	[tilespmem:s24+$0x10C00] =	vst v0  }
0xa61: {  	v0 =	vld [tilespmem:s20+$0x0];
	_ =	sdelay $0x1  }
0xa62: {  	v1 =	vld [tilespmem:s20+$0x10];
	_ =	sdelay $0x1  }
0xa63: {  	v2 =	vld [tilespmem:s20+$0x20]  }
0xa64: {  	v0 =	vadd.f32 $0.0e+00, v0  }
0xa65: {  	v3 =	vld [tilespmem:s20+$0x30]  }
0xa66: {  	v0 =	vadd.f32 v1, v0  }
0xa67: {  	v1 =	vld [tilespmem:s20+$0x40]  }
0xa68: {  	v0 =	vadd.f32 v2, v0  }
0xa69: {  	v2 =	vld [tilespmem:s20+$0x50]  }
0xa6a: {  	v0 =	vadd.f32 v3, v0  }
0xa6b: {  	v3 =	vld [tilespmem:s20+$0x60]  }
0xa6c: {  	v0 =	vadd.f32 v1, v0  }
0xa6d: {  	v1 =	vld [tilespmem:s20+$0x70]  }
0xa6e: {  	v0 =	vadd.f32 v2, v0  }
0xa6f: {  	v2 =	vld [tilespmem:s20+$0x400]  }
0xa70: {  	v0 =	vadd.f32 v3, v0  }
0xa71: {  	v3 =	vld [tilespmem:s20+$0x410]  }
0xa72: {  	v0 =	vadd.f32 v1, v0  }
0xa73: {  	v1 =	vld [tilespmem:s20+$0x420]  }
0xa74: {  	v0 =	vadd.f32 v2, v0  }
0xa75: {  	v2 =	vld [tilespmem:s20+$0x430]  }
0xa76: {  	v0 =	vadd.f32 v3, v0  }
0xa77: {  	v3 =	vld [tilespmem:s20+$0x440]  }
0xa78: {  	v0 =	vadd.f32 v1, v0  }
0xa79: {  	v1 =	vld [tilespmem:s20+$0x450]  }
0xa7a: {  	v0 =	vadd.f32 v2, v0  }
0xa7b: {  	v2 =	vld [tilespmem:s20+$0x460]  }
0xa7c: {  	v0 =	vadd.f32 v3, v0  }
0xa7d: {  	v3 =	vld [tilespmem:s20+$0x470]  }
0xa7e: {  	v0 =	vadd.f32 v1, v0  }
0xa7f: {  	v1 =	vld [tilespmem:s20+$0x800]  }
0xa80: {  	v0 =	vadd.f32 v2, v0  }
0xa81: {  	v2 =	vld [tilespmem:s20+$0x810]  }
0xa82: {  	v0 =	vadd.f32 v3, v0  }
0xa83: {  	v3 =	vld [tilespmem:s20+$0x820]  }
0xa84: {  	v0 =	vadd.f32 v1, v0  }
0xa85: {  	v1 =	vld [tilespmem:s20+$0x830]  }
0xa86: {  	v0 =	vadd.f32 v2, v0  }
0xa87: {  	v2 =	vld [tilespmem:s20+$0x840]  }
0xa88: {  	v0 =	vadd.f32 v3, v0  }
0xa89: {  	v3 =	vld [tilespmem:s20+$0x850]  }
0xa8a: {  	v0 =	vadd.f32 v1, v0  }
0xa8b: {  	v1 =	vld [tilespmem:s20+$0x860]  }
0xa8c: {  	v0 =	vadd.f32 v2, v0  }
0xa8d: {  	v2 =	vld [tilespmem:s20+$0x870]  }
0xa8e: {  	v0 =	vadd.f32 v3, v0  }
0xa8f: {  	v3 =	vld [tilespmem:s20+$0xC00]  }
0xa90: {  	v0 =	vadd.f32 v1, v0  }
0xa91: {  	v1 =	vld [tilespmem:s20+$0xC10]  }
0xa92: {  	v0 =	vadd.f32 v2, v0  }
0xa93: {  	v2 =	vld [tilespmem:s20+$0xC20]  }
0xa94: {  	v0 =	vadd.f32 v3, v0  }
0xa95: {  	v3 =	vld [tilespmem:s20+$0xC30]  }
0xa96: {  	v0 =	vadd.f32 v1, v0  }
0xa97: {  	v1 =	vld [tilespmem:s20+$0xC40]  }
0xa98: {  	v0 =	vadd.f32 v2, v0  }
0xa99: {  	v2 =	vld [tilespmem:s20+$0xC50]  }
0xa9a: {  	v0 =	vadd.f32 v3, v0  }
0xa9b: {  	v3 =	vld [tilespmem:s20+$0xC60]  }
0xa9c: {  	v0 =	vadd.f32 v1, v0  }
0xa9d: {  	v1 =	vld [tilespmem:s20+$0xC70]  }
0xa9e: {  	v0 =	vadd.f32 v2, v0  }
0xa9f: {  	v2 =	vld [tilespmem:s20+$0x1000]  }
0xaa0: {  	v0 =	vadd.f32 v3, v0  }
0xaa1: {  	v3 =	vld [tilespmem:s20+$0x1010]  }
0xaa2: {  	v0 =	vadd.f32 v1, v0  }
0xaa3: {  	v1 =	vld [tilespmem:s20+$0x1020]  }
0xaa4: {  	v0 =	vadd.f32 v2, v0  }
0xaa5: {  	v2 =	vld [tilespmem:s20+$0x1030]  }
0xaa6: {  	v0 =	vadd.f32 v3, v0  }
0xaa7: {  	v3 =	vld [tilespmem:s20+$0x1040]  }
0xaa8: {  	v0 =	vadd.f32 v1, v0  }
0xaa9: {  	v1 =	vld [tilespmem:s20+$0x1050]  }
0xaaa: {  	v0 =	vadd.f32 v2, v0  }
0xaab: {  	v2 =	vld [tilespmem:s20+$0x1060]  }
0xaac: {  	v0 =	vadd.f32 v3, v0  }
0xaad: {  	v3 =	vld [tilespmem:s20+$0x1070]  }
0xaae: {  	v0 =	vadd.f32 v1, v0  }
0xaaf: {  	v1 =	vld [tilespmem:s20+$0x1400]  }
0xab0: {  	v0 =	vadd.f32 v2, v0  }
0xab1: {  	v2 =	vld [tilespmem:s20+$0x1410]  }
0xab2: {  	v0 =	vadd.f32 v3, v0  }
0xab3: {  	v3 =	vld [tilespmem:s20+$0x1420]  }
0xab4: {  	v0 =	vadd.f32 v1, v0  }
0xab5: {  	v1 =	vld [tilespmem:s20+$0x1430]  }
0xab6: {  	v0 =	vadd.f32 v2, v0  }
0xab7: {  	v2 =	vld [tilespmem:s20+$0x1440]  }
0xab8: {  	v0 =	vadd.f32 v3, v0  }
0xab9: {  	v3 =	vld [tilespmem:s20+$0x1450]  }
0xaba: {  	v0 =	vadd.f32 v1, v0  }
0xabb: {  	v1 =	vld [tilespmem:s20+$0x1460]  }
0xabc: {  	v0 =	vadd.f32 v2, v0  }
0xabd: {  	v2 =	vld [tilespmem:s20+$0x1470]  }
0xabe: {  	v0 =	vadd.f32 v3, v0  }
0xabf: {  	v3 =	vld [tilespmem:s20+$0x1800]  }
0xac0: {  	v0 =	vadd.f32 v1, v0  }
0xac1: {  	v1 =	vld [tilespmem:s20+$0x1810]  }
0xac2: {  	v0 =	vadd.f32 v2, v0  }
0xac3: {  	v2 =	vld [tilespmem:s20+$0x1820]  }
0xac4: {  	v0 =	vadd.f32 v3, v0  }
0xac5: {  	v3 =	vld [tilespmem:s20+$0x1830]  }
0xac6: {  	v0 =	vadd.f32 v1, v0  }
0xac7: {  	v1 =	vld [tilespmem:s20+$0x1840]  }
0xac8: {  	v0 =	vadd.f32 v2, v0  }
0xac9: {  	v2 =	vld [tilespmem:s20+$0x1850]  }
0xaca: {  	v0 =	vadd.f32 v3, v0  }
0xacb: {  	v3 =	vld [tilespmem:s20+$0x1860]  }
0xacc: {  	v0 =	vadd.f32 v1, v0  }
0xacd: {  	v1 =	vld [tilespmem:s20+$0x1870]  }
0xace: {  	v0 =	vadd.f32 v2, v0  }
0xacf: {  	v2 =	vld [tilespmem:s20+$0x1C00]  }
0xad0: {  	v0 =	vadd.f32 v3, v0  }
0xad1: {  	v3 =	vld [tilespmem:s20+$0x1C10]  }
0xad2: {  	v0 =	vadd.f32 v1, v0  }
0xad3: {  	v1 =	vld [tilespmem:s20+$0x1C20]  }
0xad4: {  	v0 =	vadd.f32 v2, v0  }
0xad5: {  	v2 =	vld [tilespmem:s20+$0x1C30]  }
0xad6: {  	v0 =	vadd.f32 v3, v0  }
0xad7: {  	v3 =	vld [tilespmem:s20+$0x1C40]  }
0xad8: {  	v0 =	vadd.f32 v1, v0  }
0xad9: {  	v1 =	vld [tilespmem:s20+$0x1C50]  }
0xada: {  	v0 =	vadd.f32 v2, v0  }
0xadb: {  	v2 =	vld [tilespmem:s20+$0x1C60]  }
0xadc: {  	v0 =	vadd.f32 v3, v0  }
0xadd: {  	v3 =	vld [tilespmem:s20+$0x1C70]  }
0xade: {  	v0 =	vadd.f32 v1, v0;
	_ =	sdelay $0x1  }
0xadf: {  	v0 =	vadd.f32 v2, v0;
	_ =	sdelay $0x1  }
0xae0: {  	s19 =	sadd.s32 $0x10, s19;
	v0 =	vadd.f32 v3, v0  }
0xae1: {  	s19 =	sand.u32 $0x1F0, s19  }
0xae2: {  	[tilespmem:s19+$0x10C00] =	vst v0  }
0xae3: {  	s19 =	simm.s32 $0x0;
	_ =	swait.ge [sflag:s15], $0x8000  }
0xae4: {  	s30 =	sand.u32 $0x6000, s19;
	s21 =	sand.u32 $0x380, s19;
	[sflag:s15] =	ssyncset.done $0x0  }
0xae5: {  	s20 =	sor.u32 s21, s30;
	[sflag:s15] =	ssyncadd.s32 $0xFFFF8000  }
0xae6: {  	v0 =	vld [tilespmem:s20+$0x8000];
	_ =	sdelay $0x1  }
0xae7: {  	v1 =	vld [tilespmem:s20+$0x8010];
	_ =	sdelay $0x1  }
0xae8: {  	v2 =	vld [tilespmem:s20+$0x8020]  }
0xae9: {  	v0 =	vadd.f32 $0.0e+00, v0  }
0xaea: {  	v3 =	vld [tilespmem:s20+$0x8030]  }
0xaeb: {  	v0 =	vadd.f32 v1, v0  }
0xaec: {  	v1 =	vld [tilespmem:s20+$0x8040]  }
0xaed: {  	v0 =	vadd.f32 v2, v0  }
0xaee: {  	v2 =	vld [tilespmem:s20+$0x8050]  }
0xaef: {  	v0 =	vadd.f32 v3, v0  }
0xaf0: {  	v3 =	vld [tilespmem:s20+$0x8060]  }
0xaf1: {  	v0 =	vadd.f32 v1, v0  }
0xaf2: {  	v1 =	vld [tilespmem:s20+$0x8070]  }
0xaf3: {  	v0 =	vadd.f32 v2, v0  }
0xaf4: {  	v2 =	vld [tilespmem:s20+$0x8400]  }
0xaf5: {  	v0 =	vadd.f32 v3, v0  }
0xaf6: {  	v3 =	vld [tilespmem:s20+$0x8410]  }
0xaf7: {  	v0 =	vadd.f32 v1, v0  }
0xaf8: {  	v1 =	vld [tilespmem:s20+$0x8420]  }
0xaf9: {  	v0 =	vadd.f32 v2, v0  }
0xafa: {  	v2 =	vld [tilespmem:s20+$0x8430]  }
0xafb: {  	v0 =	vadd.f32 v3, v0  }
0xafc: {  	v3 =	vld [tilespmem:s20+$0x8440]  }
0xafd: {  	v0 =	vadd.f32 v1, v0  }
0xafe: {  	v1 =	vld [tilespmem:s20+$0x8450]  }
0xaff: {  	v0 =	vadd.f32 v2, v0  }
0xb00: {  	v2 =	vld [tilespmem:s20+$0x8460]  }
0xb01: {  	v0 =	vadd.f32 v3, v0  }
0xb02: {  	v3 =	vld [tilespmem:s20+$0x8470]  }
0xb03: {  	v0 =	vadd.f32 v1, v0  }
0xb04: {  	v1 =	vld [tilespmem:s20+$0x8800]  }
0xb05: {  	v0 =	vadd.f32 v2, v0  }
0xb06: {  	v2 =	vld [tilespmem:s20+$0x8810]  }
0xb07: {  	v0 =	vadd.f32 v3, v0  }
0xb08: {  	v3 =	vld [tilespmem:s20+$0x8820]  }
0xb09: {  	v0 =	vadd.f32 v1, v0  }
0xb0a: {  	v1 =	vld [tilespmem:s20+$0x8830]  }
0xb0b: {  	v0 =	vadd.f32 v2, v0  }
0xb0c: {  	v2 =	vld [tilespmem:s20+$0x8840]  }
0xb0d: {  	v0 =	vadd.f32 v3, v0  }
0xb0e: {  	v3 =	vld [tilespmem:s20+$0x8850]  }
0xb0f: {  	v0 =	vadd.f32 v1, v0  }
0xb10: {  	v1 =	vld [tilespmem:s20+$0x8860]  }
0xb11: {  	v0 =	vadd.f32 v2, v0  }
0xb12: {  	v2 =	vld [tilespmem:s20+$0x8870]  }
0xb13: {  	v0 =	vadd.f32 v3, v0  }
0xb14: {  	v3 =	vld [tilespmem:s20+$0x8C00]  }
0xb15: {  	v0 =	vadd.f32 v1, v0  }
0xb16: {  	v1 =	vld [tilespmem:s20+$0x8C10]  }
0xb17: {  	v0 =	vadd.f32 v2, v0  }
0xb18: {  	v2 =	vld [tilespmem:s20+$0x8C20]  }
0xb19: {  	v0 =	vadd.f32 v3, v0  }
0xb1a: {  	v3 =	vld [tilespmem:s20+$0x8C30]  }
0xb1b: {  	v0 =	vadd.f32 v1, v0  }
0xb1c: {  	v1 =	vld [tilespmem:s20+$0x8C40]  }
0xb1d: {  	v0 =	vadd.f32 v2, v0  }
0xb1e: {  	v2 =	vld [tilespmem:s20+$0x8C50]  }
0xb1f: {  	v0 =	vadd.f32 v3, v0  }
0xb20: {  	v3 =	vld [tilespmem:s20+$0x8C60]  }
0xb21: {  	v0 =	vadd.f32 v1, v0  }
0xb22: {  	v1 =	vld [tilespmem:s20+$0x8C70]  }
0xb23: {  	v0 =	vadd.f32 v2, v0  }
0xb24: {  	v2 =	vld [tilespmem:s20+$0x9000]  }
0xb25: {  	v0 =	vadd.f32 v3, v0  }
0xb26: {  	v3 =	vld [tilespmem:s20+$0x9010]  }
0xb27: {  	v0 =	vadd.f32 v1, v0  }
0xb28: {  	v1 =	vld [tilespmem:s20+$0x9020]  }
0xb29: {  	v0 =	vadd.f32 v2, v0  }
0xb2a: {  	v2 =	vld [tilespmem:s20+$0x9030]  }
0xb2b: {  	v0 =	vadd.f32 v3, v0  }
0xb2c: {  	v3 =	vld [tilespmem:s20+$0x9040]  }
0xb2d: {  	v0 =	vadd.f32 v1, v0  }
0xb2e: {  	v1 =	vld [tilespmem:s20+$0x9050]  }
0xb2f: {  	v0 =	vadd.f32 v2, v0  }
0xb30: {  	v2 =	vld [tilespmem:s20+$0x9060]  }
0xb31: {  	v0 =	vadd.f32 v3, v0  }
0xb32: {  	v3 =	vld [tilespmem:s20+$0x9070]  }
0xb33: {  	v0 =	vadd.f32 v1, v0  }
0xb34: {  	v1 =	vld [tilespmem:s20+$0x9400]  }
0xb35: {  	v0 =	vadd.f32 v2, v0  }
0xb36: {  	v2 =	vld [tilespmem:s20+$0x9410]  }
0xb37: {  	v0 =	vadd.f32 v3, v0  }
0xb38: {  	v3 =	vld [tilespmem:s20+$0x9420]  }
0xb39: {  	v0 =	vadd.f32 v1, v0  }
0xb3a: {  	v1 =	vld [tilespmem:s20+$0x9430]  }
0xb3b: {  	v0 =	vadd.f32 v2, v0  }
0xb3c: {  	v2 =	vld [tilespmem:s20+$0x9440]  }
0xb3d: {  	v0 =	vadd.f32 v3, v0  }
0xb3e: {  	v3 =	vld [tilespmem:s20+$0x9450]  }
0xb3f: {  	v0 =	vadd.f32 v1, v0  }
0xb40: {  	v1 =	vld [tilespmem:s20+$0x9460]  }
0xb41: {  	v0 =	vadd.f32 v2, v0  }
0xb42: {  	v2 =	vld [tilespmem:s20+$0x9470]  }
0xb43: {  	v0 =	vadd.f32 v3, v0  }
0xb44: {  	v3 =	vld [tilespmem:s20+$0x9800]  }
0xb45: {  	v0 =	vadd.f32 v1, v0  }
0xb46: {  	v1 =	vld [tilespmem:s20+$0x9810]  }
0xb47: {  	v0 =	vadd.f32 v2, v0  }
0xb48: {  	v2 =	vld [tilespmem:s20+$0x9820]  }
0xb49: {  	v0 =	vadd.f32 v3, v0  }
0xb4a: {  	v3 =	vld [tilespmem:s20+$0x9830]  }
0xb4b: {  	v0 =	vadd.f32 v1, v0  }
0xb4c: {  	v1 =	vld [tilespmem:s20+$0x9840]  }
0xb4d: {  	v0 =	vadd.f32 v2, v0  }
0xb4e: {  	v2 =	vld [tilespmem:s20+$0x9850]  }
0xb4f: {  	v0 =	vadd.f32 v3, v0  }
0xb50: {  	v3 =	vld [tilespmem:s20+$0x9860]  }
0xb51: {  	v0 =	vadd.f32 v1, v0  }
0xb52: {  	v1 =	vld [tilespmem:s20+$0x9870]  }
0xb53: {  	v0 =	vadd.f32 v2, v0  }
0xb54: {  	v2 =	vld [tilespmem:s20+$0x9C00]  }
0xb55: {  	v0 =	vadd.f32 v3, v0  }
0xb56: {  	v3 =	vld [tilespmem:s20+$0x9C10]  }
0xb57: {  	v0 =	vadd.f32 v1, v0  }
0xb58: {  	v1 =	vld [tilespmem:s20+$0x9C20]  }
0xb59: {  	v0 =	vadd.f32 v2, v0  }
0xb5a: {  	v2 =	vld [tilespmem:s20+$0x9C30]  }
0xb5b: {  	v0 =	vadd.f32 v3, v0  }
0xb5c: {  	v3 =	vld [tilespmem:s20+$0x9C40]  }
0xb5d: {  	v0 =	vadd.f32 v1, v0  }
0xb5e: {  	v1 =	vld [tilespmem:s20+$0x9C50]  }
0xb5f: {  	v0 =	vadd.f32 v2, v0  }
0xb60: {  	v2 =	vld [tilespmem:s20+$0x9C60]  }
0xb61: {  	v0 =	vadd.f32 v3, v0  }
0xb62: {  	v3 =	vld [tilespmem:s20+$0x9C70]  }
0xb63: {  	v0 =	vadd.f32 v1, v0;
	_ =	sdelay $0x1  }
0xb64: {  	v0 =	vadd.f32 v2, v0  }
0xb65: {  	s31 =	simm.s32 $0x400  }
0xb66: {  	s22 =	sand.u32 $0x6000, s31;
	s20 =	simm.s32 $0x80;
	v0 =	vadd.f32 v3, v0  }
0xb67: {  	s24 =	sand.u32 $0x1F0, s19;
	s21 =	simm.s32 $0x800;
	s23 =	sand.u32 $0x380, s20  }
.LBB2_16:
0xb68: {  	p0 =	sne.s32 s21, $0x7C00;
	s22 =	sor.u32 s23, s22;
	[tilespmem:s24+$0x10E00] =	vst v0  }
0xb69: {  	v0 =	vld [tilespmem:s22+$0x8000];
	_ =	sdelay $0x1  }
0xb6a: {  	v1 =	vld [tilespmem:s22+$0x8010];
	_ =	sdelay $0x1  }
0xb6b: {  	v2 =	vld [tilespmem:s22+$0x8020]  }
0xb6c: {  	v0 =	vadd.f32 $0.0e+00, v0  }
0xb6d: {  	v3 =	vld [tilespmem:s22+$0x8030]  }
0xb6e: {  	v0 =	vadd.f32 v1, v0  }
0xb6f: {  	v1 =	vld [tilespmem:s22+$0x8040]  }
0xb70: {  	v0 =	vadd.f32 v2, v0  }
0xb71: {  	v2 =	vld [tilespmem:s22+$0x8050]  }
0xb72: {  	v0 =	vadd.f32 v3, v0  }
0xb73: {  	v3 =	vld [tilespmem:s22+$0x8060]  }
0xb74: {  	v0 =	vadd.f32 v1, v0  }
0xb75: {  	v1 =	vld [tilespmem:s22+$0x8070]  }
0xb76: {  	v0 =	vadd.f32 v2, v0  }
0xb77: {  	v2 =	vld [tilespmem:s22+$0x8400]  }
0xb78: {  	v0 =	vadd.f32 v3, v0  }
0xb79: {  	v3 =	vld [tilespmem:s22+$0x8410]  }
0xb7a: {  	v0 =	vadd.f32 v1, v0  }
0xb7b: {  	v1 =	vld [tilespmem:s22+$0x8420]  }
0xb7c: {  	v0 =	vadd.f32 v2, v0  }
0xb7d: {  	v2 =	vld [tilespmem:s22+$0x8430]  }
0xb7e: {  	v0 =	vadd.f32 v3, v0  }
0xb7f: {  	v3 =	vld [tilespmem:s22+$0x8440]  }
0xb80: {  	v0 =	vadd.f32 v1, v0  }
0xb81: {  	v1 =	vld [tilespmem:s22+$0x8450]  }
0xb82: {  	v0 =	vadd.f32 v2, v0  }
0xb83: {  	v2 =	vld [tilespmem:s22+$0x8460]  }
0xb84: {  	v0 =	vadd.f32 v3, v0  }
0xb85: {  	v3 =	vld [tilespmem:s22+$0x8470]  }
0xb86: {  	v0 =	vadd.f32 v1, v0  }
0xb87: {  	v1 =	vld [tilespmem:s22+$0x8800]  }
0xb88: {  	v0 =	vadd.f32 v2, v0  }
0xb89: {  	v2 =	vld [tilespmem:s22+$0x8810]  }
0xb8a: {  	v0 =	vadd.f32 v3, v0  }
0xb8b: {  	v3 =	vld [tilespmem:s22+$0x8820]  }
0xb8c: {  	v0 =	vadd.f32 v1, v0  }
0xb8d: {  	v1 =	vld [tilespmem:s22+$0x8830]  }
0xb8e: {  	v0 =	vadd.f32 v2, v0  }
0xb8f: {  	v2 =	vld [tilespmem:s22+$0x8840]  }
0xb90: {  	v0 =	vadd.f32 v3, v0  }
0xb91: {  	v3 =	vld [tilespmem:s22+$0x8850]  }
0xb92: {  	v0 =	vadd.f32 v1, v0  }
0xb93: {  	v1 =	vld [tilespmem:s22+$0x8860]  }
0xb94: {  	v0 =	vadd.f32 v2, v0  }
0xb95: {  	v2 =	vld [tilespmem:s22+$0x8870]  }
0xb96: {  	v0 =	vadd.f32 v3, v0  }
0xb97: {  	v3 =	vld [tilespmem:s22+$0x8C00]  }
0xb98: {  	v0 =	vadd.f32 v1, v0  }
0xb99: {  	v1 =	vld [tilespmem:s22+$0x8C10]  }
0xb9a: {  	v0 =	vadd.f32 v2, v0  }
0xb9b: {  	v2 =	vld [tilespmem:s22+$0x8C20]  }
0xb9c: {  	v0 =	vadd.f32 v3, v0  }
0xb9d: {  	v3 =	vld [tilespmem:s22+$0x8C30]  }
0xb9e: {  	v0 =	vadd.f32 v1, v0  }
0xb9f: {  	v1 =	vld [tilespmem:s22+$0x8C40]  }
0xba0: {  	v0 =	vadd.f32 v2, v0  }
0xba1: {  	v2 =	vld [tilespmem:s22+$0x8C50]  }
0xba2: {  	v0 =	vadd.f32 v3, v0  }
0xba3: {  	v3 =	vld [tilespmem:s22+$0x8C60]  }
0xba4: {  	v0 =	vadd.f32 v1, v0  }
0xba5: {  	v1 =	vld [tilespmem:s22+$0x8C70]  }
0xba6: {  	v0 =	vadd.f32 v2, v0  }
0xba7: {  	v2 =	vld [tilespmem:s22+$0x9000]  }
0xba8: {  	v0 =	vadd.f32 v3, v0  }
0xba9: {  	v3 =	vld [tilespmem:s22+$0x9010]  }
0xbaa: {  	v0 =	vadd.f32 v1, v0  }
0xbab: {  	v1 =	vld [tilespmem:s22+$0x9020]  }
0xbac: {  	v0 =	vadd.f32 v2, v0  }
0xbad: {  	v2 =	vld [tilespmem:s22+$0x9030]  }
0xbae: {  	v0 =	vadd.f32 v3, v0  }
0xbaf: {  	v3 =	vld [tilespmem:s22+$0x9040]  }
0xbb0: {  	v0 =	vadd.f32 v1, v0  }
0xbb1: {  	v1 =	vld [tilespmem:s22+$0x9050]  }
0xbb2: {  	v0 =	vadd.f32 v2, v0  }
0xbb3: {  	v2 =	vld [tilespmem:s22+$0x9060]  }
0xbb4: {  	v0 =	vadd.f32 v3, v0  }
0xbb5: {  	v3 =	vld [tilespmem:s22+$0x9070]  }
0xbb6: {  	v0 =	vadd.f32 v1, v0  }
0xbb7: {  	v1 =	vld [tilespmem:s22+$0x9400]  }
0xbb8: {  	v0 =	vadd.f32 v2, v0  }
0xbb9: {  	v2 =	vld [tilespmem:s22+$0x9410]  }
0xbba: {  	v0 =	vadd.f32 v3, v0  }
0xbbb: {  	v3 =	vld [tilespmem:s22+$0x9420]  }
0xbbc: {  	v0 =	vadd.f32 v1, v0  }
0xbbd: {  	v1 =	vld [tilespmem:s22+$0x9430]  }
0xbbe: {  	v0 =	vadd.f32 v2, v0  }
0xbbf: {  	v2 =	vld [tilespmem:s22+$0x9440]  }
0xbc0: {  	v0 =	vadd.f32 v3, v0  }
0xbc1: {  	v3 =	vld [tilespmem:s22+$0x9450]  }
0xbc2: {  	v0 =	vadd.f32 v1, v0  }
0xbc3: {  	v1 =	vld [tilespmem:s22+$0x9460]  }
0xbc4: {  	v0 =	vadd.f32 v2, v0  }
0xbc5: {  	v2 =	vld [tilespmem:s22+$0x9470]  }
0xbc6: {  	v0 =	vadd.f32 v3, v0  }
0xbc7: {  	v3 =	vld [tilespmem:s22+$0x9800]  }
0xbc8: {  	v0 =	vadd.f32 v1, v0  }
0xbc9: {  	v1 =	vld [tilespmem:s22+$0x9810]  }
0xbca: {  	v0 =	vadd.f32 v2, v0  }
0xbcb: {  	v2 =	vld [tilespmem:s22+$0x9820]  }
0xbcc: {  	v0 =	vadd.f32 v3, v0  }
0xbcd: {  	v3 =	vld [tilespmem:s22+$0x9830]  }
0xbce: {  	v0 =	vadd.f32 v1, v0  }
0xbcf: {  	v1 =	vld [tilespmem:s22+$0x9840]  }
0xbd0: {  	v0 =	vadd.f32 v2, v0  }
0xbd1: {  	v2 =	vld [tilespmem:s22+$0x9850]  }
0xbd2: {  	v0 =	vadd.f32 v3, v0  }
0xbd3: {  	v3 =	vld [tilespmem:s22+$0x9860]  }
0xbd4: {  	v0 =	vadd.f32 v1, v0  }
0xbd5: {  	v1 =	vld [tilespmem:s22+$0x9870]  }
0xbd6: {  	v0 =	vadd.f32 v2, v0  }
0xbd7: {  	v2 =	vld [tilespmem:s22+$0x9C00]  }
0xbd8: {  	v0 =	vadd.f32 v3, v0  }
0xbd9: {  	v3 =	vld [tilespmem:s22+$0x9C10]  }
0xbda: {  	v0 =	vadd.f32 v1, v0  }
0xbdb: {  	v1 =	vld [tilespmem:s22+$0x9C20]  }
0xbdc: {  	v0 =	vadd.f32 v2, v0  }
0xbdd: {  	v2 =	vld [tilespmem:s22+$0x9C30]  }
0xbde: {  	v0 =	vadd.f32 v3, v0  }
0xbdf: {  	v3 =	vld [tilespmem:s22+$0x9C40]  }
0xbe0: {  	v0 =	vadd.f32 v1, v0  }
0xbe1: {  	v1 =	vld [tilespmem:s22+$0x9C50]  }
0xbe2: {  	v0 =	vadd.f32 v2, v0  }
0xbe3: {  	v2 =	vld [tilespmem:s22+$0x9C60]  }
0xbe4: {  	v0 =	vadd.f32 v3, v0  }
0xbe5: {  	v3 =	vld [tilespmem:s22+$0x9C70]  }
0xbe6: {  	v0 =	vadd.f32 v1, v0  }
.Ltmp7:
0xbe7: {  	(pc) =	sbr.rel @p0 .LBB2_16-.Ltmp7, $3  }
0xbe8: {  	v0 =	vadd.f32 v2, v0;
	_ =	sdelay $0x1  }
0xbe9: {  	s20 =	sadd.s32 $0x80, s20;
	s19 =	sadd.s32 $0x10, s19;
	s22 =	sand.u32 $0x6000, s21;
	v0 =	vadd.f32 v3, v0  }
0xbea: {  	s23 =	sand.u32 $0x380, s20;
	s24 =	sand.u32 $0x1F0, s19;
	s21 =	sadd.s32 $0x400, s21  }
0xbeb: {  	s20 =	sor.u32 s23, s22;
	[tilespmem:s24+$0x10E00] =	vst v0  }
0xbec: {  	v0 =	vld [tilespmem:s20+$0x8000];
	_ =	sdelay $0x1  }
0xbed: {  	v1 =	vld [tilespmem:s20+$0x8010];
	_ =	sdelay $0x1  }
0xbee: {  	v2 =	vld [tilespmem:s20+$0x8020]  }
0xbef: {  	v0 =	vadd.f32 $0.0e+00, v0  }
0xbf0: {  	v3 =	vld [tilespmem:s20+$0x8030]  }
0xbf1: {  	v0 =	vadd.f32 v1, v0  }
0xbf2: {  	v62 =	vld [tilespmem:s20+$0x8040]  }
0xbf3: {  	v0 =	vadd.f32 v2, v0  }
0xbf4: {  	v63 =	vld [tilespmem:s20+$0x8050]  }
0xbf5: {  	v0 =	vadd.f32 v3, v0  }
0xbf6: {  	v6 =	vld [tilespmem:s20+$0x8060]  }
0xbf7: {  	v0 =	vadd.f32 v62, v0  }
0xbf8: {  	v7 =	vld [tilespmem:s20+$0x8070]  }
0xbf9: {  	v0 =	vadd.f32 v63, v0  }
0xbfa: {  	v8 =	vld [tilespmem:s20+$0x8400]  }
0xbfb: {  	v0 =	vadd.f32 v6, v0  }
0xbfc: {  	v9 =	vld [tilespmem:s20+$0x8410]  }
0xbfd: {  	v0 =	vadd.f32 v7, v0  }
0xbfe: {  	v10 =	vld [tilespmem:s20+$0x8420]  }
0xbff: {  	v0 =	vadd.f32 v8, v0  }
0xc00: {  	v11 =	vld [tilespmem:s20+$0x8430]  }
0xc01: {  	v0 =	vadd.f32 v9, v0  }
0xc02: {  	v12 =	vld [tilespmem:s20+$0x8440]  }
0xc03: {  	v0 =	vadd.f32 v10, v0  }
0xc04: {  	v13 =	vld [tilespmem:s20+$0x8450]  }
0xc05: {  	v0 =	vadd.f32 v11, v0  }
0xc06: {  	v14 =	vld [tilespmem:s20+$0x8460]  }
0xc07: {  	v0 =	vadd.f32 v12, v0  }
0xc08: {  	v15 =	vld [tilespmem:s20+$0x8470]  }
0xc09: {  	v0 =	vadd.f32 v13, v0  }
0xc0a: {  	v16 =	vld [tilespmem:s20+$0x8800]  }
0xc0b: {  	v0 =	vadd.f32 v14, v0  }
0xc0c: {  	v17 =	vld [tilespmem:s20+$0x8810]  }
0xc0d: {  	v0 =	vadd.f32 v15, v0  }
0xc0e: {  	v18 =	vld [tilespmem:s20+$0x8820]  }
0xc0f: {  	v0 =	vadd.f32 v16, v0  }
0xc10: {  	v19 =	vld [tilespmem:s20+$0x8830]  }
0xc11: {  	v0 =	vadd.f32 v17, v0  }
0xc12: {  	v20 =	vld [tilespmem:s20+$0x8840]  }
0xc13: {  	v0 =	vadd.f32 v18, v0  }
0xc14: {  	v21 =	vld [tilespmem:s20+$0x8850]  }
0xc15: {  	v0 =	vadd.f32 v19, v0  }
0xc16: {  	v22 =	vld [tilespmem:s20+$0x8860]  }
0xc17: {  	v0 =	vadd.f32 v20, v0  }
0xc18: {  	v23 =	vld [tilespmem:s20+$0x8870]  }
0xc19: {  	v0 =	vadd.f32 v21, v0  }
0xc1a: {  	v24 =	vld [tilespmem:s20+$0x8C00]  }
0xc1b: {  	v0 =	vadd.f32 v22, v0  }
0xc1c: {  	v25 =	vld [tilespmem:s20+$0x8C10]  }
0xc1d: {  	v0 =	vadd.f32 v23, v0  }
0xc1e: {  	v26 =	vld [tilespmem:s20+$0x8C20]  }
0xc1f: {  	v0 =	vadd.f32 v24, v0  }
0xc20: {  	v27 =	vld [tilespmem:s20+$0x8C30]  }
0xc21: {  	v0 =	vadd.f32 v25, v0  }
0xc22: {  	v28 =	vld [tilespmem:s20+$0x8C40]  }
0xc23: {  	v0 =	vadd.f32 v26, v0  }
0xc24: {  	v29 =	vld [tilespmem:s20+$0x8C50]  }
0xc25: {  	v0 =	vadd.f32 v27, v0  }
0xc26: {  	v30 =	vld [tilespmem:s20+$0x8C60]  }
0xc27: {  	v0 =	vadd.f32 v28, v0  }
0xc28: {  	v31 =	vld [tilespmem:s20+$0x8C70]  }
0xc29: {  	v0 =	vadd.f32 v29, v0  }
0xc2a: {  	v32 =	vld [tilespmem:s20+$0x9000]  }
0xc2b: {  	v0 =	vadd.f32 v30, v0  }
0xc2c: {  	v33 =	vld [tilespmem:s20+$0x9010]  }
0xc2d: {  	v0 =	vadd.f32 v31, v0  }
0xc2e: {  	v34 =	vld [tilespmem:s20+$0x9020]  }
0xc2f: {  	v0 =	vadd.f32 v32, v0  }
0xc30: {  	v35 =	vld [tilespmem:s20+$0x9030]  }
0xc31: {  	v0 =	vadd.f32 v33, v0  }
0xc32: {  	v36 =	vld [tilespmem:s20+$0x9040]  }
0xc33: {  	v0 =	vadd.f32 v34, v0  }
0xc34: {  	v37 =	vld [tilespmem:s20+$0x9050]  }
0xc35: {  	v0 =	vadd.f32 v35, v0  }
0xc36: {  	v38 =	vld [tilespmem:s20+$0x9060]  }
0xc37: {  	v0 =	vadd.f32 v36, v0  }
0xc38: {  	v39 =	vld [tilespmem:s20+$0x9070]  }
0xc39: {  	v0 =	vadd.f32 v37, v0  }
0xc3a: {  	v40 =	vld [tilespmem:s20+$0x9400]  }
0xc3b: {  	v0 =	vadd.f32 v38, v0  }
0xc3c: {  	v41 =	vld [tilespmem:s20+$0x9410]  }
0xc3d: {  	v0 =	vadd.f32 v39, v0  }
0xc3e: {  	v42 =	vld [tilespmem:s20+$0x9420]  }
0xc3f: {  	v0 =	vadd.f32 v40, v0  }
0xc40: {  	v43 =	vld [tilespmem:s20+$0x9430]  }
0xc41: {  	v0 =	vadd.f32 v41, v0  }
0xc42: {  	v44 =	vld [tilespmem:s20+$0x9440]  }
0xc43: {  	v0 =	vadd.f32 v42, v0  }
0xc44: {  	v45 =	vld [tilespmem:s20+$0x9450]  }
0xc45: {  	v0 =	vadd.f32 v43, v0  }
0xc46: {  	v46 =	vld [tilespmem:s20+$0x9460]  }
0xc47: {  	v0 =	vadd.f32 v44, v0  }
0xc48: {  	v47 =	vld [tilespmem:s20+$0x9470]  }
0xc49: {  	v0 =	vadd.f32 v45, v0  }
0xc4a: {  	v48 =	vld [tilespmem:s20+$0x9800]  }
0xc4b: {  	v0 =	vadd.f32 v46, v0  }
0xc4c: {  	v49 =	vld [tilespmem:s20+$0x9810]  }
0xc4d: {  	v0 =	vadd.f32 v47, v0  }
0xc4e: {  	v50 =	vld [tilespmem:s20+$0x9820]  }
0xc4f: {  	v0 =	vadd.f32 v48, v0  }
0xc50: {  	v51 =	vld [tilespmem:s20+$0x9830]  }
0xc51: {  	v0 =	vadd.f32 v49, v0  }
0xc52: {  	v52 =	vld [tilespmem:s20+$0x9840]  }
0xc53: {  	v0 =	vadd.f32 v50, v0  }
0xc54: {  	v53 =	vld [tilespmem:s20+$0x9850]  }
0xc55: {  	v0 =	vadd.f32 v51, v0  }
0xc56: {  	v54 =	vld [tilespmem:s20+$0x9860]  }
0xc57: {  	v0 =	vadd.f32 v52, v0  }
0xc58: {  	v55 =	vld [tilespmem:s20+$0x9870]  }
0xc59: {  	v0 =	vadd.f32 v53, v0  }
0xc5a: {  	v56 =	vld [tilespmem:s20+$0x9C00]  }
0xc5b: {  	v0 =	vadd.f32 v54, v0  }
0xc5c: {  	v57 =	vld [tilespmem:s20+$0x9C10]  }
0xc5d: {  	v0 =	vadd.f32 v55, v0  }
0xc5e: {  	v58 =	vld [tilespmem:s20+$0x9C20]  }
0xc5f: {  	v0 =	vadd.f32 v56, v0  }
0xc60: {  	v59 =	vld [tilespmem:s20+$0x9C30]  }
0xc61: {  	v0 =	vadd.f32 v57, v0  }
0xc62: {  	v60 =	vld [tilespmem:s20+$0x9C40]  }
0xc63: {  	v0 =	vadd.f32 v58, v0  }
0xc64: {  	v61 =	vld [tilespmem:s20+$0x9C50]  }
0xc65: {  	v0 =	vadd.f32 v59, v0  }
0xc66: {  	v62 =	vld [tilespmem:s20+$0x9C60]  }
0xc67: {  	v0 =	vadd.f32 v60, v0  }
0xc68: {  	v63 =	vld [tilespmem:s20+$0x9C70]  }
0xc69: {  	v0 =	vadd.f32 v61, v0;
	_ =	sdelay $0x1  }
0xc6a: {  	v0 =	vadd.f32 v62, v0;
	_ =	sdelay $0x1  }
0xc6b: {  	s19 =	sadd.s32 $0x10, s19;
	s18 =	sadd.s32 $0x1, s18;
	v0 =	vadd.f32 v63, v0  }
0xc6c: {  	s19 =	sand.u32 $0x1F0, s19;
	p0 =	sne.s32 s18, s12  }
.Ltmp8:
0xc6d: {  	[tilespmem:s19+$0x10E00] =	vst v0;
	(pc) =	sbr.rel @p0 .LBB2_1-.Ltmp8, $4  }
0xc6e: {  	[hbm4b:s11+s2] =	stream.linear.scatter [tilespmem:s16], [sflag:$0x3], $0x1000, $0x38;
	[tilespmem:$0x11000] =	vst v63  }
0xc6f: {  	_ =	swait.ge [sflag:s17], $0x1000  }
0xc70: {  	[sflag:s17] =	ssyncset.done $0x0  }
0xc71: {  	[sflag:s17] =	ssyncadd.s32 $0xFFFFF000  }
0xc72: {  	_ =	sfence.sel $0x180000  }
0xc73: {  	[bflag:$0x0] =	sbarrier.arrive $0xFFFF  }
0xc74: {  	p0 =	sne.s32 s0, $0x0;
	_ =	strace $0x90000047  }
0xc75: {  	s0 =	sadd.s32 @!p0 $0x100000, s1;
	[bflag:$0x2] =	sbarrier.arrive $0xFFFF  }
0xc76: {  	[sflag:s0] =	ssyncadd.tile.s32 @!p0 $0x1;
	_ =	shalt  }
.Lfunc_end2:
_tile_overlayer_lowered:
.L_overlay_start_2:
0xc77: {  	(tag) =	ssettag $0x2  }
0xc78: {  	s0 =	rddreg [dreg:$0x0];
	s2 =	stileid.u32  }
0xc79: {  	s1 =	rddreg [dreg:$0x1];
	p0 =	sne.s32 s2, $0x0  }
0xc7a: {  	s3 =	rddreg [dreg:$0x2];
	[bflag:$0x3] =	sbarrier.arrive $0xFFFF;
	s2 =	simm.s32 @!p0 $0x1C03  }
0xc7b: {  	[timem:s3], [sflag:s2] =	dma.local @!p0 [hbm:s0], s1  }
0xc7c: {  	s0 =	simm.s32 @!p0 $0x3  }
0xc7d: {  	_ =	swait.ge @!p0 [sflag:s0], s1  }
0xc7e: {  	s1 =	ssub.s32 @!p0 $0x0, s1;
	[sflag:s0] =	ssyncset.done @!p0 $0x0  }
0xc7f: {  	[sflag:s0] =	ssyncadd.s32 @!p0 s1  }
0xc80: {  	[bflag:$0x3] =	sbarrier.arrive $0xFFFF  }
0xc81: {  	_ =	shalt  }

</sc_bundles>
